<compile_context>
chip_gen: v7x
topology: tpu7x:2x2x1
jax: 0.10.2.dev20260603
libtpu: 0.0.44.dev20260713+nightly
codegen_flags: <defaults>
</compile_context>

<pallas_src>
import functools
import jax
import jax.numpy as jnp
from jax import lax
from jax.experimental import pallas as pl
from jax.experimental.pallas import tpu as pltpu
from jax.experimental.pallas import tpu_sc as plsc

NC = 2
NS = 16
NW = NC * NS
NBLK = 16


def _lane_min(v):
    lanes = lax.iota(jnp.int32, 16)
    for sh in (8, 4, 2, 1):
        idx = lanes ^ sh
        v = jnp.minimum(v, v.at[idx].get(mode="promise_in_bounds"))
    return v[0]


def _one_direction(full_v, slice_v, n_slice, m_full):
    inf = jnp.float32(3.0e38)

    def outer(ib, tot):
        n0 = ib * NBLK
        xv = slice_v[0, pl.ds(n0, NBLK)]
        yv = slice_v[1, pl.ds(n0, NBLK)]
        zv = slice_v[2, pl.ds(n0, NBLK)]
        qv = slice_v[3, pl.ds(n0, NBLK)]
        xs = [xv[j] for j in range(NBLK)]
        ys = [yv[j] for j in range(NBLK)]
        zs = [zv[j] for j in range(NBLK)]
        qs = [qv[j] for j in range(NBLK)]

        def inner(mi, accs):
            base = mi * 16
            tx = full_v[0, pl.ds(base, 16)]
            ty = full_v[1, pl.ds(base, 16)]
            tz = full_v[2, pl.ds(base, 16)]
            tq = full_v[3, pl.ds(base, 16)]
            new = []
            for j in range(NBLK):
                e = tq + xs[j] * tx + ys[j] * ty + zs[j] * tz
                new.append(jnp.minimum(accs[j], e))
            return tuple(new)

        accs = lax.fori_loop(
            0, m_full // 16, inner, tuple(jnp.full((16,), inf) for _ in range(NBLK))
        )
        for j in range(NBLK):
            tot = tot + jnp.maximum(_lane_min(accs[j]) + qs[j], 0.0)
        return tot

    return lax.fori_loop(0, n_slice // NBLK, outer, jnp.float32(0.0))


def make_sc_chamfer(B, N, M):
    n_sl = N // 4
    m_sl = M // 4
    mesh = plsc.VectorSubcoreMesh(core_axis_name="c", subcore_axis_name="s")

    @functools.partial(
        pl.kernel,
        mesh=mesh,
        out_type=jax.ShapeDtypeStruct((NW, 16), jnp.float32),
        scratch_types=[
            pltpu.VMEM((4, M), jnp.float32),
            pltpu.VMEM((4, n_sl), jnp.float32),
            pltpu.VMEM((16,), jnp.float32),
        ],
    )
    def k(srcA, tgtA, out_hbm, full_v, slice_v, out_v):
        c = lax.axis_index("c")
        s = lax.axis_index("s")
        wid = s * NC + c
        b = wid // 4
        sl = wid % 4

        pltpu.sync_copy(tgtA.at[b], full_v)
        pltpu.sync_copy(srcA.at[b, :, pl.ds(sl * n_sl, n_sl)], slice_v)
        sum_a = _one_direction(full_v, slice_v, n_sl, M)

        pltpu.sync_copy(srcA.at[b], full_v)
        pltpu.sync_copy(tgtA.at[b, :, pl.ds(sl * m_sl, m_sl)], slice_v)
        sum_b = _one_direction(full_v, slice_v, m_sl, N)

        total = (sum_a * jnp.float32(1.0 / N) + sum_b * jnp.float32(1.0 / M)) * jnp.float32(1.0 / B)
        out_v[...] = jnp.full((16,), total * jnp.float32(1.0 / 16.0))
        pltpu.sync_copy(out_v, out_hbm.at[wid])

    return k


@jax.jit
def kernel(src_points, tgt_points):
    B, N, D = src_points.shape
    M = tgt_points.shape[1]

    sq_s = jnp.sum(src_points * src_points, axis=-1)
    sq_t = jnp.sum(tgt_points * tgt_points, axis=-1)
    srcT = jnp.transpose(src_points, (0, 2, 1))
    tgtT = jnp.transpose(tgt_points, (0, 2, 1))
    srcA = jnp.concatenate([-2.0 * srcT, sq_s[:, None, :]], axis=1)
    tgtA = jnp.concatenate([tgtT, sq_t[:, None, :]], axis=1)

    out = make_sc_chamfer(B, N, M)(srcA, tgtA)
    return jnp.sum(out)

# --- scband reference (transcript-rebuilt; emitter-appended) ---
"""Pipeline reference for scband-batched-chamfer-loss-20486994002018 (READ-ONLY COPY).

The authoritative reference and input builder live on the scoring server;
editing this copy changes nothing except your own understanding.
"""

import jax, jax.numpy as jnp
import numpy as np


def setup_inputs(seed: int = 0) -> dict:
    key = jax.random.key(seed)
    k1, k2 = jax.random.split(key)
    src_points = jax.random.normal(k1, (8, 2048, 3), dtype=jnp.float32)
    tgt_points = jax.random.normal(k2, (8, 2048, 3), dtype=jnp.float32)
    return {"src_points": src_points, "tgt_points": tgt_points}


def reference(src_points, tgt_points):
    # Batched Chamfer distance, reduction='mean'.
    # Squared pairwise distances via the |s|^2 + |t|^2 - 2 s.t expansion
    # (avoids materializing the [B, N, M, 3] broadcasted difference).
    sq_s = jnp.sum(src_points * src_points, axis=-1)  # [B, N]
    sq_t = jnp.sum(tgt_points * tgt_points, axis=-1)  # [B, M]
    dots = jnp.einsum('bnd,bmd->bnm', src_points, tgt_points)  # [B, N, M]
    d2 = sq_s[:, :, None] + sq_t[:, None, :] - 2.0 * dots      # [B, N, M]
    d2 = jnp.maximum(d2, 0.0)
    # Nearest-neighbor (1-NN) min reductions in both directions
    d_src_to_tgt = jnp.min(d2, axis=2)  # [B, N] min over tgt for each src point
    d_tgt_to_src = jnp.min(d2, axis=1)  # [B, M] min over src for each tgt point
    distances = jnp.mean(d_src_to_tgt, axis=1) + jnp.mean(d_tgt_to_src, axis=1)  # [B]
    # reduction == 'mean'
    return jnp.mean(distances)

if __name__ == "__main__":
    import jax
    _d = setup_inputs()
    print(jax.jit(kernel)(*tuple(_d.values())))

</pallas_src>

<mosaic_0001>
#map = affine_map<(d0, d1) -> (0, 0, 0)>
#map1 = affine_map<(d0, d1) -> (0, 0)>
module attributes {stable_mosaic.version = 14 : i64} {
  func.func @k(%arg0: i32, %arg1: i32, %arg2: memref<8x4x2048xf32, #tpu.memory_space<hbm>>, %arg3: memref<8x4x2048xf32, #tpu.memory_space<hbm>>, %arg4: memref<32x16xf32, #tpu.memory_space<hbm>>, %arg5: memref<4x2048xf32, #tpu.memory_space<vmem>>, %arg6: memref<4x512xf32, #tpu.memory_space<vmem>>, %arg7: memref<16xf32, #tpu.memory_space<vmem>>) attributes {dimension_semantics = [#tpu.dimension_semantics<core_parallel>, #tpu.dimension_semantics<subcore_parallel>], iteration_bounds = array<i64: 2, 16>, scalar_prefetch = 0 : i64, scratch_operands = 3 : i64, tpu.core_type = #tpu.core_type<sc_vector_subcore>, window_params = [{transform_indices = #map}, {transform_indices = #map}, {transform_indices = #map1}]} {
    %mul3A = arith.constant 2 : i32
    %mul3A_0 = arith.muli %arg1, %mul3A : i32
    %add3A = arith.addi %mul3A_0, %arg0 : i32
    %jit3A = arith.constant 4 : i32
    %div3A = arith.divsi %add3A, %jit3A : i32
    %sign3A = arith.constant 0 : i32
    %sign3A_1 = arith.cmpi sgt, %add3A, %sign3A : i32
    %sign3A_2 = arith.extui %sign3A_1 : i1 to i32
    %sign3A_3 = arith.constant 0 : i32
    %sign3A_4 = arith.cmpi slt, %add3A, %sign3A_3 : i32
    %sign3A_5 = arith.extui %sign3A_4 : i1 to i32
    %sign3A_6 = arith.subi %sign3A_2, %sign3A_5 : i32
    %sign3A_7 = arith.constant 0 : i32
    %sign3A_8 = arith.cmpi sgt, %jit3A, %sign3A_7 : i32
    %sign3A_9 = arith.extui %sign3A_8 : i1 to i32
    %sign3A_10 = arith.constant 0 : i32
    %sign3A_11 = arith.cmpi slt, %jit3A, %sign3A_10 : i32
    %sign3A_12 = arith.extui %sign3A_11 : i1 to i32
    %sign3A_13 = arith.subi %sign3A_9, %sign3A_12 : i32
    %ne3A = arith.cmpi ne, %sign3A_6, %sign3A_13 : i32
    %rem3A = arith.remsi %add3A, %jit3A : i32
    %ne3A_14 = arith.constant 0 : i32
    %ne3A_15 = arith.cmpi ne, %rem3A, %ne3A_14 : i32
    %and3A = arith.andi %ne3A, %ne3A_15 : i1
    %sub3A = arith.constant 1 : i32
    %sub3A_16 = arith.subi %div3A, %sub3A : i32
    %select_n3A = arith.select %and3A, %sub3A_16, %div3A : i32
    %jit3A_17 = arith.constant 4 : i32
    %eq3A = arith.constant 0 : i32
    %eq3A_18 = arith.cmpi eq, %jit3A_17, %eq3A : i32
    %jit3A_19 = arith.constant 1 : i32
    %select_n3A_20 = arith.select %eq3A_18, %jit3A_19, %jit3A_17 : i32
    %rem3A_21 = arith.remsi %add3A, %select_n3A_20 : i32
    %ne3A_22 = arith.constant 0 : i32
    %ne3A_23 = arith.cmpi ne, %rem3A_21, %ne3A_22 : i32
    %lt3A = arith.constant 0 : i32
    %lt3A_24 = arith.cmpi slt, %rem3A_21, %lt3A : i32
    %lt3A_25 = arith.constant 0 : i32
    %lt3A_26 = arith.cmpi slt, %select_n3A_20, %lt3A_25 : i32
    %ne3A_27 = arith.xori %lt3A_24, %lt3A_26 : i1
    %and3A_28 = arith.andi %ne3A_27, %ne3A_23 : i1
    %add3A_29 = arith.addi %rem3A_21, %select_n3A_20 : i32
    %select_n3A_30 = arith.select %and3A_28, %add3A_29, %rem3A_21 : i32
    "tpu.region"() ({
      %run_scoped3A = tpu.sem_alloc : memref<!tpu.dma_semaphore, #tpu.memory_space<semaphore_mem>>
      %dma_start3A = arith.constant 0 : i32
      %dma_start3A_62 = arith.constant 0 : i32
      %dma_start3A_63 = tpu.memref_slice %arg3[%select_n3A, %dma_start3A, %dma_start3A_62] : memref<8x4x2048xf32, #tpu.memory_space<hbm>> -> memref<1x4x2048xf32, #tpu.memory_space<hbm>>
      %dma_start3A_64 = tpu.memref_squeeze %dma_start3A_63 : memref<1x4x2048xf32, #tpu.memory_space<hbm>> -> memref<4x2048xf32, #tpu.memory_space<hbm>>
      %dma_start3A_65 = arith.constant 0 : i32
      %dma_start3A_66 = arith.constant 0 : i32
      %dma_start3A_67 = tpu.memref_slice %arg3[%select_n3A, %dma_start3A_65, %dma_start3A_66] : memref<8x4x2048xf32, #tpu.memory_space<hbm>> -> memref<1x4x2048xf32, #tpu.memory_space<hbm>>
      %dma_start3A_68 = tpu.memref_squeeze %dma_start3A_67 : memref<1x4x2048xf32, #tpu.memory_space<hbm>> -> memref<4x2048xf32, #tpu.memory_space<hbm>>
      tpu.enqueue_dma source(%dma_start3A_68 : memref<4x2048xf32, #tpu.memory_space<hbm>>) target(%arg5 : memref<4x2048xf32, #tpu.memory_space<vmem>>) target_semaphore(%run_scoped3A : memref<!tpu.dma_semaphore, #tpu.memory_space<semaphore_mem>>)
      %dma_wait3A = arith.constant 0 : i32
      %dma_wait3A_69 = arith.constant 0 : i32
      %dma_wait3A_70 = tpu.memref_slice %arg3[%select_n3A, %dma_wait3A, %dma_wait3A_69] : memref<8x4x2048xf32, #tpu.memory_space<hbm>> -> memref<1x4x2048xf32, #tpu.memory_space<hbm>>
      %dma_wait3A_71 = tpu.memref_squeeze %dma_wait3A_70 : memref<1x4x2048xf32, #tpu.memory_space<hbm>> -> memref<4x2048xf32, #tpu.memory_space<hbm>>
      %dma_wait3A_72 = arith.constant 0 : i32
      %dma_wait3A_73 = arith.constant 0 : i32
      %dma_wait3A_74 = tpu.memref_slice %arg3[%select_n3A, %dma_wait3A_72, %dma_wait3A_73] : memref<8x4x2048xf32, #tpu.memory_space<hbm>> -> memref<1x4x2048xf32, #tpu.memory_space<hbm>>
      %dma_wait3A_75 = tpu.memref_squeeze %dma_wait3A_74 : memref<1x4x2048xf32, #tpu.memory_space<hbm>> -> memref<4x2048xf32, #tpu.memory_space<hbm>>
      tpu.wait_dma2 semaphore(%run_scoped3A : memref<!tpu.dma_semaphore, #tpu.memory_space<semaphore_mem>>) src(%dma_wait3A_75 : memref<4x2048xf32, #tpu.memory_space<hbm>>) dst(%arg5 : memref<4x2048xf32, #tpu.memory_space<vmem>>)
      tpu.yield
    }) : () -> ()
    %mul3A_31 = arith.constant 512 : i32
    %mul3A_32 = arith.muli %select_n3A_30, %mul3A_31 : i32
    "tpu.region"() ({
      %run_scoped3A = tpu.sem_alloc : memref<!tpu.dma_semaphore, #tpu.memory_space<semaphore_mem>>
      %dma_start3A = arith.constant 0 : i32
      %dma_start3A_62 = tpu.memref_slice %arg2[%select_n3A, %dma_start3A, %mul3A_32] : memref<8x4x2048xf32, #tpu.memory_space<hbm>> -> memref<1x4x512xf32, #tpu.memory_space<hbm>>
      %dma_start3A_63 = tpu.memref_squeeze %dma_start3A_62 : memref<1x4x512xf32, #tpu.memory_space<hbm>> -> memref<4x512xf32, #tpu.memory_space<hbm>>
      %dma_start3A_64 = arith.constant 0 : i32
      %dma_start3A_65 = tpu.memref_slice %arg2[%select_n3A, %dma_start3A_64, %mul3A_32] : memref<8x4x2048xf32, #tpu.memory_space<hbm>> -> memref<1x4x512xf32, #tpu.memory_space<hbm>>
      %dma_start3A_66 = tpu.memref_squeeze %dma_start3A_65 : memref<1x4x512xf32, #tpu.memory_space<hbm>> -> memref<4x512xf32, #tpu.memory_space<hbm>>
      tpu.enqueue_dma source(%dma_start3A_66 : memref<4x512xf32, #tpu.memory_space<hbm>>) target(%arg6 : memref<4x512xf32, #tpu.memory_space<vmem>>) target_semaphore(%run_scoped3A : memref<!tpu.dma_semaphore, #tpu.memory_space<semaphore_mem>>)
      %dma_wait3A = arith.constant 0 : i32
      %dma_wait3A_67 = tpu.memref_slice %arg2[%select_n3A, %dma_wait3A, %mul3A_32] : memref<8x4x2048xf32, #tpu.memory_space<hbm>> -> memref<1x4x512xf32, #tpu.memory_space<hbm>>
      %dma_wait3A_68 = tpu.memref_squeeze %dma_wait3A_67 : memref<1x4x512xf32, #tpu.memory_space<hbm>> -> memref<4x512xf32, #tpu.memory_space<hbm>>
      %dma_wait3A_69 = arith.constant 0 : i32
      %dma_wait3A_70 = tpu.memref_slice %arg2[%select_n3A, %dma_wait3A_69, %mul3A_32] : memref<8x4x2048xf32, #tpu.memory_space<hbm>> -> memref<1x4x512xf32, #tpu.memory_space<hbm>>
      %dma_wait3A_71 = tpu.memref_squeeze %dma_wait3A_70 : memref<1x4x512xf32, #tpu.memory_space<hbm>> -> memref<4x512xf32, #tpu.memory_space<hbm>>
      tpu.wait_dma2 semaphore(%run_scoped3A : memref<!tpu.dma_semaphore, #tpu.memory_space<semaphore_mem>>) src(%dma_wait3A_71 : memref<4x512xf32, #tpu.memory_space<hbm>>) dst(%arg6 : memref<4x512xf32, #tpu.memory_space<vmem>>)
      tpu.yield
    }) : () -> ()
    %scan3A = arith.constant 3.000000e+38 : f32
    %scan3A_33 = arith.constant 0.000000e+00 : f32
    %scan3A_34 = arith.constant 0 : i32
    %scan3A_35 = arith.constant 32 : i32
    %scan3A_36 = arith.addi %scan3A_34, %scan3A_35 : i32
    %scan3A_37 = arith.constant 1 : i32
    %scan3A_38 = scf.for %scan3A_62 = %scan3A_34 to %scan3A_36 step %scan3A_37 iter_args(%scan3A_63 = %scan3A_33) -> (f32)  : i32 {
      %mul3A_64 = arith.constant 16 : i32
      %mul3A_65 = arith.muli %scan3A_62, %mul3A_64 : i32
      %get3A = arith.constant 0 : i32
      %get3A_66 = arith.index_cast %get3A : i32 to index
      %get3A_67 = arith.index_cast %mul3A_65 : i32 to index
      %get3A_68 = tpu.vector_load %arg6[%get3A_66, %get3A_67] {strides = array<i32>} : memref<4x512xf32, #tpu.memory_space<vmem>>, vector<1x16xf32>,
      %get3A_69 = vector.shape_cast %get3A_68 : vector<1x16xf32> to vector<16xf32>
      %get3A_70 = arith.constant 1 : i32
      %get3A_71 = arith.index_cast %get3A_70 : i32 to index
      %get3A_72 = arith.index_cast %mul3A_65 : i32 to index
      %get3A_73 = tpu.vector_load %arg6[%get3A_71, %get3A_72] {strides = array<i32>} : memref<4x512xf32, #tpu.memory_space<vmem>>, vector<1x16xf32>,
      %get3A_74 = vector.shape_cast %get3A_73 : vector<1x16xf32> to vector<16xf32>
      %get3A_75 = arith.constant 2 : i32
      %get3A_76 = arith.index_cast %get3A_75 : i32 to index
      %get3A_77 = arith.index_cast %mul3A_65 : i32 to index
      %get3A_78 = tpu.vector_load %arg6[%get3A_76, %get3A_77] {strides = array<i32>} : memref<4x512xf32, #tpu.memory_space<vmem>>, vector<1x16xf32>,
      %get3A_79 = vector.shape_cast %get3A_78 : vector<1x16xf32> to vector<16xf32>
      %get3A_80 = arith.constant 3 : i32
      %get3A_81 = arith.index_cast %get3A_80 : i32 to index
      %get3A_82 = arith.index_cast %mul3A_65 : i32 to index
      %get3A_83 = tpu.vector_load %arg6[%get3A_81, %get3A_82] {strides = array<i32>} : memref<4x512xf32, #tpu.memory_space<vmem>>, vector<1x16xf32>,
      %get3A_84 = vector.shape_cast %get3A_83 : vector<1x16xf32> to vector<16xf32>
      %slice3A = vector.extract_strided_slice %get3A_69 {offsets = [0], sizes = [1], strides = [1]} : vector<16xf32> to vector<1xf32>
      %squeeze3A = vector.extract %slice3A[0] : f32 from vector<1xf32>
      %slice3A_85 = vector.extract_strided_slice %get3A_69 {offsets = [1], sizes = [1], strides = [1]} : vector<16xf32> to vector<1xf32>
      %squeeze3A_86 = vector.extract %slice3A_85[0] : f32 from vector<1xf32>
      %slice3A_87 = vector.extract_strided_slice %get3A_69 {offsets = [2], sizes = [1], strides = [1]} : vector<16xf32> to vector<1xf32>
      %squeeze3A_88 = vector.extract %slice3A_87[0] : f32 from vector<1xf32>
      %slice3A_89 = vector.extract_strided_slice %get3A_69 {offsets = [3], sizes = [1], strides = [1]} : vector<16xf32> to vector<1xf32>
      %squeeze3A_90 = vector.extract %slice3A_89[0] : f32 from vector<1xf32>
      %slice3A_91 = vector.extract_strided_slice %get3A_69 {offsets = [4], sizes = [1], strides = [1]} : vector<16xf32> to vector<1xf32>
      %squeeze3A_92 = vector.extract %slice3A_91[0] : f32 from vector<1xf32>
      %slice3A_93 = vector.extract_strided_slice %get3A_69 {offsets = [5], sizes = [1], strides = [1]} : vector<16xf32> to vector<1xf32>
      %squeeze3A_94 = vector.extract %slice3A_93[0] : f32 from vector<1xf32>
      %slice3A_95 = vector.extract_strided_slice %get3A_69 {offsets = [6], sizes = [1], strides = [1]} : vector<16xf32> to vector<1xf32>
      %squeeze3A_96 = vector.extract %slice3A_95[0] : f32 from vector<1xf32>
      %slice3A_97 = vector.extract_strided_slice %get3A_69 {offsets = [7], sizes = [1], strides = [1]} : vector<16xf32> to vector<1xf32>
      %squeeze3A_98 = vector.extract %slice3A_97[0] : f32 from vector<1xf32>
      %slice3A_99 = vector.extract_strided_slice %get3A_69 {offsets = [8], sizes = [1], strides = [1]} : vector<16xf32> to vector<1xf32>
      %squeeze3A_100 = vector.extract %slice3A_99[0] : f32 from vector<1xf32>
      %slice3A_101 = vector.extract_strided_slice %get3A_69 {offsets = [9], sizes = [1], strides = [1]} : vector<16xf32> to vector<1xf32>
      %squeeze3A_102 = vector.extract %slice3A_101[0] : f32 from vector<1xf32>
      %slice3A_103 = vector.extract_strided_slice %get3A_69 {offsets = [10], sizes = [1], strides = [1]} : vector<16xf32> to vector<1xf32>
      %squeeze3A_104 = vector.extract %slice3A_103[0] : f32 from vector<1xf32>
      %slice3A_105 = vector.extract_strided_slice %get3A_69 {offsets = [11], sizes = [1], strides = [1]} : vector<16xf32> to vector<1xf32>
      %squeeze3A_106 = vector.extract %slice3A_105[0] : f32 from vector<1xf32>
      %slice3A_107 = vector.extract_strided_slice %get3A_69 {offsets = [12], sizes = [1], strides = [1]} : vector<16xf32> to vector<1xf32>
      %squeeze3A_108 = vector.extract %slice3A_107[0] : f32 from vector<1xf32>
      %slice3A_109 = vector.extract_strided_slice %get3A_69 {offsets = [13], sizes = [1], strides = [1]} : vector<16xf32> to vector<1xf32>
      %squeeze3A_110 = vector.extract %slice3A_109[0] : f32 from vector<1xf32>
      %slice3A_111 = vector.extract_strided_slice %get3A_69 {offsets = [14], sizes = [1], strides = [1]} : vector<16xf32> to vector<1xf32>
      %squeeze3A_112 = vector.extract %slice3A_111[0] : f32 from vector<1xf32>
      %slice3A_113 = vector.extract_strided_slice %get3A_69 {offsets = [15], sizes = [1], strides = [1]} : vector<16xf32> to vector<1xf32>
      %squeeze3A_114 = vector.extract %slice3A_113[0] : f32 from vector<1xf32>
      %slice3A_115 = vector.extract_strided_slice %get3A_74 {offsets = [0], sizes = [1], strides = [1]} : vector<16xf32> to vector<1xf32>
      %squeeze3A_116 = vector.extract %slice3A_115[0] : f32 from vector<1xf32>
      %slice3A_117 = vector.extract_strided_slice %get3A_74 {offsets = [1], sizes = [1], strides = [1]} : vector<16xf32> to vector<1xf32>
      %squeeze3A_118 = vector.extract %slice3A_117[0] : f32 from vector<1xf32>
      %slice3A_119 = vector.extract_strided_slice %get3A_74 {offsets = [2], sizes = [1], strides = [1]} : vector<16xf32> to vector<1xf32>
      %squeeze3A_120 = vector.extract %slice3A_119[0] : f32 from vector<1xf32>
      %slice3A_121 = vector.extract_strided_slice %get3A_74 {offsets = [3], sizes = [1], strides = [1]} : vector<16xf32> to vector<1xf32>
      %squeeze3A_122 = vector.extract %slice3A_121[0] : f32 from vector<1xf32>
      %slice3A_123 = vector.extract_strided_slice %get3A_74 {offsets = [4], sizes = [1], strides = [1]} : vector<16xf32> to vector<1xf32>
      %squeeze3A_124 = vector.extract %slice3A_123[0] : f32 from vector<1xf32>
      %slice3A_125 = vector.extract_strided_slice %get3A_74 {offsets = [5], sizes = [1], strides = [1]} : vector<16xf32> to vector<1xf32>
      %squeeze3A_126 = vector.extract %slice3A_125[0] : f32 from vector<1xf32>
      %slice3A_127 = vector.extract_strided_slice %get3A_74 {offsets = [6], sizes = [1], strides = [1]} : vector<16xf32> to vector<1xf32>
      %squeeze3A_128 = vector.extract %slice3A_127[0] : f32 from vector<1xf32>
      %slice3A_129 = vector.extract_strided_slice %get3A_74 {offsets = [7], sizes = [1], strides = [1]} : vector<16xf32> to vector<1xf32>
      %squeeze3A_130 = vector.extract %slice3A_129[0] : f32 from vector<1xf32>
      %slice3A_131 = vector.extract_strided_slice %get3A_74 {offsets = [8], sizes = [1], strides = [1]} : vector<16xf32> to vector<1xf32>
      %squeeze3A_132 = vector.extract %slice3A_131[0] : f32 from vector<1xf32>
      %slice3A_133 = vector.extract_strided_slice %get3A_74 {offsets = [9], sizes = [1], strides = [1]} : vector<16xf32> to vector<1xf32>
      %squeeze3A_134 = vector.extract %slice3A_133[0] : f32 from vector<1xf32>
      %slice3A_135 = vector.extract_strided_slice %get3A_74 {offsets = [10], sizes = [1], strides = [1]} : vector<16xf32> to vector<1xf32>
      %squeeze3A_136 = vector.extract %slice3A_135[0] : f32 from vector<1xf32>
      %slice3A_137 = vector.extract_strided_slice %get3A_74 {offsets = [11], sizes = [1], strides = [1]} : vector<16xf32> to vector<1xf32>
      %squeeze3A_138 = vector.extract %slice3A_137[0] : f32 from vector<1xf32>
      %slice3A_139 = vector.extract_strided_slice %get3A_74 {offsets = [12], sizes = [1], strides = [1]} : vector<16xf32> to vector<1xf32>
      %squeeze3A_140 = vector.extract %slice3A_139[0] : f32 from vector<1xf32>
      %slice3A_141 = vector.extract_strided_slice %get3A_74 {offsets = [13], sizes = [1], strides = [1]} : vector<16xf32> to vector<1xf32>
      %squeeze3A_142 = vector.extract %slice3A_141[0] : f32 from vector<1xf32>
      %slice3A_143 = vector.extract_strided_slice %get3A_74 {offsets = [14], sizes = [1], strides = [1]} : vector<16xf32> to vector<1xf32>
      %squeeze3A_144 = vector.extract %slice3A_143[0] : f32 from vector<1xf32>
      %slice3A_145 = vector.extract_strided_slice %get3A_74 {offsets = [15], sizes = [1], strides = [1]} : vector<16xf32> to vector<1xf32>
      %squeeze3A_146 = vector.extract %slice3A_145[0] : f32 from vector<1xf32>
      %slice3A_147 = vector.extract_strided_slice %get3A_79 {offsets = [0], sizes = [1], strides = [1]} : vector<16xf32> to vector<1xf32>
      %squeeze3A_148 = vector.extract %slice3A_147[0] : f32 from vector<1xf32>
      %slice3A_149 = vector.extract_strided_slice %get3A_79 {offsets = [1], sizes = [1], strides = [1]} : vector<16xf32> to vector<1xf32>
      %squeeze3A_150 = vector.extract %slice3A_149[0] : f32 from vector<1xf32>
      %slice3A_151 = vector.extract_strided_slice %get3A_79 {offsets = [2], sizes = [1], strides = [1]} : vector<16xf32> to vector<1xf32>
      %squeeze3A_152 = vector.extract %slice3A_151[0] : f32 from vector<1xf32>
      %slice3A_153 = vector.extract_strided_slice %get3A_79 {offsets = [3], sizes = [1], strides = [1]} : vector<16xf32> to vector<1xf32>
      %squeeze3A_154 = vector.extract %slice3A_153[0] : f32 from vector<1xf32>
      %slice3A_155 = vector.extract_strided_slice %get3A_79 {offsets = [4], sizes = [1], strides = [1]} : vector<16xf32> to vector<1xf32>
      %squeeze3A_156 = vector.extract %slice3A_155[0] : f32 from vector<1xf32>
      %slice3A_157 = vector.extract_strided_slice %get3A_79 {offsets = [5], sizes = [1], strides = [1]} : vector<16xf32> to vector<1xf32>
      %squeeze3A_158 = vector.extract %slice3A_157[0] : f32 from vector<1xf32>
      %slice3A_159 = vector.extract_strided_slice %get3A_79 {offsets = [6], sizes = [1], strides = [1]} : vector<16xf32> to vector<1xf32>
      %squeeze3A_160 = vector.extract %slice3A_159[0] : f32 from vector<1xf32>
      %slice3A_161 = vector.extract_strided_slice %get3A_79 {offsets = [7], sizes = [1], strides = [1]} : vector<16xf32> to vector<1xf32>
      %squeeze3A_162 = vector.extract %slice3A_161[0] : f32 from vector<1xf32>
      %slice3A_163 = vector.extract_strided_slice %get3A_79 {offsets = [8], sizes = [1], strides = [1]} : vector<16xf32> to vector<1xf32>
      %squeeze3A_164 = vector.extract %slice3A_163[0] : f32 from vector<1xf32>
      %slice3A_165 = vector.extract_strided_slice %get3A_79 {offsets = [9], sizes = [1], strides = [1]} : vector<16xf32> to vector<1xf32>
      %squeeze3A_166 = vector.extract %slice3A_165[0] : f32 from vector<1xf32>
      %slice3A_167 = vector.extract_strided_slice %get3A_79 {offsets = [10], sizes = [1], strides = [1]} : vector<16xf32> to vector<1xf32>
      %squeeze3A_168 = vector.extract %slice3A_167[0] : f32 from vector<1xf32>
      %slice3A_169 = vector.extract_strided_slice %get3A_79 {offsets = [11], sizes = [1], strides = [1]} : vector<16xf32> to vector<1xf32>
      %squeeze3A_170 = vector.extract %slice3A_169[0] : f32 from vector<1xf32>
      %slice3A_171 = vector.extract_strided_slice %get3A_79 {offsets = [12], sizes = [1], strides = [1]} : vector<16xf32> to vector<1xf32>
      %squeeze3A_172 = vector.extract %slice3A_171[0] : f32 from vector<1xf32>
      %slice3A_173 = vector.extract_strided_slice %get3A_79 {offsets = [13], sizes = [1], strides = [1]} : vector<16xf32> to vector<1xf32>
      %squeeze3A_174 = vector.extract %slice3A_173[0] : f32 from vector<1xf32>
      %slice3A_175 = vector.extract_strided_slice %get3A_79 {offsets = [14], sizes = [1], strides = [1]} : vector<16xf32> to vector<1xf32>
      %squeeze3A_176 = vector.extract %slice3A_175[0] : f32 from vector<1xf32>
      %slice3A_177 = vector.extract_strided_slice %get3A_79 {offsets = [15], sizes = [1], strides = [1]} : vector<16xf32> to vector<1xf32>
      %squeeze3A_178 = vector.extract %slice3A_177[0] : f32 from vector<1xf32>
      %slice3A_179 = vector.extract_strided_slice %get3A_84 {offsets = [0], sizes = [1], strides = [1]} : vector<16xf32> to vector<1xf32>
      %squeeze3A_180 = vector.extract %slice3A_179[0] : f32 from vector<1xf32>
      %slice3A_181 = vector.extract_strided_slice %get3A_84 {offsets = [1], sizes = [1], strides = [1]} : vector<16xf32> to vector<1xf32>
      %squeeze3A_182 = vector.extract %slice3A_181[0] : f32 from vector<1xf32>
      %slice3A_183 = vector.extract_strided_slice %get3A_84 {offsets = [2], sizes = [1], strides = [1]} : vector<16xf32> to vector<1xf32>
      %squeeze3A_184 = vector.extract %slice3A_183[0] : f32 from vector<1xf32>
      %slice3A_185 = vector.extract_strided_slice %get3A_84 {offsets = [3], sizes = [1], strides = [1]} : vector<16xf32> to vector<1xf32>
      %squeeze3A_186 = vector.extract %slice3A_185[0] : f32 from vector<1xf32>
      %slice3A_187 = vector.extract_strided_slice %get3A_84 {offsets = [4], sizes = [1], strides = [1]} : vector<16xf32> to vector<1xf32>
      %squeeze3A_188 = vector.extract %slice3A_187[0] : f32 from vector<1xf32>
      %slice3A_189 = vector.extract_strided_slice %get3A_84 {offsets = [5], sizes = [1], strides = [1]} : vector<16xf32> to vector<1xf32>
      %squeeze3A_190 = vector.extract %slice3A_189[0] : f32 from vector<1xf32>
      %slice3A_191 = vector.extract_strided_slice %get3A_84 {offsets = [6], sizes = [1], strides = [1]} : vector<16xf32> to vector<1xf32>
      %squeeze3A_192 = vector.extract %slice3A_191[0] : f32 from vector<1xf32>
      %slice3A_193 = vector.extract_strided_slice %get3A_84 {offsets = [7], sizes = [1], strides = [1]} : vector<16xf32> to vector<1xf32>
      %squeeze3A_194 = vector.extract %slice3A_193[0] : f32 from vector<1xf32>
      %slice3A_195 = vector.extract_strided_slice %get3A_84 {offsets = [8], sizes = [1], strides = [1]} : vector<16xf32> to vector<1xf32>
      %squeeze3A_196 = vector.extract %slice3A_195[0] : f32 from vector<1xf32>
      %slice3A_197 = vector.extract_strided_slice %get3A_84 {offsets = [9], sizes = [1], strides = [1]} : vector<16xf32> to vector<1xf32>
      %squeeze3A_198 = vector.extract %slice3A_197[0] : f32 from vector<1xf32>
      %slice3A_199 = vector.extract_strided_slice %get3A_84 {offsets = [10], sizes = [1], strides = [1]} : vector<16xf32> to vector<1xf32>
      %squeeze3A_200 = vector.extract %slice3A_199[0] : f32 from vector<1xf32>
      %slice3A_201 = vector.extract_strided_slice %get3A_84 {offsets = [11], sizes = [1], strides = [1]} : vector<16xf32> to vector<1xf32>
      %squeeze3A_202 = vector.extract %slice3A_201[0] : f32 from vector<1xf32>
      %slice3A_203 = vector.extract_strided_slice %get3A_84 {offsets = [12], sizes = [1], strides = [1]} : vector<16xf32> to vector<1xf32>
      %squeeze3A_204 = vector.extract %slice3A_203[0] : f32 from vector<1xf32>
      %slice3A_205 = vector.extract_strided_slice %get3A_84 {offsets = [13], sizes = [1], strides = [1]} : vector<16xf32> to vector<1xf32>
      %squeeze3A_206 = vector.extract %slice3A_205[0] : f32 from vector<1xf32>
      %slice3A_207 = vector.extract_strided_slice %get3A_84 {offsets = [14], sizes = [1], strides = [1]} : vector<16xf32> to vector<1xf32>
      %squeeze3A_208 = vector.extract %slice3A_207[0] : f32 from vector<1xf32>
      %slice3A_209 = vector.extract_strided_slice %get3A_84 {offsets = [15], sizes = [1], strides = [1]} : vector<16xf32> to vector<1xf32>
      %squeeze3A_210 = vector.extract %slice3A_209[0] : f32 from vector<1xf32>
      %broadcast_in_dim3A_211 = vector.broadcast %scan3A : f32 to vector<16xf32>
      %broadcast_in_dim3A_212 = vector.broadcast %scan3A : f32 to vector<16xf32>
      %broadcast_in_dim3A_213 = vector.broadcast %scan3A : f32 to vector<16xf32>
      %broadcast_in_dim3A_214 = vector.broadcast %scan3A : f32 to vector<16xf32>
      %broadcast_in_dim3A_215 = vector.broadcast %scan3A : f32 to vector<16xf32>
      %broadcast_in_dim3A_216 = vector.broadcast %scan3A : f32 to vector<16xf32>
      %broadcast_in_dim3A_217 = vector.broadcast %scan3A : f32 to vector<16xf32>
      %broadcast_in_dim3A_218 = vector.broadcast %scan3A : f32 to vector<16xf32>
      %broadcast_in_dim3A_219 = vector.broadcast %scan3A : f32 to vector<16xf32>
      %broadcast_in_dim3A_220 = vector.broadcast %scan3A : f32 to vector<16xf32>
      %broadcast_in_dim3A_221 = vector.broadcast %scan3A : f32 to vector<16xf32>
      %broadcast_in_dim3A_222 = vector.broadcast %scan3A : f32 to vector<16xf32>
      %broadcast_in_dim3A_223 = vector.broadcast %scan3A : f32 to vector<16xf32>
      %broadcast_in_dim3A_224 = vector.broadcast %scan3A : f32 to vector<16xf32>
      %broadcast_in_dim3A_225 = vector.broadcast %scan3A : f32 to vector<16xf32>
      %broadcast_in_dim3A_226 = vector.broadcast %scan3A : f32 to vector<16xf32>
      %scan3A_227 = arith.constant 0 : i32
      %scan3A_228 = arith.constant 128 : i32
      %scan3A_229 = arith.addi %scan3A_227, %scan3A_228 : i32
      %scan3A_230 = arith.constant 1 : i32
      %scan3A_231:16 = scf.for %scan3A_1236 = %scan3A_227 to %scan3A_229 step %scan3A_230 iter_args(%scan3A_1237 = %broadcast_in_dim3A_211, %scan3A_1238 = %broadcast_in_dim3A_212, %scan3A_1239 = %broadcast_in_dim3A_213, %scan3A_1240 = %broadcast_in_dim3A_214, %scan3A_1241 = %broadcast_in_dim3A_215, %scan3A_1242 = %broadcast_in_dim3A_216, %scan3A_1243 = %broadcast_in_dim3A_217, %scan3A_1244 = %broadcast_in_dim3A_218, %scan3A_1245 = %broadcast_in_dim3A_219, %scan3A_1246 = %broadcast_in_dim3A_220, %scan3A_1247 = %broadcast_in_dim3A_221, %scan3A_1248 = %broadcast_in_dim3A_222, %scan3A_1249 = %broadcast_in_dim3A_223, %scan3A_1250 = %broadcast_in_dim3A_224, %scan3A_1251 = %broadcast_in_dim3A_225, %scan3A_1252 = %broadcast_in_dim3A_226) -> (vector<16xf32>, vector<16xf32>, vector<16xf32>, vector<16xf32>, vector<16xf32>, vector<16xf32>, vector<16xf32>, vector<16xf32>, vector<16xf32>, vector<16xf32>, vector<16xf32>, vector<16xf32>, vector<16xf32>, vector<16xf32>, vector<16xf32>, vector<16xf32>)  : i32 {
        %mul3A_1253 = arith.constant 16 : i32
        %mul3A_1254 = arith.muli %scan3A_1236, %mul3A_1253 : i32
        %get3A_1255 = arith.constant 0 : i32
        %get3A_1256 = arith.index_cast %get3A_1255 : i32 to index
        %get3A_1257 = arith.index_cast %mul3A_1254 : i32 to index
        %get3A_1258 = tpu.vector_load %arg5[%get3A_1256, %get3A_1257] {strides = array<i32>} : memref<4x2048xf32, #tpu.memory_space<vmem>>, vector<1x16xf32>,
        %get3A_1259 = vector.shape_cast %get3A_1258 : vector<1x16xf32> to vector<16xf32>
        %get3A_1260 = arith.constant 1 : i32
        %get3A_1261 = arith.index_cast %get3A_1260 : i32 to index
        %get3A_1262 = arith.index_cast %mul3A_1254 : i32 to index
        %get3A_1263 = tpu.vector_load %arg5[%get3A_1261, %get3A_1262] {strides = array<i32>} : memref<4x2048xf32, #tpu.memory_space<vmem>>, vector<1x16xf32>,
        %get3A_1264 = vector.shape_cast %get3A_1263 : vector<1x16xf32> to vector<16xf32>
        %get3A_1265 = arith.constant 2 : i32
        %get3A_1266 = arith.index_cast %get3A_1265 : i32 to index
        %get3A_1267 = arith.index_cast %mul3A_1254 : i32 to index
        %get3A_1268 = tpu.vector_load %arg5[%get3A_1266, %get3A_1267] {strides = array<i32>} : memref<4x2048xf32, #tpu.memory_space<vmem>>, vector<1x16xf32>,
        %get3A_1269 = vector.shape_cast %get3A_1268 : vector<1x16xf32> to vector<16xf32>
        %get3A_1270 = arith.constant 3 : i32
        %get3A_1271 = arith.index_cast %get3A_1270 : i32 to index
        %get3A_1272 = arith.index_cast %mul3A_1254 : i32 to index
        %get3A_1273 = tpu.vector_load %arg5[%get3A_1271, %get3A_1272] {strides = array<i32>} : memref<4x2048xf32, #tpu.memory_space<vmem>>, vector<1x16xf32>,
        %get3A_1274 = vector.shape_cast %get3A_1273 : vector<1x16xf32> to vector<16xf32>
        %mul3A_1275 = vector.broadcast %squeeze3A : f32 to vector<16xf32>
        %mul3A_1276 = arith.mulf %mul3A_1275, %get3A_1259 : vector<16xf32>
        %add3A_1277 = arith.addf %get3A_1274, %mul3A_1276 : vector<16xf32>
        %mul3A_1278 = vector.broadcast %squeeze3A_116 : f32 to vector<16xf32>
        %mul3A_1279 = arith.mulf %mul3A_1278, %get3A_1264 : vector<16xf32>
        %add3A_1280 = arith.addf %add3A_1277, %mul3A_1279 : vector<16xf32>
        %mul3A_1281 = vector.broadcast %squeeze3A_148 : f32 to vector<16xf32>
        %mul3A_1282 = arith.mulf %mul3A_1281, %get3A_1269 : vector<16xf32>
        %add3A_1283 = arith.addf %add3A_1280, %mul3A_1282 : vector<16xf32>
        %min3A_1284 = arith.minimumf %scan3A_1237, %add3A_1283 : vector<16xf32>
        %mul3A_1285 = vector.broadcast %squeeze3A_86 : f32 to vector<16xf32>
        %mul3A_1286 = arith.mulf %mul3A_1285, %get3A_1259 : vector<16xf32>
        %add3A_1287 = arith.addf %get3A_1274, %mul3A_1286 : vector<16xf32>
        %mul3A_1288 = vector.broadcast %squeeze3A_118 : f32 to vector<16xf32>
        %mul3A_1289 = arith.mulf %mul3A_1288, %get3A_1264 : vector<16xf32>
        %add3A_1290 = arith.addf %add3A_1287, %mul3A_1289 : vector<16xf32>
        %mul3A_1291 = vector.broadcast %squeeze3A_150 : f32 to vector<16xf32>
        %mul3A_1292 = arith.mulf %mul3A_1291, %get3A_1269 : vector<16xf32>
        %add3A_1293 = arith.addf %add3A_1290, %mul3A_1292 : vector<16xf32>
        %min3A_1294 = arith.minimumf %scan3A_1238, %add3A_1293 : vector<16xf32>
        %mul3A_1295 = vector.broadcast %squeeze3A_88 : f32 to vector<16xf32>
        %mul3A_1296 = arith.mulf %mul3A_1295, %get3A_1259 : vector<16xf32>
        %add3A_1297 = arith.addf %get3A_1274, %mul3A_1296 : vector<16xf32>
        %mul3A_1298 = vector.broadcast %squeeze3A_120 : f32 to vector<16xf32>
        %mul3A_1299 = arith.mulf %mul3A_1298, %get3A_1264 : vector<16xf32>
        %add3A_1300 = arith.addf %add3A_1297, %mul3A_1299 : vector<16xf32>
        %mul3A_1301 = vector.broadcast %squeeze3A_152 : f32 to vector<16xf32>
        %mul3A_1302 = arith.mulf %mul3A_1301, %get3A_1269 : vector<16xf32>
        %add3A_1303 = arith.addf %add3A_1300, %mul3A_1302 : vector<16xf32>
        %min3A_1304 = arith.minimumf %scan3A_1239, %add3A_1303 : vector<16xf32>
        %mul3A_1305 = vector.broadcast %squeeze3A_90 : f32 to vector<16xf32>
        %mul3A_1306 = arith.mulf %mul3A_1305, %get3A_1259 : vector<16xf32>
        %add3A_1307 = arith.addf %get3A_1274, %mul3A_1306 : vector<16xf32>
        %mul3A_1308 = vector.broadcast %squeeze3A_122 : f32 to vector<16xf32>
        %mul3A_1309 = arith.mulf %mul3A_1308, %get3A_1264 : vector<16xf32>
        %add3A_1310 = arith.addf %add3A_1307, %mul3A_1309 : vector<16xf32>
        %mul3A_1311 = vector.broadcast %squeeze3A_154 : f32 to vector<16xf32>
        %mul3A_1312 = arith.mulf %mul3A_1311, %get3A_1269 : vector<16xf32>
        %add3A_1313 = arith.addf %add3A_1310, %mul3A_1312 : vector<16xf32>
        %min3A_1314 = arith.minimumf %scan3A_1240, %add3A_1313 : vector<16xf32>
        %mul3A_1315 = vector.broadcast %squeeze3A_92 : f32 to vector<16xf32>
        %mul3A_1316 = arith.mulf %mul3A_1315, %get3A_1259 : vector<16xf32>
        %add3A_1317 = arith.addf %get3A_1274, %mul3A_1316 : vector<16xf32>
        %mul3A_1318 = vector.broadcast %squeeze3A_124 : f32 to vector<16xf32>
        %mul3A_1319 = arith.mulf %mul3A_1318, %get3A_1264 : vector<16xf32>
        %add3A_1320 = arith.addf %add3A_1317, %mul3A_1319 : vector<16xf32>
        %mul3A_1321 = vector.broadcast %squeeze3A_156 : f32 to vector<16xf32>
        %mul3A_1322 = arith.mulf %mul3A_1321, %get3A_1269 : vector<16xf32>
        %add3A_1323 = arith.addf %add3A_1320, %mul3A_1322 : vector<16xf32>
        %min3A_1324 = arith.minimumf %scan3A_1241, %add3A_1323 : vector<16xf32>
        %mul3A_1325 = vector.broadcast %squeeze3A_94 : f32 to vector<16xf32>
        %mul3A_1326 = arith.mulf %mul3A_1325, %get3A_1259 : vector<16xf32>
        %add3A_1327 = arith.addf %get3A_1274, %mul3A_1326 : vector<16xf32>
        %mul3A_1328 = vector.broadcast %squeeze3A_126 : f32 to vector<16xf32>
        %mul3A_1329 = arith.mulf %mul3A_1328, %get3A_1264 : vector<16xf32>
        %add3A_1330 = arith.addf %add3A_1327, %mul3A_1329 : vector<16xf32>
        %mul3A_1331 = vector.broadcast %squeeze3A_158 : f32 to vector<16xf32>
        %mul3A_1332 = arith.mulf %mul3A_1331, %get3A_1269 : vector<16xf32>
        %add3A_1333 = arith.addf %add3A_1330, %mul3A_1332 : vector<16xf32>
        %min3A_1334 = arith.minimumf %scan3A_1242, %add3A_1333 : vector<16xf32>
        %mul3A_1335 = vector.broadcast %squeeze3A_96 : f32 to vector<16xf32>
        %mul3A_1336 = arith.mulf %mul3A_1335, %get3A_1259 : vector<16xf32>
        %add3A_1337 = arith.addf %get3A_1274, %mul3A_1336 : vector<16xf32>
        %mul3A_1338 = vector.broadcast %squeeze3A_128 : f32 to vector<16xf32>
        %mul3A_1339 = arith.mulf %mul3A_1338, %get3A_1264 : vector<16xf32>
        %add3A_1340 = arith.addf %add3A_1337, %mul3A_1339 : vector<16xf32>
        %mul3A_1341 = vector.broadcast %squeeze3A_160 : f32 to vector<16xf32>
        %mul3A_1342 = arith.mulf %mul3A_1341, %get3A_1269 : vector<16xf32>
        %add3A_1343 = arith.addf %add3A_1340, %mul3A_1342 : vector<16xf32>
        %min3A_1344 = arith.minimumf %scan3A_1243, %add3A_1343 : vector<16xf32>
        %mul3A_1345 = vector.broadcast %squeeze3A_98 : f32 to vector<16xf32>
        %mul3A_1346 = arith.mulf %mul3A_1345, %get3A_1259 : vector<16xf32>
        %add3A_1347 = arith.addf %get3A_1274, %mul3A_1346 : vector<16xf32>
        %mul3A_1348 = vector.broadcast %squeeze3A_130 : f32 to vector<16xf32>
        %mul3A_1349 = arith.mulf %mul3A_1348, %get3A_1264 : vector<16xf32>
        %add3A_1350 = arith.addf %add3A_1347, %mul3A_1349 : vector<16xf32>
        %mul3A_1351 = vector.broadcast %squeeze3A_162 : f32 to vector<16xf32>
        %mul3A_1352 = arith.mulf %mul3A_1351, %get3A_1269 : vector<16xf32>
        %add3A_1353 = arith.addf %add3A_1350, %mul3A_1352 : vector<16xf32>
        %min3A_1354 = arith.minimumf %scan3A_1244, %add3A_1353 : vector<16xf32>
        %mul3A_1355 = vector.broadcast %squeeze3A_100 : f32 to vector<16xf32>
        %mul3A_1356 = arith.mulf %mul3A_1355, %get3A_1259 : vector<16xf32>
        %add3A_1357 = arith.addf %get3A_1274, %mul3A_1356 : vector<16xf32>
        %mul3A_1358 = vector.broadcast %squeeze3A_132 : f32 to vector<16xf32>
        %mul3A_1359 = arith.mulf %mul3A_1358, %get3A_1264 : vector<16xf32>
        %add3A_1360 = arith.addf %add3A_1357, %mul3A_1359 : vector<16xf32>
        %mul3A_1361 = vector.broadcast %squeeze3A_164 : f32 to vector<16xf32>
        %mul3A_1362 = arith.mulf %mul3A_1361, %get3A_1269 : vector<16xf32>
        %add3A_1363 = arith.addf %add3A_1360, %mul3A_1362 : vector<16xf32>
        %min3A_1364 = arith.minimumf %scan3A_1245, %add3A_1363 : vector<16xf32>
        %mul3A_1365 = vector.broadcast %squeeze3A_102 : f32 to vector<16xf32>
        %mul3A_1366 = arith.mulf %mul3A_1365, %get3A_1259 : vector<16xf32>
        %add3A_1367 = arith.addf %get3A_1274, %mul3A_1366 : vector<16xf32>
        %mul3A_1368 = vector.broadcast %squeeze3A_134 : f32 to vector<16xf32>
        %mul3A_1369 = arith.mulf %mul3A_1368, %get3A_1264 : vector<16xf32>
        %add3A_1370 = arith.addf %add3A_1367, %mul3A_1369 : vector<16xf32>
        %mul3A_1371 = vector.broadcast %squeeze3A_166 : f32 to vector<16xf32>
        %mul3A_1372 = arith.mulf %mul3A_1371, %get3A_1269 : vector<16xf32>
        %add3A_1373 = arith.addf %add3A_1370, %mul3A_1372 : vector<16xf32>
        %min3A_1374 = arith.minimumf %scan3A_1246, %add3A_1373 : vector<16xf32>
        %mul3A_1375 = vector.broadcast %squeeze3A_104 : f32 to vector<16xf32>
        %mul3A_1376 = arith.mulf %mul3A_1375, %get3A_1259 : vector<16xf32>
        %add3A_1377 = arith.addf %get3A_1274, %mul3A_1376 : vector<16xf32>
        %mul3A_1378 = vector.broadcast %squeeze3A_136 : f32 to vector<16xf32>
        %mul3A_1379 = arith.mulf %mul3A_1378, %get3A_1264 : vector<16xf32>
        %add3A_1380 = arith.addf %add3A_1377, %mul3A_1379 : vector<16xf32>
        %mul3A_1381 = vector.broadcast %squeeze3A_168 : f32 to vector<16xf32>
        %mul3A_1382 = arith.mulf %mul3A_1381, %get3A_1269 : vector<16xf32>
        %add3A_1383 = arith.addf %add3A_1380, %mul3A_1382 : vector<16xf32>
        %min3A_1384 = arith.minimumf %scan3A_1247, %add3A_1383 : vector<16xf32>
        %mul3A_1385 = vector.broadcast %squeeze3A_106 : f32 to vector<16xf32>
        %mul3A_1386 = arith.mulf %mul3A_1385, %get3A_1259 : vector<16xf32>
        %add3A_1387 = arith.addf %get3A_1274, %mul3A_1386 : vector<16xf32>
        %mul3A_1388 = vector.broadcast %squeeze3A_138 : f32 to vector<16xf32>
        %mul3A_1389 = arith.mulf %mul3A_1388, %get3A_1264 : vector<16xf32>
        %add3A_1390 = arith.addf %add3A_1387, %mul3A_1389 : vector<16xf32>
        %mul3A_1391 = vector.broadcast %squeeze3A_170 : f32 to vector<16xf32>
        %mul3A_1392 = arith.mulf %mul3A_1391, %get3A_1269 : vector<16xf32>
        %add3A_1393 = arith.addf %add3A_1390, %mul3A_1392 : vector<16xf32>
        %min3A_1394 = arith.minimumf %scan3A_1248, %add3A_1393 : vector<16xf32>
        %mul3A_1395 = vector.broadcast %squeeze3A_108 : f32 to vector<16xf32>
        %mul3A_1396 = arith.mulf %mul3A_1395, %get3A_1259 : vector<16xf32>
        %add3A_1397 = arith.addf %get3A_1274, %mul3A_1396 : vector<16xf32>
        %mul3A_1398 = vector.broadcast %squeeze3A_140 : f32 to vector<16xf32>
        %mul3A_1399 = arith.mulf %mul3A_1398, %get3A_1264 : vector<16xf32>
        %add3A_1400 = arith.addf %add3A_1397, %mul3A_1399 : vector<16xf32>
        %mul3A_1401 = vector.broadcast %squeeze3A_172 : f32 to vector<16xf32>
        %mul3A_1402 = arith.mulf %mul3A_1401, %get3A_1269 : vector<16xf32>
        %add3A_1403 = arith.addf %add3A_1400, %mul3A_1402 : vector<16xf32>
        %min3A_1404 = arith.minimumf %scan3A_1249, %add3A_1403 : vector<16xf32>
        %mul3A_1405 = vector.broadcast %squeeze3A_110 : f32 to vector<16xf32>
        %mul3A_1406 = arith.mulf %mul3A_1405, %get3A_1259 : vector<16xf32>
        %add3A_1407 = arith.addf %get3A_1274, %mul3A_1406 : vector<16xf32>
        %mul3A_1408 = vector.broadcast %squeeze3A_142 : f32 to vector<16xf32>
        %mul3A_1409 = arith.mulf %mul3A_1408, %get3A_1264 : vector<16xf32>
        %add3A_1410 = arith.addf %add3A_1407, %mul3A_1409 : vector<16xf32>
        %mul3A_1411 = vector.broadcast %squeeze3A_174 : f32 to vector<16xf32>
        %mul3A_1412 = arith.mulf %mul3A_1411, %get3A_1269 : vector<16xf32>
        %add3A_1413 = arith.addf %add3A_1410, %mul3A_1412 : vector<16xf32>
        %min3A_1414 = arith.minimumf %scan3A_1250, %add3A_1413 : vector<16xf32>
        %mul3A_1415 = vector.broadcast %squeeze3A_112 : f32 to vector<16xf32>
        %mul3A_1416 = arith.mulf %mul3A_1415, %get3A_1259 : vector<16xf32>
        %add3A_1417 = arith.addf %get3A_1274, %mul3A_1416 : vector<16xf32>
        %mul3A_1418 = vector.broadcast %squeeze3A_144 : f32 to vector<16xf32>
        %mul3A_1419 = arith.mulf %mul3A_1418, %get3A_1264 : vector<16xf32>
        %add3A_1420 = arith.addf %add3A_1417, %mul3A_1419 : vector<16xf32>
        %mul3A_1421 = vector.broadcast %squeeze3A_176 : f32 to vector<16xf32>
        %mul3A_1422 = arith.mulf %mul3A_1421, %get3A_1269 : vector<16xf32>
        %add3A_1423 = arith.addf %add3A_1420, %mul3A_1422 : vector<16xf32>
        %min3A_1424 = arith.minimumf %scan3A_1251, %add3A_1423 : vector<16xf32>
        %mul3A_1425 = vector.broadcast %squeeze3A_114 : f32 to vector<16xf32>
        %mul3A_1426 = arith.mulf %mul3A_1425, %get3A_1259 : vector<16xf32>
        %add3A_1427 = arith.addf %get3A_1274, %mul3A_1426 : vector<16xf32>
        %mul3A_1428 = vector.broadcast %squeeze3A_146 : f32 to vector<16xf32>
        %mul3A_1429 = arith.mulf %mul3A_1428, %get3A_1264 : vector<16xf32>
        %add3A_1430 = arith.addf %add3A_1427, %mul3A_1429 : vector<16xf32>
        %mul3A_1431 = vector.broadcast %squeeze3A_178 : f32 to vector<16xf32>
        %mul3A_1432 = arith.mulf %mul3A_1431, %get3A_1269 : vector<16xf32>
        %add3A_1433 = arith.addf %add3A_1430, %mul3A_1432 : vector<16xf32>
        %min3A_1434 = arith.minimumf %scan3A_1252, %add3A_1433 : vector<16xf32>
        scf.yield %min3A_1284, %min3A_1294, %min3A_1304, %min3A_1314, %min3A_1324, %min3A_1334, %min3A_1344, %min3A_1354, %min3A_1364, %min3A_1374, %min3A_1384, %min3A_1394, %min3A_1404, %min3A_1414, %min3A_1424, %min3A_1434 : vector<16xf32>, vector<16xf32>, vector<16xf32>, vector<16xf32>, vector<16xf32>, vector<16xf32>, vector<16xf32>, vector<16xf32>, vector<16xf32>, vector<16xf32>, vector<16xf32>, vector<16xf32>, vector<16xf32>, vector<16xf32>, vector<16xf32>, vector<16xf32>
      }
      %scan3A_232 = arith.constant 128 : i32
      %iota3A = tpu.iota {dimensions = array<i32: 0>} : vector<16xi32>
      %xor3A = arith.constant 8 : i32
      %xor3A_233 = vector.broadcast %xor3A : i32 to vector<16xi32>
      %xor3A_234 = arith.xori %iota3A, %xor3A_233 : vector<16xi32>
      %lt3A_235 = arith.constant 0 : i32
      %lt3A_236 = vector.broadcast %lt3A_235 : i32 to vector<16xi32>
      %lt3A_237 = arith.cmpi slt, %xor3A_234, %lt3A_236 : vector<16xi32>
      %add3A_238 = arith.constant 16 : i32
      %add3A_239 = vector.broadcast %add3A_238 : i32 to vector<16xi32>
      %add3A_240 = arith.addi %xor3A_234, %add3A_239 : vector<16xi32>
      %select_n3A_241 = arith.select %lt3A_237, %add3A_240, %xor3A_234 : vector<16xi1>, vector<16xi32>
      %broadcast_in_dim3A_242 = vector.shape_cast %select_n3A_241 : vector<16xi32> to vector<16x1xi32>
      %gather3A = vector.shape_cast %broadcast_in_dim3A_242 : vector<16x1xi32> to vector<16xi32>
      %gather3A_243 = tpu.dynamic_gather %scan3A_231#0[%gather3A] in [0] : vector<16xf32>, vector<16xi32> -> vector<16xf32>
      %min3A = arith.minimumf %scan3A_231#0, %gather3A_243 : vector<16xf32>
      %xor3A_244 = arith.constant 4 : i32
      %xor3A_245 = vector.broadcast %xor3A_244 : i32 to vector<16xi32>
      %xor3A_246 = arith.xori %iota3A, %xor3A_245 : vector<16xi32>
      %lt3A_247 = arith.constant 0 : i32
      %lt3A_248 = vector.broadcast %lt3A_247 : i32 to vector<16xi32>
      %lt3A_249 = arith.cmpi slt, %xor3A_246, %lt3A_248 : vector<16xi32>
      %add3A_250 = arith.constant 16 : i32
      %add3A_251 = vector.broadcast %add3A_250 : i32 to vector<16xi32>
      %add3A_252 = arith.addi %xor3A_246, %add3A_251 : vector<16xi32>
      %select_n3A_253 = arith.select %lt3A_249, %add3A_252, %xor3A_246 : vector<16xi1>, vector<16xi32>
      %broadcast_in_dim3A_254 = vector.shape_cast %select_n3A_253 : vector<16xi32> to vector<16x1xi32>
      %gather3A_255 = vector.shape_cast %broadcast_in_dim3A_254 : vector<16x1xi32> to vector<16xi32>
      %gather3A_256 = tpu.dynamic_gather %min3A[%gather3A_255] in [0] : vector<16xf32>, vector<16xi32> -> vector<16xf32>
      %min3A_257 = arith.minimumf %min3A, %gather3A_256 : vector<16xf32>
      %xor3A_258 = arith.constant 2 : i32
      %xor3A_259 = vector.broadcast %xor3A_258 : i32 to vector<16xi32>
      %xor3A_260 = arith.xori %iota3A, %xor3A_259 : vector<16xi32>
      %lt3A_261 = arith.constant 0 : i32
      %lt3A_262 = vector.broadcast %lt3A_261 : i32 to vector<16xi32>
      %lt3A_263 = arith.cmpi slt, %xor3A_260, %lt3A_262 : vector<16xi32>
      %add3A_264 = arith.constant 16 : i32
      %add3A_265 = vector.broadcast %add3A_264 : i32 to vector<16xi32>
      %add3A_266 = arith.addi %xor3A_260, %add3A_265 : vector<16xi32>
      %select_n3A_267 = arith.select %lt3A_263, %add3A_266, %xor3A_260 : vector<16xi1>, vector<16xi32>
      %broadcast_in_dim3A_268 = vector.shape_cast %select_n3A_267 : vector<16xi32> to vector<16x1xi32>
      %gather3A_269 = vector.shape_cast %broadcast_in_dim3A_268 : vector<16x1xi32> to vector<16xi32>
      %gather3A_270 = tpu.dynamic_gather %min3A_257[%gather3A_269] in [0] : vector<16xf32>, vector<16xi32> -> vector<16xf32>
      %min3A_271 = arith.minimumf %min3A_257, %gather3A_270 : vector<16xf32>
      %xor3A_272 = arith.constant 1 : i32
      %xor3A_273 = vector.broadcast %xor3A_272 : i32 to vector<16xi32>
      %xor3A_274 = arith.xori %iota3A, %xor3A_273 : vector<16xi32>
      %lt3A_275 = arith.constant 0 : i32
      %lt3A_276 = vector.broadcast %lt3A_275 : i32 to vector<16xi32>
      %lt3A_277 = arith.cmpi slt, %xor3A_274, %lt3A_276 : vector<16xi32>
      %add3A_278 = arith.constant 16 : i32
      %add3A_279 = vector.broadcast %add3A_278 : i32 to vector<16xi32>
      %add3A_280 = arith.addi %xor3A_274, %add3A_279 : vector<16xi32>
      %select_n3A_281 = arith.select %lt3A_277, %add3A_280, %xor3A_274 : vector<16xi1>, vector<16xi32>
      %broadcast_in_dim3A_282 = vector.shape_cast %select_n3A_281 : vector<16xi32> to vector<16x1xi32>
      %gather3A_283 = vector.shape_cast %broadcast_in_dim3A_282 : vector<16x1xi32> to vector<16xi32>
      %gather3A_284 = tpu.dynamic_gather %min3A_271[%gather3A_283] in [0] : vector<16xf32>, vector<16xi32> -> vector<16xf32>
      %min3A_285 = arith.minimumf %min3A_271, %gather3A_284 : vector<16xf32>
      %slice3A_286 = vector.extract_strided_slice %min3A_285 {offsets = [0], sizes = [1], strides = [1]} : vector<16xf32> to vector<1xf32>
      %squeeze3A_287 = vector.extract %slice3A_286[0] : f32 from vector<1xf32>
      %add3A_288 = arith.addf %squeeze3A_287, %squeeze3A_180 : f32
      %max3A = arith.constant 0.000000e+00 : f32
      %max3A_289 = arith.maximumf %add3A_288, %max3A : f32
      %add3A_290 = arith.addf %scan3A_63, %max3A_289 : f32
      %iota3A_291 = tpu.iota {dimensions = array<i32: 0>} : vector<16xi32>
      %xor3A_292 = arith.constant 8 : i32
      %xor3A_293 = vector.broadcast %xor3A_292 : i32 to vector<16xi32>
      %xor3A_294 = arith.xori %iota3A_291, %xor3A_293 : vector<16xi32>
      %lt3A_295 = arith.constant 0 : i32
      %lt3A_296 = vector.broadcast %lt3A_295 : i32 to vector<16xi32>
      %lt3A_297 = arith.cmpi slt, %xor3A_294, %lt3A_296 : vector<16xi32>
      %add3A_298 = arith.constant 16 : i32
      %add3A_299 = vector.broadcast %add3A_298 : i32 to vector<16xi32>
      %add3A_300 = arith.addi %xor3A_294, %add3A_299 : vector<16xi32>
      %select_n3A_301 = arith.select %lt3A_297, %add3A_300, %xor3A_294 : vector<16xi1>, vector<16xi32>
      %broadcast_in_dim3A_302 = vector.shape_cast %select_n3A_301 : vector<16xi32> to vector<16x1xi32>
      %gather3A_303 = vector.shape_cast %broadcast_in_dim3A_302 : vector<16x1xi32> to vector<16xi32>
      %gather3A_304 = tpu.dynamic_gather %scan3A_231#1[%gather3A_303] in [0] : vector<16xf32>, vector<16xi32> -> vector<16xf32>
      %min3A_305 = arith.minimumf %scan3A_231#1, %gather3A_304 : vector<16xf32>
      %xor3A_306 = arith.constant 4 : i32
      %xor3A_307 = vector.broadcast %xor3A_306 : i32 to vector<16xi32>
      %xor3A_308 = arith.xori %iota3A_291, %xor3A_307 : vector<16xi32>
      %lt3A_309 = arith.constant 0 : i32
      %lt3A_310 = vector.broadcast %lt3A_309 : i32 to vector<16xi32>
      %lt3A_311 = arith.cmpi slt, %xor3A_308, %lt3A_310 : vector<16xi32>
      %add3A_312 = arith.constant 16 : i32
      %add3A_313 = vector.broadcast %add3A_312 : i32 to vector<16xi32>
      %add3A_314 = arith.addi %xor3A_308, %add3A_313 : vector<16xi32>
      %select_n3A_315 = arith.select %lt3A_311, %add3A_314, %xor3A_308 : vector<16xi1>, vector<16xi32>
      %broadcast_in_dim3A_316 = vector.shape_cast %select_n3A_315 : vector<16xi32> to vector<16x1xi32>
      %gather3A_317 = vector.shape_cast %broadcast_in_dim3A_316 : vector<16x1xi32> to vector<16xi32>
      %gather3A_318 = tpu.dynamic_gather %min3A_305[%gather3A_317] in [0] : vector<16xf32>, vector<16xi32> -> vector<16xf32>
      %min3A_319 = arith.minimumf %min3A_305, %gather3A_318 : vector<16xf32>
      %xor3A_320 = arith.constant 2 : i32
      %xor3A_321 = vector.broadcast %xor3A_320 : i32 to vector<16xi32>
      %xor3A_322 = arith.xori %iota3A_291, %xor3A_321 : vector<16xi32>
      %lt3A_323 = arith.constant 0 : i32
      %lt3A_324 = vector.broadcast %lt3A_323 : i32 to vector<16xi32>
      %lt3A_325 = arith.cmpi slt, %xor3A_322, %lt3A_324 : vector<16xi32>
      %add3A_326 = arith.constant 16 : i32
      %add3A_327 = vector.broadcast %add3A_326 : i32 to vector<16xi32>
      %add3A_328 = arith.addi %xor3A_322, %add3A_327 : vector<16xi32>
      %select_n3A_329 = arith.select %lt3A_325, %add3A_328, %xor3A_322 : vector<16xi1>, vector<16xi32>
      %broadcast_in_dim3A_330 = vector.shape_cast %select_n3A_329 : vector<16xi32> to vector<16x1xi32>
      %gather3A_331 = vector.shape_cast %broadcast_in_dim3A_330 : vector<16x1xi32> to vector<16xi32>
      %gather3A_332 = tpu.dynamic_gather %min3A_319[%gather3A_331] in [0] : vector<16xf32>, vector<16xi32> -> vector<16xf32>
      %min3A_333 = arith.minimumf %min3A_319, %gather3A_332 : vector<16xf32>
      %xor3A_334 = arith.constant 1 : i32
      %xor3A_335 = vector.broadcast %xor3A_334 : i32 to vector<16xi32>
      %xor3A_336 = arith.xori %iota3A_291, %xor3A_335 : vector<16xi32>
      %lt3A_337 = arith.constant 0 : i32
      %lt3A_338 = vector.broadcast %lt3A_337 : i32 to vector<16xi32>
      %lt3A_339 = arith.cmpi slt, %xor3A_336, %lt3A_338 : vector<16xi32>
      %add3A_340 = arith.constant 16 : i32
      %add3A_341 = vector.broadcast %add3A_340 : i32 to vector<16xi32>
      %add3A_342 = arith.addi %xor3A_336, %add3A_341 : vector<16xi32>
      %select_n3A_343 = arith.select %lt3A_339, %add3A_342, %xor3A_336 : vector<16xi1>, vector<16xi32>
      %broadcast_in_dim3A_344 = vector.shape_cast %select_n3A_343 : vector<16xi32> to vector<16x1xi32>
      %gather3A_345 = vector.shape_cast %broadcast_in_dim3A_344 : vector<16x1xi32> to vector<16xi32>
      %gather3A_346 = tpu.dynamic_gather %min3A_333[%gather3A_345] in [0] : vector<16xf32>, vector<16xi32> -> vector<16xf32>
      %min3A_347 = arith.minimumf %min3A_333, %gather3A_346 : vector<16xf32>
      %slice3A_348 = vector.extract_strided_slice %min3A_347 {offsets = [0], sizes = [1], strides = [1]} : vector<16xf32> to vector<1xf32>
      %squeeze3A_349 = vector.extract %slice3A_348[0] : f32 from vector<1xf32>
      %add3A_350 = arith.addf %squeeze3A_349, %squeeze3A_182 : f32
      %max3A_351 = arith.constant 0.000000e+00 : f32
      %max3A_352 = arith.maximumf %add3A_350, %max3A_351 : f32
      %add3A_353 = arith.addf %add3A_290, %max3A_352 : f32
      %iota3A_354 = tpu.iota {dimensions = array<i32: 0>} : vector<16xi32>
      %xor3A_355 = arith.constant 8 : i32
      %xor3A_356 = vector.broadcast %xor3A_355 : i32 to vector<16xi32>
      %xor3A_357 = arith.xori %iota3A_354, %xor3A_356 : vector<16xi32>
      %lt3A_358 = arith.constant 0 : i32
      %lt3A_359 = vector.broadcast %lt3A_358 : i32 to vector<16xi32>
      %lt3A_360 = arith.cmpi slt, %xor3A_357, %lt3A_359 : vector<16xi32>
      %add3A_361 = arith.constant 16 : i32
      %add3A_362 = vector.broadcast %add3A_361 : i32 to vector<16xi32>
      %add3A_363 = arith.addi %xor3A_357, %add3A_362 : vector<16xi32>
      %select_n3A_364 = arith.select %lt3A_360, %add3A_363, %xor3A_357 : vector<16xi1>, vector<16xi32>
      %broadcast_in_dim3A_365 = vector.shape_cast %select_n3A_364 : vector<16xi32> to vector<16x1xi32>
      %gather3A_366 = vector.shape_cast %broadcast_in_dim3A_365 : vector<16x1xi32> to vector<16xi32>
      %gather3A_367 = tpu.dynamic_gather %scan3A_231#2[%gather3A_366] in [0] : vector<16xf32>, vector<16xi32> -> vector<16xf32>
      %min3A_368 = arith.minimumf %scan3A_231#2, %gather3A_367 : vector<16xf32>
      %xor3A_369 = arith.constant 4 : i32
      %xor3A_370 = vector.broadcast %xor3A_369 : i32 to vector<16xi32>
      %xor3A_371 = arith.xori %iota3A_354, %xor3A_370 : vector<16xi32>
      %lt3A_372 = arith.constant 0 : i32
      %lt3A_373 = vector.broadcast %lt3A_372 : i32 to vector<16xi32>
      %lt3A_374 = arith.cmpi slt, %xor3A_371, %lt3A_373 : vector<16xi32>
      %add3A_375 = arith.constant 16 : i32
      %add3A_376 = vector.broadcast %add3A_375 : i32 to vector<16xi32>
      %add3A_377 = arith.addi %xor3A_371, %add3A_376 : vector<16xi32>
      %select_n3A_378 = arith.select %lt3A_374, %add3A_377, %xor3A_371 : vector<16xi1>, vector<16xi32>
      %broadcast_in_dim3A_379 = vector.shape_cast %select_n3A_378 : vector<16xi32> to vector<16x1xi32>
      %gather3A_380 = vector.shape_cast %broadcast_in_dim3A_379 : vector<16x1xi32> to vector<16xi32>
      %gather3A_381 = tpu.dynamic_gather %min3A_368[%gather3A_380] in [0] : vector<16xf32>, vector<16xi32> -> vector<16xf32>
      %min3A_382 = arith.minimumf %min3A_368, %gather3A_381 : vector<16xf32>
      %xor3A_383 = arith.constant 2 : i32
      %xor3A_384 = vector.broadcast %xor3A_383 : i32 to vector<16xi32>
      %xor3A_385 = arith.xori %iota3A_354, %xor3A_384 : vector<16xi32>
      %lt3A_386 = arith.constant 0 : i32
      %lt3A_387 = vector.broadcast %lt3A_386 : i32 to vector<16xi32>
      %lt3A_388 = arith.cmpi slt, %xor3A_385, %lt3A_387 : vector<16xi32>
      %add3A_389 = arith.constant 16 : i32
      %add3A_390 = vector.broadcast %add3A_389 : i32 to vector<16xi32>
      %add3A_391 = arith.addi %xor3A_385, %add3A_390 : vector<16xi32>
      %select_n3A_392 = arith.select %lt3A_388, %add3A_391, %xor3A_385 : vector<16xi1>, vector<16xi32>
      %broadcast_in_dim3A_393 = vector.shape_cast %select_n3A_392 : vector<16xi32> to vector<16x1xi32>
      %gather3A_394 = vector.shape_cast %broadcast_in_dim3A_393 : vector<16x1xi32> to vector<16xi32>
      %gather3A_395 = tpu.dynamic_gather %min3A_382[%gather3A_394] in [0] : vector<16xf32>, vector<16xi32> -> vector<16xf32>
      %min3A_396 = arith.minimumf %min3A_382, %gather3A_395 : vector<16xf32>
      %xor3A_397 = arith.constant 1 : i32
      %xor3A_398 = vector.broadcast %xor3A_397 : i32 to vector<16xi32>
      %xor3A_399 = arith.xori %iota3A_354, %xor3A_398 : vector<16xi32>
      %lt3A_400 = arith.constant 0 : i32
      %lt3A_401 = vector.broadcast %lt3A_400 : i32 to vector<16xi32>
      %lt3A_402 = arith.cmpi slt, %xor3A_399, %lt3A_401 : vector<16xi32>
      %add3A_403 = arith.constant 16 : i32
      %add3A_404 = vector.broadcast %add3A_403 : i32 to vector<16xi32>
      %add3A_405 = arith.addi %xor3A_399, %add3A_404 : vector<16xi32>
      %select_n3A_406 = arith.select %lt3A_402, %add3A_405, %xor3A_399 : vector<16xi1>, vector<16xi32>
      %broadcast_in_dim3A_407 = vector.shape_cast %select_n3A_406 : vector<16xi32> to vector<16x1xi32>
      %gather3A_408 = vector.shape_cast %broadcast_in_dim3A_407 : vector<16x1xi32> to vector<16xi32>
      %gather3A_409 = tpu.dynamic_gather %min3A_396[%gather3A_408] in [0] : vector<16xf32>, vector<16xi32> -> vector<16xf32>
      %min3A_410 = arith.minimumf %min3A_396, %gather3A_409 : vector<16xf32>
      %slice3A_411 = vector.extract_strided_slice %min3A_410 {offsets = [0], sizes = [1], strides = [1]} : vector<16xf32> to vector<1xf32>
      %squeeze3A_412 = vector.extract %slice3A_411[0] : f32 from vector<1xf32>
      %add3A_413 = arith.addf %squeeze3A_412, %squeeze3A_184 : f32
      %max3A_414 = arith.constant 0.000000e+00 : f32
      %max3A_415 = arith.maximumf %add3A_413, %max3A_414 : f32
      %add3A_416 = arith.addf %add3A_353, %max3A_415 : f32
      %iota3A_417 = tpu.iota {dimensions = array<i32: 0>} : vector<16xi32>
      %xor3A_418 = arith.constant 8 : i32
      %xor3A_419 = vector.broadcast %xor3A_418 : i32 to vector<16xi32>
      %xor3A_420 = arith.xori %iota3A_417, %xor3A_419 : vector<16xi32>
      %lt3A_421 = arith.constant 0 : i32
      %lt3A_422 = vector.broadcast %lt3A_421 : i32 to vector<16xi32>
      %lt3A_423 = arith.cmpi slt, %xor3A_420, %lt3A_422 : vector<16xi32>
      %add3A_424 = arith.constant 16 : i32
      %add3A_425 = vector.broadcast %add3A_424 : i32 to vector<16xi32>
      %add3A_426 = arith.addi %xor3A_420, %add3A_425 : vector<16xi32>
      %select_n3A_427 = arith.select %lt3A_423, %add3A_426, %xor3A_420 : vector<16xi1>, vector<16xi32>
      %broadcast_in_dim3A_428 = vector.shape_cast %select_n3A_427 : vector<16xi32> to vector<16x1xi32>
      %gather3A_429 = vector.shape_cast %broadcast_in_dim3A_428 : vector<16x1xi32> to vector<16xi32>
      %gather3A_430 = tpu.dynamic_gather %scan3A_231#3[%gather3A_429] in [0] : vector<16xf32>, vector<16xi32> -> vector<16xf32>
      %min3A_431 = arith.minimumf %scan3A_231#3, %gather3A_430 : vector<16xf32>
      %xor3A_432 = arith.constant 4 : i32
      %xor3A_433 = vector.broadcast %xor3A_432 : i32 to vector<16xi32>
      %xor3A_434 = arith.xori %iota3A_417, %xor3A_433 : vector<16xi32>
      %lt3A_435 = arith.constant 0 : i32
      %lt3A_436 = vector.broadcast %lt3A_435 : i32 to vector<16xi32>
      %lt3A_437 = arith.cmpi slt, %xor3A_434, %lt3A_436 : vector<16xi32>
      %add3A_438 = arith.constant 16 : i32
      %add3A_439 = vector.broadcast %add3A_438 : i32 to vector<16xi32>
      %add3A_440 = arith.addi %xor3A_434, %add3A_439 : vector<16xi32>
      %select_n3A_441 = arith.select %lt3A_437, %add3A_440, %xor3A_434 : vector<16xi1>, vector<16xi32>
      %broadcast_in_dim3A_442 = vector.shape_cast %select_n3A_441 : vector<16xi32> to vector<16x1xi32>
      %gather3A_443 = vector.shape_cast %broadcast_in_dim3A_442 : vector<16x1xi32> to vector<16xi32>
      %gather3A_444 = tpu.dynamic_gather %min3A_431[%gather3A_443] in [0] : vector<16xf32>, vector<16xi32> -> vector<16xf32>
      %min3A_445 = arith.minimumf %min3A_431, %gather3A_444 : vector<16xf32>
      %xor3A_446 = arith.constant 2 : i32
      %xor3A_447 = vector.broadcast %xor3A_446 : i32 to vector<16xi32>
      %xor3A_448 = arith.xori %iota3A_417, %xor3A_447 : vector<16xi32>
      %lt3A_449 = arith.constant 0 : i32
      %lt3A_450 = vector.broadcast %lt3A_449 : i32 to vector<16xi32>
      %lt3A_451 = arith.cmpi slt, %xor3A_448, %lt3A_450 : vector<16xi32>
      %add3A_452 = arith.constant 16 : i32
      %add3A_453 = vector.broadcast %add3A_452 : i32 to vector<16xi32>
      %add3A_454 = arith.addi %xor3A_448, %add3A_453 : vector<16xi32>
      %select_n3A_455 = arith.select %lt3A_451, %add3A_454, %xor3A_448 : vector<16xi1>, vector<16xi32>
      %broadcast_in_dim3A_456 = vector.shape_cast %select_n3A_455 : vector<16xi32> to vector<16x1xi32>
      %gather3A_457 = vector.shape_cast %broadcast_in_dim3A_456 : vector<16x1xi32> to vector<16xi32>
      %gather3A_458 = tpu.dynamic_gather %min3A_445[%gather3A_457] in [0] : vector<16xf32>, vector<16xi32> -> vector<16xf32>
      %min3A_459 = arith.minimumf %min3A_445, %gather3A_458 : vector<16xf32>
      %xor3A_460 = arith.constant 1 : i32
      %xor3A_461 = vector.broadcast %xor3A_460 : i32 to vector<16xi32>
      %xor3A_462 = arith.xori %iota3A_417, %xor3A_461 : vector<16xi32>
      %lt3A_463 = arith.constant 0 : i32
      %lt3A_464 = vector.broadcast %lt3A_463 : i32 to vector<16xi32>
      %lt3A_465 = arith.cmpi slt, %xor3A_462, %lt3A_464 : vector<16xi32>
      %add3A_466 = arith.constant 16 : i32
      %add3A_467 = vector.broadcast %add3A_466 : i32 to vector<16xi32>
      %add3A_468 = arith.addi %xor3A_462, %add3A_467 : vector<16xi32>
      %select_n3A_469 = arith.select %lt3A_465, %add3A_468, %xor3A_462 : vector<16xi1>, vector<16xi32>
      %broadcast_in_dim3A_470 = vector.shape_cast %select_n3A_469 : vector<16xi32> to vector<16x1xi32>
      %gather3A_471 = vector.shape_cast %broadcast_in_dim3A_470 : vector<16x1xi32> to vector<16xi32>
      %gather3A_472 = tpu.dynamic_gather %min3A_459[%gather3A_471] in [0] : vector<16xf32>, vector<16xi32> -> vector<16xf32>
      %min3A_473 = arith.minimumf %min3A_459, %gather3A_472 : vector<16xf32>
      %slice3A_474 = vector.extract_strided_slice %min3A_473 {offsets = [0], sizes = [1], strides = [1]} : vector<16xf32> to vector<1xf32>
      %squeeze3A_475 = vector.extract %slice3A_474[0] : f32 from vector<1xf32>
      %add3A_476 = arith.addf %squeeze3A_475, %squeeze3A_186 : f32
      %max3A_477 = arith.constant 0.000000e+00 : f32
      %max3A_478 = arith.maximumf %add3A_476, %max3A_477 : f32
      %add3A_479 = arith.addf %add3A_416, %max3A_478 : f32
      %iota3A_480 = tpu.iota {dimensions = array<i32: 0>} : vector<16xi32>
      %xor3A_481 = arith.constant 8 : i32
      %xor3A_482 = vector.broadcast %xor3A_481 : i32 to vector<16xi32>
      %xor3A_483 = arith.xori %iota3A_480, %xor3A_482 : vector<16xi32>
      %lt3A_484 = arith.constant 0 : i32
      %lt3A_485 = vector.broadcast %lt3A_484 : i32 to vector<16xi32>
      %lt3A_486 = arith.cmpi slt, %xor3A_483, %lt3A_485 : vector<16xi32>
      %add3A_487 = arith.constant 16 : i32
      %add3A_488 = vector.broadcast %add3A_487 : i32 to vector<16xi32>
      %add3A_489 = arith.addi %xor3A_483, %add3A_488 : vector<16xi32>
      %select_n3A_490 = arith.select %lt3A_486, %add3A_489, %xor3A_483 : vector<16xi1>, vector<16xi32>
      %broadcast_in_dim3A_491 = vector.shape_cast %select_n3A_490 : vector<16xi32> to vector<16x1xi32>
      %gather3A_492 = vector.shape_cast %broadcast_in_dim3A_491 : vector<16x1xi32> to vector<16xi32>
      %gather3A_493 = tpu.dynamic_gather %scan3A_231#4[%gather3A_492] in [0] : vector<16xf32>, vector<16xi32> -> vector<16xf32>
      %min3A_494 = arith.minimumf %scan3A_231#4, %gather3A_493 : vector<16xf32>
      %xor3A_495 = arith.constant 4 : i32
      %xor3A_496 = vector.broadcast %xor3A_495 : i32 to vector<16xi32>
      %xor3A_497 = arith.xori %iota3A_480, %xor3A_496 : vector<16xi32>
      %lt3A_498 = arith.constant 0 : i32
      %lt3A_499 = vector.broadcast %lt3A_498 : i32 to vector<16xi32>
      %lt3A_500 = arith.cmpi slt, %xor3A_497, %lt3A_499 : vector<16xi32>
      %add3A_501 = arith.constant 16 : i32
      %add3A_502 = vector.broadcast %add3A_501 : i32 to vector<16xi32>
      %add3A_503 = arith.addi %xor3A_497, %add3A_502 : vector<16xi32>
      %select_n3A_504 = arith.select %lt3A_500, %add3A_503, %xor3A_497 : vector<16xi1>, vector<16xi32>
      %broadcast_in_dim3A_505 = vector.shape_cast %select_n3A_504 : vector<16xi32> to vector<16x1xi32>
      %gather3A_506 = vector.shape_cast %broadcast_in_dim3A_505 : vector<16x1xi32> to vector<16xi32>
      %gather3A_507 = tpu.dynamic_gather %min3A_494[%gather3A_506] in [0] : vector<16xf32>, vector<16xi32> -> vector<16xf32>
      %min3A_508 = arith.minimumf %min3A_494, %gather3A_507 : vector<16xf32>
      %xor3A_509 = arith.constant 2 : i32
      %xor3A_510 = vector.broadcast %xor3A_509 : i32 to vector<16xi32>
      %xor3A_511 = arith.xori %iota3A_480, %xor3A_510 : vector<16xi32>
      %lt3A_512 = arith.constant 0 : i32
      %lt3A_513 = vector.broadcast %lt3A_512 : i32 to vector<16xi32>
      %lt3A_514 = arith.cmpi slt, %xor3A_511, %lt3A_513 : vector<16xi32>
      %add3A_515 = arith.constant 16 : i32
      %add3A_516 = vector.broadcast %add3A_515 : i32 to vector<16xi32>
      %add3A_517 = arith.addi %xor3A_511, %add3A_516 : vector<16xi32>
      %select_n3A_518 = arith.select %lt3A_514, %add3A_517, %xor3A_511 : vector<16xi1>, vector<16xi32>
      %broadcast_in_dim3A_519 = vector.shape_cast %select_n3A_518 : vector<16xi32> to vector<16x1xi32>
      %gather3A_520 = vector.shape_cast %broadcast_in_dim3A_519 : vector<16x1xi32> to vector<16xi32>
      %gather3A_521 = tpu.dynamic_gather %min3A_508[%gather3A_520] in [0] : vector<16xf32>, vector<16xi32> -> vector<16xf32>
      %min3A_522 = arith.minimumf %min3A_508, %gather3A_521 : vector<16xf32>
      %xor3A_523 = arith.constant 1 : i32
      %xor3A_524 = vector.broadcast %xor3A_523 : i32 to vector<16xi32>
      %xor3A_525 = arith.xori %iota3A_480, %xor3A_524 : vector<16xi32>
      %lt3A_526 = arith.constant 0 : i32
      %lt3A_527 = vector.broadcast %lt3A_526 : i32 to vector<16xi32>
      %lt3A_528 = arith.cmpi slt, %xor3A_525, %lt3A_527 : vector<16xi32>
      %add3A_529 = arith.constant 16 : i32
      %add3A_530 = vector.broadcast %add3A_529 : i32 to vector<16xi32>
      %add3A_531 = arith.addi %xor3A_525, %add3A_530 : vector<16xi32>
      %select_n3A_532 = arith.select %lt3A_528, %add3A_531, %xor3A_525 : vector<16xi1>, vector<16xi32>
      %broadcast_in_dim3A_533 = vector.shape_cast %select_n3A_532 : vector<16xi32> to vector<16x1xi32>
      %gather3A_534 = vector.shape_cast %broadcast_in_dim3A_533 : vector<16x1xi32> to vector<16xi32>
      %gather3A_535 = tpu.dynamic_gather %min3A_522[%gather3A_534] in [0] : vector<16xf32>, vector<16xi32> -> vector<16xf32>
      %min3A_536 = arith.minimumf %min3A_522, %gather3A_535 : vector<16xf32>
      %slice3A_537 = vector.extract_strided_slice %min3A_536 {offsets = [0], sizes = [1], strides = [1]} : vector<16xf32> to vector<1xf32>
      %squeeze3A_538 = vector.extract %slice3A_537[0] : f32 from vector<1xf32>
      %add3A_539 = arith.addf %squeeze3A_538, %squeeze3A_188 : f32
      %max3A_540 = arith.constant 0.000000e+00 : f32
      %max3A_541 = arith.maximumf %add3A_539, %max3A_540 : f32
      %add3A_542 = arith.addf %add3A_479, %max3A_541 : f32
      %iota3A_543 = tpu.iota {dimensions = array<i32: 0>} : vector<16xi32>
      %xor3A_544 = arith.constant 8 : i32
      %xor3A_545 = vector.broadcast %xor3A_544 : i32 to vector<16xi32>
      %xor3A_546 = arith.xori %iota3A_543, %xor3A_545 : vector<16xi32>
      %lt3A_547 = arith.constant 0 : i32
      %lt3A_548 = vector.broadcast %lt3A_547 : i32 to vector<16xi32>
      %lt3A_549 = arith.cmpi slt, %xor3A_546, %lt3A_548 : vector<16xi32>
      %add3A_550 = arith.constant 16 : i32
      %add3A_551 = vector.broadcast %add3A_550 : i32 to vector<16xi32>
      %add3A_552 = arith.addi %xor3A_546, %add3A_551 : vector<16xi32>
      %select_n3A_553 = arith.select %lt3A_549, %add3A_552, %xor3A_546 : vector<16xi1>, vector<16xi32>
      %broadcast_in_dim3A_554 = vector.shape_cast %select_n3A_553 : vector<16xi32> to vector<16x1xi32>
      %gather3A_555 = vector.shape_cast %broadcast_in_dim3A_554 : vector<16x1xi32> to vector<16xi32>
      %gather3A_556 = tpu.dynamic_gather %scan3A_231#5[%gather3A_555] in [0] : vector<16xf32>, vector<16xi32> -> vector<16xf32>
      %min3A_557 = arith.minimumf %scan3A_231#5, %gather3A_556 : vector<16xf32>
      %xor3A_558 = arith.constant 4 : i32
      %xor3A_559 = vector.broadcast %xor3A_558 : i32 to vector<16xi32>
      %xor3A_560 = arith.xori %iota3A_543, %xor3A_559 : vector<16xi32>
      %lt3A_561 = arith.constant 0 : i32
      %lt3A_562 = vector.broadcast %lt3A_561 : i32 to vector<16xi32>
      %lt3A_563 = arith.cmpi slt, %xor3A_560, %lt3A_562 : vector<16xi32>
      %add3A_564 = arith.constant 16 : i32
      %add3A_565 = vector.broadcast %add3A_564 : i32 to vector<16xi32>
      %add3A_566 = arith.addi %xor3A_560, %add3A_565 : vector<16xi32>
      %select_n3A_567 = arith.select %lt3A_563, %add3A_566, %xor3A_560 : vector<16xi1>, vector<16xi32>
      %broadcast_in_dim3A_568 = vector.shape_cast %select_n3A_567 : vector<16xi32> to vector<16x1xi32>
      %gather3A_569 = vector.shape_cast %broadcast_in_dim3A_568 : vector<16x1xi32> to vector<16xi32>
      %gather3A_570 = tpu.dynamic_gather %min3A_557[%gather3A_569] in [0] : vector<16xf32>, vector<16xi32> -> vector<16xf32>
      %min3A_571 = arith.minimumf %min3A_557, %gather3A_570 : vector<16xf32>
      %xor3A_572 = arith.constant 2 : i32
      %xor3A_573 = vector.broadcast %xor3A_572 : i32 to vector<16xi32>
      %xor3A_574 = arith.xori %iota3A_543, %xor3A_573 : vector<16xi32>
      %lt3A_575 = arith.constant 0 : i32
      %lt3A_576 = vector.broadcast %lt3A_575 : i32 to vector<16xi32>
      %lt3A_577 = arith.cmpi slt, %xor3A_574, %lt3A_576 : vector<16xi32>
      %add3A_578 = arith.constant 16 : i32
      %add3A_579 = vector.broadcast %add3A_578 : i32 to vector<16xi32>
      %add3A_580 = arith.addi %xor3A_574, %add3A_579 : vector<16xi32>
      %select_n3A_581 = arith.select %lt3A_577, %add3A_580, %xor3A_574 : vector<16xi1>, vector<16xi32>
      %broadcast_in_dim3A_582 = vector.shape_cast %select_n3A_581 : vector<16xi32> to vector<16x1xi32>
      %gather3A_583 = vector.shape_cast %broadcast_in_dim3A_582 : vector<16x1xi32> to vector<16xi32>
      %gather3A_584 = tpu.dynamic_gather %min3A_571[%gather3A_583] in [0] : vector<16xf32>, vector<16xi32> -> vector<16xf32>
      %min3A_585 = arith.minimumf %min3A_571, %gather3A_584 : vector<16xf32>
      %xor3A_586 = arith.constant 1 : i32
      %xor3A_587 = vector.broadcast %xor3A_586 : i32 to vector<16xi32>
      %xor3A_588 = arith.xori %iota3A_543, %xor3A_587 : vector<16xi32>
      %lt3A_589 = arith.constant 0 : i32
      %lt3A_590 = vector.broadcast %lt3A_589 : i32 to vector<16xi32>
      %lt3A_591 = arith.cmpi slt, %xor3A_588, %lt3A_590 : vector<16xi32>
      %add3A_592 = arith.constant 16 : i32
      %add3A_593 = vector.broadcast %add3A_592 : i32 to vector<16xi32>
      %add3A_594 = arith.addi %xor3A_588, %add3A_593 : vector<16xi32>
      %select_n3A_595 = arith.select %lt3A_591, %add3A_594, %xor3A_588 : vector<16xi1>, vector<16xi32>
      %broadcast_in_dim3A_596 = vector.shape_cast %select_n3A_595 : vector<16xi32> to vector<16x1xi32>
      %gather3A_597 = vector.shape_cast %broadcast_in_dim3A_596 : vector<16x1xi32> to vector<16xi32>
      %gather3A_598 = tpu.dynamic_gather %min3A_585[%gather3A_597] in [0] : vector<16xf32>, vector<16xi32> -> vector<16xf32>
      %min3A_599 = arith.minimumf %min3A_585, %gather3A_598 : vector<16xf32>
      %slice3A_600 = vector.extract_strided_slice %min3A_599 {offsets = [0], sizes = [1], strides = [1]} : vector<16xf32> to vector<1xf32>
      %squeeze3A_601 = vector.extract %slice3A_600[0] : f32 from vector<1xf32>
      %add3A_602 = arith.addf %squeeze3A_601, %squeeze3A_190 : f32
      %max3A_603 = arith.constant 0.000000e+00 : f32
      %max3A_604 = arith.maximumf %add3A_602, %max3A_603 : f32
      %add3A_605 = arith.addf %add3A_542, %max3A_604 : f32
      %iota3A_606 = tpu.iota {dimensions = array<i32: 0>} : vector<16xi32>
      %xor3A_607 = arith.constant 8 : i32
      %xor3A_608 = vector.broadcast %xor3A_607 : i32 to vector<16xi32>
      %xor3A_609 = arith.xori %iota3A_606, %xor3A_608 : vector<16xi32>
      %lt3A_610 = arith.constant 0 : i32
      %lt3A_611 = vector.broadcast %lt3A_610 : i32 to vector<16xi32>
      %lt3A_612 = arith.cmpi slt, %xor3A_609, %lt3A_611 : vector<16xi32>
      %add3A_613 = arith.constant 16 : i32
      %add3A_614 = vector.broadcast %add3A_613 : i32 to vector<16xi32>
      %add3A_615 = arith.addi %xor3A_609, %add3A_614 : vector<16xi32>
      %select_n3A_616 = arith.select %lt3A_612, %add3A_615, %xor3A_609 : vector<16xi1>, vector<16xi32>
      %broadcast_in_dim3A_617 = vector.shape_cast %select_n3A_616 : vector<16xi32> to vector<16x1xi32>
      %gather3A_618 = vector.shape_cast %broadcast_in_dim3A_617 : vector<16x1xi32> to vector<16xi32>
      %gather3A_619 = tpu.dynamic_gather %scan3A_231#6[%gather3A_618] in [0] : vector<16xf32>, vector<16xi32> -> vector<16xf32>
      %min3A_620 = arith.minimumf %scan3A_231#6, %gather3A_619 : vector<16xf32>
      %xor3A_621 = arith.constant 4 : i32
      %xor3A_622 = vector.broadcast %xor3A_621 : i32 to vector<16xi32>
      %xor3A_623 = arith.xori %iota3A_606, %xor3A_622 : vector<16xi32>
      %lt3A_624 = arith.constant 0 : i32
      %lt3A_625 = vector.broadcast %lt3A_624 : i32 to vector<16xi32>
      %lt3A_626 = arith.cmpi slt, %xor3A_623, %lt3A_625 : vector<16xi32>
      %add3A_627 = arith.constant 16 : i32
      %add3A_628 = vector.broadcast %add3A_627 : i32 to vector<16xi32>
      %add3A_629 = arith.addi %xor3A_623, %add3A_628 : vector<16xi32>
      %select_n3A_630 = arith.select %lt3A_626, %add3A_629, %xor3A_623 : vector<16xi1>, vector<16xi32>
      %broadcast_in_dim3A_631 = vector.shape_cast %select_n3A_630 : vector<16xi32> to vector<16x1xi32>
      %gather3A_632 = vector.shape_cast %broadcast_in_dim3A_631 : vector<16x1xi32> to vector<16xi32>
      %gather3A_633 = tpu.dynamic_gather %min3A_620[%gather3A_632] in [0] : vector<16xf32>, vector<16xi32> -> vector<16xf32>
      %min3A_634 = arith.minimumf %min3A_620, %gather3A_633 : vector<16xf32>
      %xor3A_635 = arith.constant 2 : i32
      %xor3A_636 = vector.broadcast %xor3A_635 : i32 to vector<16xi32>
      %xor3A_637 = arith.xori %iota3A_606, %xor3A_636 : vector<16xi32>
      %lt3A_638 = arith.constant 0 : i32
      %lt3A_639 = vector.broadcast %lt3A_638 : i32 to vector<16xi32>
      %lt3A_640 = arith.cmpi slt, %xor3A_637, %lt3A_639 : vector<16xi32>
      %add3A_641 = arith.constant 16 : i32
      %add3A_642 = vector.broadcast %add3A_641 : i32 to vector<16xi32>
      %add3A_643 = arith.addi %xor3A_637, %add3A_642 : vector<16xi32>
      %select_n3A_644 = arith.select %lt3A_640, %add3A_643, %xor3A_637 : vector<16xi1>, vector<16xi32>
      %broadcast_in_dim3A_645 = vector.shape_cast %select_n3A_644 : vector<16xi32> to vector<16x1xi32>
      %gather3A_646 = vector.shape_cast %broadcast_in_dim3A_645 : vector<16x1xi32> to vector<16xi32>
      %gather3A_647 = tpu.dynamic_gather %min3A_634[%gather3A_646] in [0] : vector<16xf32>, vector<16xi32> -> vector<16xf32>
      %min3A_648 = arith.minimumf %min3A_634, %gather3A_647 : vector<16xf32>
      %xor3A_649 = arith.constant 1 : i32
      %xor3A_650 = vector.broadcast %xor3A_649 : i32 to vector<16xi32>
      %xor3A_651 = arith.xori %iota3A_606, %xor3A_650 : vector<16xi32>
      %lt3A_652 = arith.constant 0 : i32
      %lt3A_653 = vector.broadcast %lt3A_652 : i32 to vector<16xi32>
      %lt3A_654 = arith.cmpi slt, %xor3A_651, %lt3A_653 : vector<16xi32>
      %add3A_655 = arith.constant 16 : i32
      %add3A_656 = vector.broadcast %add3A_655 : i32 to vector<16xi32>
      %add3A_657 = arith.addi %xor3A_651, %add3A_656 : vector<16xi32>
      %select_n3A_658 = arith.select %lt3A_654, %add3A_657, %xor3A_651 : vector<16xi1>, vector<16xi32>
      %broadcast_in_dim3A_659 = vector.shape_cast %select_n3A_658 : vector<16xi32> to vector<16x1xi32>
      %gather3A_660 = vector.shape_cast %broadcast_in_dim3A_659 : vector<16x1xi32> to vector<16xi32>
      %gather3A_661 = tpu.dynamic_gather %min3A_648[%gather3A_660] in [0] : vector<16xf32>, vector<16xi32> -> vector<16xf32>
      %min3A_662 = arith.minimumf %min3A_648, %gather3A_661 : vector<16xf32>
      %slice3A_663 = vector.extract_strided_slice %min3A_662 {offsets = [0], sizes = [1], strides = [1]} : vector<16xf32> to vector<1xf32>
      %squeeze3A_664 = vector.extract %slice3A_663[0] : f32 from vector<1xf32>
      %add3A_665 = arith.addf %squeeze3A_664, %squeeze3A_192 : f32
      %max3A_666 = arith.constant 0.000000e+00 : f32
      %max3A_667 = arith.maximumf %add3A_665, %max3A_666 : f32
      %add3A_668 = arith.addf %add3A_605, %max3A_667 : f32
      %iota3A_669 = tpu.iota {dimensions = array<i32: 0>} : vector<16xi32>
      %xor3A_670 = arith.constant 8 : i32
      %xor3A_671 = vector.broadcast %xor3A_670 : i32 to vector<16xi32>
      %xor3A_672 = arith.xori %iota3A_669, %xor3A_671 : vector<16xi32>
      %lt3A_673 = arith.constant 0 : i32
      %lt3A_674 = vector.broadcast %lt3A_673 : i32 to vector<16xi32>
      %lt3A_675 = arith.cmpi slt, %xor3A_672, %lt3A_674 : vector<16xi32>
      %add3A_676 = arith.constant 16 : i32
      %add3A_677 = vector.broadcast %add3A_676 : i32 to vector<16xi32>
      %add3A_678 = arith.addi %xor3A_672, %add3A_677 : vector<16xi32>
      %select_n3A_679 = arith.select %lt3A_675, %add3A_678, %xor3A_672 : vector<16xi1>, vector<16xi32>
      %broadcast_in_dim3A_680 = vector.shape_cast %select_n3A_679 : vector<16xi32> to vector<16x1xi32>
      %gather3A_681 = vector.shape_cast %broadcast_in_dim3A_680 : vector<16x1xi32> to vector<16xi32>
      %gather3A_682 = tpu.dynamic_gather %scan3A_231#7[%gather3A_681] in [0] : vector<16xf32>, vector<16xi32> -> vector<16xf32>
      %min3A_683 = arith.minimumf %scan3A_231#7, %gather3A_682 : vector<16xf32>
      %xor3A_684 = arith.constant 4 : i32
      %xor3A_685 = vector.broadcast %xor3A_684 : i32 to vector<16xi32>
      %xor3A_686 = arith.xori %iota3A_669, %xor3A_685 : vector<16xi32>
      %lt3A_687 = arith.constant 0 : i32
      %lt3A_688 = vector.broadcast %lt3A_687 : i32 to vector<16xi32>
      %lt3A_689 = arith.cmpi slt, %xor3A_686, %lt3A_688 : vector<16xi32>
      %add3A_690 = arith.constant 16 : i32
      %add3A_691 = vector.broadcast %add3A_690 : i32 to vector<16xi32>
      %add3A_692 = arith.addi %xor3A_686, %add3A_691 : vector<16xi32>
      %select_n3A_693 = arith.select %lt3A_689, %add3A_692, %xor3A_686 : vector<16xi1>, vector<16xi32>
      %broadcast_in_dim3A_694 = vector.shape_cast %select_n3A_693 : vector<16xi32> to vector<16x1xi32>
      %gather3A_695 = vector.shape_cast %broadcast_in_dim3A_694 : vector<16x1xi32> to vector<16xi32>
      %gather3A_696 = tpu.dynamic_gather %min3A_683[%gather3A_695] in [0] : vector<16xf32>, vector<16xi32> -> vector<16xf32>
      %min3A_697 = arith.minimumf %min3A_683, %gather3A_696 : vector<16xf32>
      %xor3A_698 = arith.constant 2 : i32
      %xor3A_699 = vector.broadcast %xor3A_698 : i32 to vector<16xi32>
      %xor3A_700 = arith.xori %iota3A_669, %xor3A_699 : vector<16xi32>
      %lt3A_701 = arith.constant 0 : i32
      %lt3A_702 = vector.broadcast %lt3A_701 : i32 to vector<16xi32>
      %lt3A_703 = arith.cmpi slt, %xor3A_700, %lt3A_702 : vector<16xi32>
      %add3A_704 = arith.constant 16 : i32
      %add3A_705 = vector.broadcast %add3A_704 : i32 to vector<16xi32>
      %add3A_706 = arith.addi %xor3A_700, %add3A_705 : vector<16xi32>
      %select_n3A_707 = arith.select %lt3A_703, %add3A_706, %xor3A_700 : vector<16xi1>, vector<16xi32>
      %broadcast_in_dim3A_708 = vector.shape_cast %select_n3A_707 : vector<16xi32> to vector<16x1xi32>
      %gather3A_709 = vector.shape_cast %broadcast_in_dim3A_708 : vector<16x1xi32> to vector<16xi32>
      %gather3A_710 = tpu.dynamic_gather %min3A_697[%gather3A_709] in [0] : vector<16xf32>, vector<16xi32> -> vector<16xf32>
      %min3A_711 = arith.minimumf %min3A_697, %gather3A_710 : vector<16xf32>
      %xor3A_712 = arith.constant 1 : i32
      %xor3A_713 = vector.broadcast %xor3A_712 : i32 to vector<16xi32>
      %xor3A_714 = arith.xori %iota3A_669, %xor3A_713 : vector<16xi32>
      %lt3A_715 = arith.constant 0 : i32
      %lt3A_716 = vector.broadcast %lt3A_715 : i32 to vector<16xi32>
      %lt3A_717 = arith.cmpi slt, %xor3A_714, %lt3A_716 : vector<16xi32>
      %add3A_718 = arith.constant 16 : i32
      %add3A_719 = vector.broadcast %add3A_718 : i32 to vector<16xi32>
      %add3A_720 = arith.addi %xor3A_714, %add3A_719 : vector<16xi32>
      %select_n3A_721 = arith.select %lt3A_717, %add3A_720, %xor3A_714 : vector<16xi1>, vector<16xi32>
      %broadcast_in_dim3A_722 = vector.shape_cast %select_n3A_721 : vector<16xi32> to vector<16x1xi32>
      %gather3A_723 = vector.shape_cast %broadcast_in_dim3A_722 : vector<16x1xi32> to vector<16xi32>
      %gather3A_724 = tpu.dynamic_gather %min3A_711[%gather3A_723] in [0] : vector<16xf32>, vector<16xi32> -> vector<16xf32>
      %min3A_725 = arith.minimumf %min3A_711, %gather3A_724 : vector<16xf32>
      %slice3A_726 = vector.extract_strided_slice %min3A_725 {offsets = [0], sizes = [1], strides = [1]} : vector<16xf32> to vector<1xf32>
      %squeeze3A_727 = vector.extract %slice3A_726[0] : f32 from vector<1xf32>
      %add3A_728 = arith.addf %squeeze3A_727, %squeeze3A_194 : f32
      %max3A_729 = arith.constant 0.000000e+00 : f32
      %max3A_730 = arith.maximumf %add3A_728, %max3A_729 : f32
      %add3A_731 = arith.addf %add3A_668, %max3A_730 : f32
      %iota3A_732 = tpu.iota {dimensions = array<i32: 0>} : vector<16xi32>
      %xor3A_733 = arith.constant 8 : i32
      %xor3A_734 = vector.broadcast %xor3A_733 : i32 to vector<16xi32>
      %xor3A_735 = arith.xori %iota3A_732, %xor3A_734 : vector<16xi32>
      %lt3A_736 = arith.constant 0 : i32
      %lt3A_737 = vector.broadcast %lt3A_736 : i32 to vector<16xi32>
      %lt3A_738 = arith.cmpi slt, %xor3A_735, %lt3A_737 : vector<16xi32>
      %add3A_739 = arith.constant 16 : i32
      %add3A_740 = vector.broadcast %add3A_739 : i32 to vector<16xi32>
      %add3A_741 = arith.addi %xor3A_735, %add3A_740 : vector<16xi32>
      %select_n3A_742 = arith.select %lt3A_738, %add3A_741, %xor3A_735 : vector<16xi1>, vector<16xi32>
      %broadcast_in_dim3A_743 = vector.shape_cast %select_n3A_742 : vector<16xi32> to vector<16x1xi32>
      %gather3A_744 = vector.shape_cast %broadcast_in_dim3A_743 : vector<16x1xi32> to vector<16xi32>
      %gather3A_745 = tpu.dynamic_gather %scan3A_231#8[%gather3A_744] in [0] : vector<16xf32>, vector<16xi32> -> vector<16xf32>
      %min3A_746 = arith.minimumf %scan3A_231#8, %gather3A_745 : vector<16xf32>
      %xor3A_747 = arith.constant 4 : i32
      %xor3A_748 = vector.broadcast %xor3A_747 : i32 to vector<16xi32>
      %xor3A_749 = arith.xori %iota3A_732, %xor3A_748 : vector<16xi32>
      %lt3A_750 = arith.constant 0 : i32
      %lt3A_751 = vector.broadcast %lt3A_750 : i32 to vector<16xi32>
      %lt3A_752 = arith.cmpi slt, %xor3A_749, %lt3A_751 : vector<16xi32>
      %add3A_753 = arith.constant 16 : i32
      %add3A_754 = vector.broadcast %add3A_753 : i32 to vector<16xi32>
      %add3A_755 = arith.addi %xor3A_749, %add3A_754 : vector<16xi32>
      %select_n3A_756 = arith.select %lt3A_752, %add3A_755, %xor3A_749 : vector<16xi1>, vector<16xi32>
      %broadcast_in_dim3A_757 = vector.shape_cast %select_n3A_756 : vector<16xi32> to vector<16x1xi32>
      %gather3A_758 = vector.shape_cast %broadcast_in_dim3A_757 : vector<16x1xi32> to vector<16xi32>
      %gather3A_759 = tpu.dynamic_gather %min3A_746[%gather3A_758] in [0] : vector<16xf32>, vector<16xi32> -> vector<16xf32>
      %min3A_760 = arith.minimumf %min3A_746, %gather3A_759 : vector<16xf32>
      %xor3A_761 = arith.constant 2 : i32
      %xor3A_762 = vector.broadcast %xor3A_761 : i32 to vector<16xi32>
      %xor3A_763 = arith.xori %iota3A_732, %xor3A_762 : vector<16xi32>
      %lt3A_764 = arith.constant 0 : i32
      %lt3A_765 = vector.broadcast %lt3A_764 : i32 to vector<16xi32>
      %lt3A_766 = arith.cmpi slt, %xor3A_763, %lt3A_765 : vector<16xi32>
      %add3A_767 = arith.constant 16 : i32
      %add3A_768 = vector.broadcast %add3A_767 : i32 to vector<16xi32>
      %add3A_769 = arith.addi %xor3A_763, %add3A_768 : vector<16xi32>
      %select_n3A_770 = arith.select %lt3A_766, %add3A_769, %xor3A_763 : vector<16xi1>, vector<16xi32>
      %broadcast_in_dim3A_771 = vector.shape_cast %select_n3A_770 : vector<16xi32> to vector<16x1xi32>
      %gather3A_772 = vector.shape_cast %broadcast_in_dim3A_771 : vector<16x1xi32> to vector<16xi32>
      %gather3A_773 = tpu.dynamic_gather %min3A_760[%gather3A_772] in [0] : vector<16xf32>, vector<16xi32> -> vector<16xf32>
      %min3A_774 = arith.minimumf %min3A_760, %gather3A_773 : vector<16xf32>
      %xor3A_775 = arith.constant 1 : i32
      %xor3A_776 = vector.broadcast %xor3A_775 : i32 to vector<16xi32>
      %xor3A_777 = arith.xori %iota3A_732, %xor3A_776 : vector<16xi32>
      %lt3A_778 = arith.constant 0 : i32
      %lt3A_779 = vector.broadcast %lt3A_778 : i32 to vector<16xi32>
      %lt3A_780 = arith.cmpi slt, %xor3A_777, %lt3A_779 : vector<16xi32>
      %add3A_781 = arith.constant 16 : i32
      %add3A_782 = vector.broadcast %add3A_781 : i32 to vector<16xi32>
      %add3A_783 = arith.addi %xor3A_777, %add3A_782 : vector<16xi32>
      %select_n3A_784 = arith.select %lt3A_780, %add3A_783, %xor3A_777 : vector<16xi1>, vector<16xi32>
      %broadcast_in_dim3A_785 = vector.shape_cast %select_n3A_784 : vector<16xi32> to vector<16x1xi32>
      %gather3A_786 = vector.shape_cast %broadcast_in_dim3A_785 : vector<16x1xi32> to vector<16xi32>
      %gather3A_787 = tpu.dynamic_gather %min3A_774[%gather3A_786] in [0] : vector<16xf32>, vector<16xi32> -> vector<16xf32>
      %min3A_788 = arith.minimumf %min3A_774, %gather3A_787 : vector<16xf32>
      %slice3A_789 = vector.extract_strided_slice %min3A_788 {offsets = [0], sizes = [1], strides = [1]} : vector<16xf32> to vector<1xf32>
      %squeeze3A_790 = vector.extract %slice3A_789[0] : f32 from vector<1xf32>
      %add3A_791 = arith.addf %squeeze3A_790, %squeeze3A_196 : f32
      %max3A_792 = arith.constant 0.000000e+00 : f32
      %max3A_793 = arith.maximumf %add3A_791, %max3A_792 : f32
      %add3A_794 = arith.addf %add3A_731, %max3A_793 : f32
      %iota3A_795 = tpu.iota {dimensions = array<i32: 0>} : vector<16xi32>
      %xor3A_796 = arith.constant 8 : i32
      %xor3A_797 = vector.broadcast %xor3A_796 : i32 to vector<16xi32>
      %xor3A_798 = arith.xori %iota3A_795, %xor3A_797 : vector<16xi32>
      %lt3A_799 = arith.constant 0 : i32
      %lt3A_800 = vector.broadcast %lt3A_799 : i32 to vector<16xi32>
      %lt3A_801 = arith.cmpi slt, %xor3A_798, %lt3A_800 : vector<16xi32>
      %add3A_802 = arith.constant 16 : i32
      %add3A_803 = vector.broadcast %add3A_802 : i32 to vector<16xi32>
      %add3A_804 = arith.addi %xor3A_798, %add3A_803 : vector<16xi32>
      %select_n3A_805 = arith.select %lt3A_801, %add3A_804, %xor3A_798 : vector<16xi1>, vector<16xi32>
      %broadcast_in_dim3A_806 = vector.shape_cast %select_n3A_805 : vector<16xi32> to vector<16x1xi32>
      %gather3A_807 = vector.shape_cast %broadcast_in_dim3A_806 : vector<16x1xi32> to vector<16xi32>
      %gather3A_808 = tpu.dynamic_gather %scan3A_231#9[%gather3A_807] in [0] : vector<16xf32>, vector<16xi32> -> vector<16xf32>
      %min3A_809 = arith.minimumf %scan3A_231#9, %gather3A_808 : vector<16xf32>
      %xor3A_810 = arith.constant 4 : i32
      %xor3A_811 = vector.broadcast %xor3A_810 : i32 to vector<16xi32>
      %xor3A_812 = arith.xori %iota3A_795, %xor3A_811 : vector<16xi32>
      %lt3A_813 = arith.constant 0 : i32
      %lt3A_814 = vector.broadcast %lt3A_813 : i32 to vector<16xi32>
      %lt3A_815 = arith.cmpi slt, %xor3A_812, %lt3A_814 : vector<16xi32>
      %add3A_816 = arith.constant 16 : i32
      %add3A_817 = vector.broadcast %add3A_816 : i32 to vector<16xi32>
      %add3A_818 = arith.addi %xor3A_812, %add3A_817 : vector<16xi32>
      %select_n3A_819 = arith.select %lt3A_815, %add3A_818, %xor3A_812 : vector<16xi1>, vector<16xi32>
      %broadcast_in_dim3A_820 = vector.shape_cast %select_n3A_819 : vector<16xi32> to vector<16x1xi32>
      %gather3A_821 = vector.shape_cast %broadcast_in_dim3A_820 : vector<16x1xi32> to vector<16xi32>
      %gather3A_822 = tpu.dynamic_gather %min3A_809[%gather3A_821] in [0] : vector<16xf32>, vector<16xi32> -> vector<16xf32>
      %min3A_823 = arith.minimumf %min3A_809, %gather3A_822 : vector<16xf32>
      %xor3A_824 = arith.constant 2 : i32
      %xor3A_825 = vector.broadcast %xor3A_824 : i32 to vector<16xi32>
      %xor3A_826 = arith.xori %iota3A_795, %xor3A_825 : vector<16xi32>
      %lt3A_827 = arith.constant 0 : i32
      %lt3A_828 = vector.broadcast %lt3A_827 : i32 to vector<16xi32>
      %lt3A_829 = arith.cmpi slt, %xor3A_826, %lt3A_828 : vector<16xi32>
      %add3A_830 = arith.constant 16 : i32
      %add3A_831 = vector.broadcast %add3A_830 : i32 to vector<16xi32>
      %add3A_832 = arith.addi %xor3A_826, %add3A_831 : vector<16xi32>
      %select_n3A_833 = arith.select %lt3A_829, %add3A_832, %xor3A_826 : vector<16xi1>, vector<16xi32>
      %broadcast_in_dim3A_834 = vector.shape_cast %select_n3A_833 : vector<16xi32> to vector<16x1xi32>
      %gather3A_835 = vector.shape_cast %broadcast_in_dim3A_834 : vector<16x1xi32> to vector<16xi32>
      %gather3A_836 = tpu.dynamic_gather %min3A_823[%gather3A_835] in [0] : vector<16xf32>, vector<16xi32> -> vector<16xf32>
      %min3A_837 = arith.minimumf %min3A_823, %gather3A_836 : vector<16xf32>
      %xor3A_838 = arith.constant 1 : i32
      %xor3A_839 = vector.broadcast %xor3A_838 : i32 to vector<16xi32>
      %xor3A_840 = arith.xori %iota3A_795, %xor3A_839 : vector<16xi32>
      %lt3A_841 = arith.constant 0 : i32
      %lt3A_842 = vector.broadcast %lt3A_841 : i32 to vector<16xi32>
      %lt3A_843 = arith.cmpi slt, %xor3A_840, %lt3A_842 : vector<16xi32>
      %add3A_844 = arith.constant 16 : i32
      %add3A_845 = vector.broadcast %add3A_844 : i32 to vector<16xi32>
      %add3A_846 = arith.addi %xor3A_840, %add3A_845 : vector<16xi32>
      %select_n3A_847 = arith.select %lt3A_843, %add3A_846, %xor3A_840 : vector<16xi1>, vector<16xi32>
      %broadcast_in_dim3A_848 = vector.shape_cast %select_n3A_847 : vector<16xi32> to vector<16x1xi32>
      %gather3A_849 = vector.shape_cast %broadcast_in_dim3A_848 : vector<16x1xi32> to vector<16xi32>
      %gather3A_850 = tpu.dynamic_gather %min3A_837[%gather3A_849] in [0] : vector<16xf32>, vector<16xi32> -> vector<16xf32>
      %min3A_851 = arith.minimumf %min3A_837, %gather3A_850 : vector<16xf32>
      %slice3A_852 = vector.extract_strided_slice %min3A_851 {offsets = [0], sizes = [1], strides = [1]} : vector<16xf32> to vector<1xf32>
      %squeeze3A_853 = vector.extract %slice3A_852[0] : f32 from vector<1xf32>
      %add3A_854 = arith.addf %squeeze3A_853, %squeeze3A_198 : f32
      %max3A_855 = arith.constant 0.000000e+00 : f32
      %max3A_856 = arith.maximumf %add3A_854, %max3A_855 : f32
      %add3A_857 = arith.addf %add3A_794, %max3A_856 : f32
      %iota3A_858 = tpu.iota {dimensions = array<i32: 0>} : vector<16xi32>
      %xor3A_859 = arith.constant 8 : i32
      %xor3A_860 = vector.broadcast %xor3A_859 : i32 to vector<16xi32>
      %xor3A_861 = arith.xori %iota3A_858, %xor3A_860 : vector<16xi32>
      %lt3A_862 = arith.constant 0 : i32
      %lt3A_863 = vector.broadcast %lt3A_862 : i32 to vector<16xi32>
      %lt3A_864 = arith.cmpi slt, %xor3A_861, %lt3A_863 : vector<16xi32>
      %add3A_865 = arith.constant 16 : i32
      %add3A_866 = vector.broadcast %add3A_865 : i32 to vector<16xi32>
      %add3A_867 = arith.addi %xor3A_861, %add3A_866 : vector<16xi32>
      %select_n3A_868 = arith.select %lt3A_864, %add3A_867, %xor3A_861 : vector<16xi1>, vector<16xi32>
      %broadcast_in_dim3A_869 = vector.shape_cast %select_n3A_868 : vector<16xi32> to vector<16x1xi32>
      %gather3A_870 = vector.shape_cast %broadcast_in_dim3A_869 : vector<16x1xi32> to vector<16xi32>
      %gather3A_871 = tpu.dynamic_gather %scan3A_231#10[%gather3A_870] in [0] : vector<16xf32>, vector<16xi32> -> vector<16xf32>
      %min3A_872 = arith.minimumf %scan3A_231#10, %gather3A_871 : vector<16xf32>
      %xor3A_873 = arith.constant 4 : i32
      %xor3A_874 = vector.broadcast %xor3A_873 : i32 to vector<16xi32>
      %xor3A_875 = arith.xori %iota3A_858, %xor3A_874 : vector<16xi32>
      %lt3A_876 = arith.constant 0 : i32
      %lt3A_877 = vector.broadcast %lt3A_876 : i32 to vector<16xi32>
      %lt3A_878 = arith.cmpi slt, %xor3A_875, %lt3A_877 : vector<16xi32>
      %add3A_879 = arith.constant 16 : i32
      %add3A_880 = vector.broadcast %add3A_879 : i32 to vector<16xi32>
      %add3A_881 = arith.addi %xor3A_875, %add3A_880 : vector<16xi32>
      %select_n3A_882 = arith.select %lt3A_878, %add3A_881, %xor3A_875 : vector<16xi1>, vector<16xi32>
      %broadcast_in_dim3A_883 = vector.shape_cast %select_n3A_882 : vector<16xi32> to vector<16x1xi32>
      %gather3A_884 = vector.shape_cast %broadcast_in_dim3A_883 : vector<16x1xi32> to vector<16xi32>
      %gather3A_885 = tpu.dynamic_gather %min3A_872[%gather3A_884] in [0] : vector<16xf32>, vector<16xi32> -> vector<16xf32>
      %min3A_886 = arith.minimumf %min3A_872, %gather3A_885 : vector<16xf32>
      %xor3A_887 = arith.constant 2 : i32
      %xor3A_888 = vector.broadcast %xor3A_887 : i32 to vector<16xi32>
      %xor3A_889 = arith.xori %iota3A_858, %xor3A_888 : vector<16xi32>
      %lt3A_890 = arith.constant 0 : i32
      %lt3A_891 = vector.broadcast %lt3A_890 : i32 to vector<16xi32>
      %lt3A_892 = arith.cmpi slt, %xor3A_889, %lt3A_891 : vector<16xi32>
      %add3A_893 = arith.constant 16 : i32
      %add3A_894 = vector.broadcast %add3A_893 : i32 to vector<16xi32>
      %add3A_895 = arith.addi %xor3A_889, %add3A_894 : vector<16xi32>
      %select_n3A_896 = arith.select %lt3A_892, %add3A_895, %xor3A_889 : vector<16xi1>, vector<16xi32>
      %broadcast_in_dim3A_897 = vector.shape_cast %select_n3A_896 : vector<16xi32> to vector<16x1xi32>
      %gather3A_898 = vector.shape_cast %broadcast_in_dim3A_897 : vector<16x1xi32> to vector<16xi32>
      %gather3A_899 = tpu.dynamic_gather %min3A_886[%gather3A_898] in [0] : vector<16xf32>, vector<16xi32> -> vector<16xf32>
      %min3A_900 = arith.minimumf %min3A_886, %gather3A_899 : vector<16xf32>
      %xor3A_901 = arith.constant 1 : i32
      %xor3A_902 = vector.broadcast %xor3A_901 : i32 to vector<16xi32>
      %xor3A_903 = arith.xori %iota3A_858, %xor3A_902 : vector<16xi32>
      %lt3A_904 = arith.constant 0 : i32
      %lt3A_905 = vector.broadcast %lt3A_904 : i32 to vector<16xi32>
      %lt3A_906 = arith.cmpi slt, %xor3A_903, %lt3A_905 : vector<16xi32>
      %add3A_907 = arith.constant 16 : i32
      %add3A_908 = vector.broadcast %add3A_907 : i32 to vector<16xi32>
      %add3A_909 = arith.addi %xor3A_903, %add3A_908 : vector<16xi32>
      %select_n3A_910 = arith.select %lt3A_906, %add3A_909, %xor3A_903 : vector<16xi1>, vector<16xi32>
      %broadcast_in_dim3A_911 = vector.shape_cast %select_n3A_910 : vector<16xi32> to vector<16x1xi32>
      %gather3A_912 = vector.shape_cast %broadcast_in_dim3A_911 : vector<16x1xi32> to vector<16xi32>
      %gather3A_913 = tpu.dynamic_gather %min3A_900[%gather3A_912] in [0] : vector<16xf32>, vector<16xi32> -> vector<16xf32>
      %min3A_914 = arith.minimumf %min3A_900, %gather3A_913 : vector<16xf32>
      %slice3A_915 = vector.extract_strided_slice %min3A_914 {offsets = [0], sizes = [1], strides = [1]} : vector<16xf32> to vector<1xf32>
      %squeeze3A_916 = vector.extract %slice3A_915[0] : f32 from vector<1xf32>
      %add3A_917 = arith.addf %squeeze3A_916, %squeeze3A_200 : f32
      %max3A_918 = arith.constant 0.000000e+00 : f32
      %max3A_919 = arith.maximumf %add3A_917, %max3A_918 : f32
      %add3A_920 = arith.addf %add3A_857, %max3A_919 : f32
      %iota3A_921 = tpu.iota {dimensions = array<i32: 0>} : vector<16xi32>
      %xor3A_922 = arith.constant 8 : i32
      %xor3A_923 = vector.broadcast %xor3A_922 : i32 to vector<16xi32>
      %xor3A_924 = arith.xori %iota3A_921, %xor3A_923 : vector<16xi32>
      %lt3A_925 = arith.constant 0 : i32
      %lt3A_926 = vector.broadcast %lt3A_925 : i32 to vector<16xi32>
      %lt3A_927 = arith.cmpi slt, %xor3A_924, %lt3A_926 : vector<16xi32>
      %add3A_928 = arith.constant 16 : i32
      %add3A_929 = vector.broadcast %add3A_928 : i32 to vector<16xi32>
      %add3A_930 = arith.addi %xor3A_924, %add3A_929 : vector<16xi32>
      %select_n3A_931 = arith.select %lt3A_927, %add3A_930, %xor3A_924 : vector<16xi1>, vector<16xi32>
      %broadcast_in_dim3A_932 = vector.shape_cast %select_n3A_931 : vector<16xi32> to vector<16x1xi32>
      %gather3A_933 = vector.shape_cast %broadcast_in_dim3A_932 : vector<16x1xi32> to vector<16xi32>
      %gather3A_934 = tpu.dynamic_gather %scan3A_231#11[%gather3A_933] in [0] : vector<16xf32>, vector<16xi32> -> vector<16xf32>
      %min3A_935 = arith.minimumf %scan3A_231#11, %gather3A_934 : vector<16xf32>
      %xor3A_936 = arith.constant 4 : i32
      %xor3A_937 = vector.broadcast %xor3A_936 : i32 to vector<16xi32>
      %xor3A_938 = arith.xori %iota3A_921, %xor3A_937 : vector<16xi32>
      %lt3A_939 = arith.constant 0 : i32
      %lt3A_940 = vector.broadcast %lt3A_939 : i32 to vector<16xi32>
      %lt3A_941 = arith.cmpi slt, %xor3A_938, %lt3A_940 : vector<16xi32>
      %add3A_942 = arith.constant 16 : i32
      %add3A_943 = vector.broadcast %add3A_942 : i32 to vector<16xi32>
      %add3A_944 = arith.addi %xor3A_938, %add3A_943 : vector<16xi32>
      %select_n3A_945 = arith.select %lt3A_941, %add3A_944, %xor3A_938 : vector<16xi1>, vector<16xi32>
      %broadcast_in_dim3A_946 = vector.shape_cast %select_n3A_945 : vector<16xi32> to vector<16x1xi32>
      %gather3A_947 = vector.shape_cast %broadcast_in_dim3A_946 : vector<16x1xi32> to vector<16xi32>
      %gather3A_948 = tpu.dynamic_gather %min3A_935[%gather3A_947] in [0] : vector<16xf32>, vector<16xi32> -> vector<16xf32>
      %min3A_949 = arith.minimumf %min3A_935, %gather3A_948 : vector<16xf32>
      %xor3A_950 = arith.constant 2 : i32
      %xor3A_951 = vector.broadcast %xor3A_950 : i32 to vector<16xi32>
      %xor3A_952 = arith.xori %iota3A_921, %xor3A_951 : vector<16xi32>
      %lt3A_953 = arith.constant 0 : i32
      %lt3A_954 = vector.broadcast %lt3A_953 : i32 to vector<16xi32>
      %lt3A_955 = arith.cmpi slt, %xor3A_952, %lt3A_954 : vector<16xi32>
      %add3A_956 = arith.constant 16 : i32
      %add3A_957 = vector.broadcast %add3A_956 : i32 to vector<16xi32>
      %add3A_958 = arith.addi %xor3A_952, %add3A_957 : vector<16xi32>
      %select_n3A_959 = arith.select %lt3A_955, %add3A_958, %xor3A_952 : vector<16xi1>, vector<16xi32>
      %broadcast_in_dim3A_960 = vector.shape_cast %select_n3A_959 : vector<16xi32> to vector<16x1xi32>
      %gather3A_961 = vector.shape_cast %broadcast_in_dim3A_960 : vector<16x1xi32> to vector<16xi32>
      %gather3A_962 = tpu.dynamic_gather %min3A_949[%gather3A_961] in [0] : vector<16xf32>, vector<16xi32> -> vector<16xf32>
      %min3A_963 = arith.minimumf %min3A_949, %gather3A_962 : vector<16xf32>
      %xor3A_964 = arith.constant 1 : i32
      %xor3A_965 = vector.broadcast %xor3A_964 : i32 to vector<16xi32>
      %xor3A_966 = arith.xori %iota3A_921, %xor3A_965 : vector<16xi32>
      %lt3A_967 = arith.constant 0 : i32
      %lt3A_968 = vector.broadcast %lt3A_967 : i32 to vector<16xi32>
      %lt3A_969 = arith.cmpi slt, %xor3A_966, %lt3A_968 : vector<16xi32>
      %add3A_970 = arith.constant 16 : i32
      %add3A_971 = vector.broadcast %add3A_970 : i32 to vector<16xi32>
      %add3A_972 = arith.addi %xor3A_966, %add3A_971 : vector<16xi32>
      %select_n3A_973 = arith.select %lt3A_969, %add3A_972, %xor3A_966 : vector<16xi1>, vector<16xi32>
      %broadcast_in_dim3A_974 = vector.shape_cast %select_n3A_973 : vector<16xi32> to vector<16x1xi32>
      %gather3A_975 = vector.shape_cast %broadcast_in_dim3A_974 : vector<16x1xi32> to vector<16xi32>
      %gather3A_976 = tpu.dynamic_gather %min3A_963[%gather3A_975] in [0] : vector<16xf32>, vector<16xi32> -> vector<16xf32>
      %min3A_977 = arith.minimumf %min3A_963, %gather3A_976 : vector<16xf32>
      %slice3A_978 = vector.extract_strided_slice %min3A_977 {offsets = [0], sizes = [1], strides = [1]} : vector<16xf32> to vector<1xf32>
      %squeeze3A_979 = vector.extract %slice3A_978[0] : f32 from vector<1xf32>
      %add3A_980 = arith.addf %squeeze3A_979, %squeeze3A_202 : f32
      %max3A_981 = arith.constant 0.000000e+00 : f32
      %max3A_982 = arith.maximumf %add3A_980, %max3A_981 : f32
      %add3A_983 = arith.addf %add3A_920, %max3A_982 : f32
      %iota3A_984 = tpu.iota {dimensions = array<i32: 0>} : vector<16xi32>
      %xor3A_985 = arith.constant 8 : i32
      %xor3A_986 = vector.broadcast %xor3A_985 : i32 to vector<16xi32>
      %xor3A_987 = arith.xori %iota3A_984, %xor3A_986 : vector<16xi32>
      %lt3A_988 = arith.constant 0 : i32
      %lt3A_989 = vector.broadcast %lt3A_988 : i32 to vector<16xi32>
      %lt3A_990 = arith.cmpi slt, %xor3A_987, %lt3A_989 : vector<16xi32>
      %add3A_991 = arith.constant 16 : i32
      %add3A_992 = vector.broadcast %add3A_991 : i32 to vector<16xi32>
      %add3A_993 = arith.addi %xor3A_987, %add3A_992 : vector<16xi32>
      %select_n3A_994 = arith.select %lt3A_990, %add3A_993, %xor3A_987 : vector<16xi1>, vector<16xi32>
      %broadcast_in_dim3A_995 = vector.shape_cast %select_n3A_994 : vector<16xi32> to vector<16x1xi32>
      %gather3A_996 = vector.shape_cast %broadcast_in_dim3A_995 : vector<16x1xi32> to vector<16xi32>
      %gather3A_997 = tpu.dynamic_gather %scan3A_231#12[%gather3A_996] in [0] : vector<16xf32>, vector<16xi32> -> vector<16xf32>
      %min3A_998 = arith.minimumf %scan3A_231#12, %gather3A_997 : vector<16xf32>
      %xor3A_999 = arith.constant 4 : i32
      %xor3A_1000 = vector.broadcast %xor3A_999 : i32 to vector<16xi32>
      %xor3A_1001 = arith.xori %iota3A_984, %xor3A_1000 : vector<16xi32>
      %lt3A_1002 = arith.constant 0 : i32
      %lt3A_1003 = vector.broadcast %lt3A_1002 : i32 to vector<16xi32>
      %lt3A_1004 = arith.cmpi slt, %xor3A_1001, %lt3A_1003 : vector<16xi32>
      %add3A_1005 = arith.constant 16 : i32
      %add3A_1006 = vector.broadcast %add3A_1005 : i32 to vector<16xi32>
      %add3A_1007 = arith.addi %xor3A_1001, %add3A_1006 : vector<16xi32>
      %select_n3A_1008 = arith.select %lt3A_1004, %add3A_1007, %xor3A_1001 : vector<16xi1>, vector<16xi32>
      %broadcast_in_dim3A_1009 = vector.shape_cast %select_n3A_1008 : vector<16xi32> to vector<16x1xi32>
      %gather3A_1010 = vector.shape_cast %broadcast_in_dim3A_1009 : vector<16x1xi32> to vector<16xi32>
      %gather3A_1011 = tpu.dynamic_gather %min3A_998[%gather3A_1010] in [0] : vector<16xf32>, vector<16xi32> -> vector<16xf32>
      %min3A_1012 = arith.minimumf %min3A_998, %gather3A_1011 : vector<16xf32>
      %xor3A_1013 = arith.constant 2 : i32
      %xor3A_1014 = vector.broadcast %xor3A_1013 : i32 to vector<16xi32>
      %xor3A_1015 = arith.xori %iota3A_984, %xor3A_1014 : vector<16xi32>
      %lt3A_1016 = arith.constant 0 : i32
      %lt3A_1017 = vector.broadcast %lt3A_1016 : i32 to vector<16xi32>
      %lt3A_1018 = arith.cmpi slt, %xor3A_1015, %lt3A_1017 : vector<16xi32>
      %add3A_1019 = arith.constant 16 : i32
      %add3A_1020 = vector.broadcast %add3A_1019 : i32 to vector<16xi32>
      %add3A_1021 = arith.addi %xor3A_1015, %add3A_1020 : vector<16xi32>
      %select_n3A_1022 = arith.select %lt3A_1018, %add3A_1021, %xor3A_1015 : vector<16xi1>, vector<16xi32>
      %broadcast_in_dim3A_1023 = vector.shape_cast %select_n3A_1022 : vector<16xi32> to vector<16x1xi32>
      %gather3A_1024 = vector.shape_cast %broadcast_in_dim3A_1023 : vector<16x1xi32> to vector<16xi32>
      %gather3A_1025 = tpu.dynamic_gather %min3A_1012[%gather3A_1024] in [0] : vector<16xf32>, vector<16xi32> -> vector<16xf32>
      %min3A_1026 = arith.minimumf %min3A_1012, %gather3A_1025 : vector<16xf32>
      %xor3A_1027 = arith.constant 1 : i32
      %xor3A_1028 = vector.broadcast %xor3A_1027 : i32 to vector<16xi32>
      %xor3A_1029 = arith.xori %iota3A_984, %xor3A_1028 : vector<16xi32>
      %lt3A_1030 = arith.constant 0 : i32
      %lt3A_1031 = vector.broadcast %lt3A_1030 : i32 to vector<16xi32>
      %lt3A_1032 = arith.cmpi slt, %xor3A_1029, %lt3A_1031 : vector<16xi32>
      %add3A_1033 = arith.constant 16 : i32
      %add3A_1034 = vector.broadcast %add3A_1033 : i32 to vector<16xi32>
      %add3A_1035 = arith.addi %xor3A_1029, %add3A_1034 : vector<16xi32>
      %select_n3A_1036 = arith.select %lt3A_1032, %add3A_1035, %xor3A_1029 : vector<16xi1>, vector<16xi32>
      %broadcast_in_dim3A_1037 = vector.shape_cast %select_n3A_1036 : vector<16xi32> to vector<16x1xi32>
      %gather3A_1038 = vector.shape_cast %broadcast_in_dim3A_1037 : vector<16x1xi32> to vector<16xi32>
      %gather3A_1039 = tpu.dynamic_gather %min3A_1026[%gather3A_1038] in [0] : vector<16xf32>, vector<16xi32> -> vector<16xf32>
      %min3A_1040 = arith.minimumf %min3A_1026, %gather3A_1039 : vector<16xf32>
      %slice3A_1041 = vector.extract_strided_slice %min3A_1040 {offsets = [0], sizes = [1], strides = [1]} : vector<16xf32> to vector<1xf32>
      %squeeze3A_1042 = vector.extract %slice3A_1041[0] : f32 from vector<1xf32>
      %add3A_1043 = arith.addf %squeeze3A_1042, %squeeze3A_204 : f32
      %max3A_1044 = arith.constant 0.000000e+00 : f32
      %max3A_1045 = arith.maximumf %add3A_1043, %max3A_1044 : f32
      %add3A_1046 = arith.addf %add3A_983, %max3A_1045 : f32
      %iota3A_1047 = tpu.iota {dimensions = array<i32: 0>} : vector<16xi32>
      %xor3A_1048 = arith.constant 8 : i32
      %xor3A_1049 = vector.broadcast %xor3A_1048 : i32 to vector<16xi32>
      %xor3A_1050 = arith.xori %iota3A_1047, %xor3A_1049 : vector<16xi32>
      %lt3A_1051 = arith.constant 0 : i32
      %lt3A_1052 = vector.broadcast %lt3A_1051 : i32 to vector<16xi32>
      %lt3A_1053 = arith.cmpi slt, %xor3A_1050, %lt3A_1052 : vector<16xi32>
      %add3A_1054 = arith.constant 16 : i32
      %add3A_1055 = vector.broadcast %add3A_1054 : i32 to vector<16xi32>
      %add3A_1056 = arith.addi %xor3A_1050, %add3A_1055 : vector<16xi32>
      %select_n3A_1057 = arith.select %lt3A_1053, %add3A_1056, %xor3A_1050 : vector<16xi1>, vector<16xi32>
      %broadcast_in_dim3A_1058 = vector.shape_cast %select_n3A_1057 : vector<16xi32> to vector<16x1xi32>
      %gather3A_1059 = vector.shape_cast %broadcast_in_dim3A_1058 : vector<16x1xi32> to vector<16xi32>
      %gather3A_1060 = tpu.dynamic_gather %scan3A_231#13[%gather3A_1059] in [0] : vector<16xf32>, vector<16xi32> -> vector<16xf32>
      %min3A_1061 = arith.minimumf %scan3A_231#13, %gather3A_1060 : vector<16xf32>
      %xor3A_1062 = arith.constant 4 : i32
      %xor3A_1063 = vector.broadcast %xor3A_1062 : i32 to vector<16xi32>
      %xor3A_1064 = arith.xori %iota3A_1047, %xor3A_1063 : vector<16xi32>
      %lt3A_1065 = arith.constant 0 : i32
      %lt3A_1066 = vector.broadcast %lt3A_1065 : i32 to vector<16xi32>
      %lt3A_1067 = arith.cmpi slt, %xor3A_1064, %lt3A_1066 : vector<16xi32>
      %add3A_1068 = arith.constant 16 : i32
      %add3A_1069 = vector.broadcast %add3A_1068 : i32 to vector<16xi32>
      %add3A_1070 = arith.addi %xor3A_1064, %add3A_1069 : vector<16xi32>
      %select_n3A_1071 = arith.select %lt3A_1067, %add3A_1070, %xor3A_1064 : vector<16xi1>, vector<16xi32>
      %broadcast_in_dim3A_1072 = vector.shape_cast %select_n3A_1071 : vector<16xi32> to vector<16x1xi32>
      %gather3A_1073 = vector.shape_cast %broadcast_in_dim3A_1072 : vector<16x1xi32> to vector<16xi32>
      %gather3A_1074 = tpu.dynamic_gather %min3A_1061[%gather3A_1073] in [0] : vector<16xf32>, vector<16xi32> -> vector<16xf32>
      %min3A_1075 = arith.minimumf %min3A_1061, %gather3A_1074 : vector<16xf32>
      %xor3A_1076 = arith.constant 2 : i32
      %xor3A_1077 = vector.broadcast %xor3A_1076 : i32 to vector<16xi32>
      %xor3A_1078 = arith.xori %iota3A_1047, %xor3A_1077 : vector<16xi32>
      %lt3A_1079 = arith.constant 0 : i32
      %lt3A_1080 = vector.broadcast %lt3A_1079 : i32 to vector<16xi32>
      %lt3A_1081 = arith.cmpi slt, %xor3A_1078, %lt3A_1080 : vector<16xi32>
      %add3A_1082 = arith.constant 16 : i32
      %add3A_1083 = vector.broadcast %add3A_1082 : i32 to vector<16xi32>
      %add3A_1084 = arith.addi %xor3A_1078, %add3A_1083 : vector<16xi32>
      %select_n3A_1085 = arith.select %lt3A_1081, %add3A_1084, %xor3A_1078 : vector<16xi1>, vector<16xi32>
      %broadcast_in_dim3A_1086 = vector.shape_cast %select_n3A_1085 : vector<16xi32> to vector<16x1xi32>
      %gather3A_1087 = vector.shape_cast %broadcast_in_dim3A_1086 : vector<16x1xi32> to vector<16xi32>
      %gather3A_1088 = tpu.dynamic_gather %min3A_1075[%gather3A_1087] in [0] : vector<16xf32>, vector<16xi32> -> vector<16xf32>
      %min3A_1089 = arith.minimumf %min3A_1075, %gather3A_1088 : vector<16xf32>
      %xor3A_1090 = arith.constant 1 : i32
      %xor3A_1091 = vector.broadcast %xor3A_1090 : i32 to vector<16xi32>
      %xor3A_1092 = arith.xori %iota3A_1047, %xor3A_1091 : vector<16xi32>
      %lt3A_1093 = arith.constant 0 : i32
      %lt3A_1094 = vector.broadcast %lt3A_1093 : i32 to vector<16xi32>
      %lt3A_1095 = arith.cmpi slt, %xor3A_1092, %lt3A_1094 : vector<16xi32>
      %add3A_1096 = arith.constant 16 : i32
      %add3A_1097 = vector.broadcast %add3A_1096 : i32 to vector<16xi32>
      %add3A_1098 = arith.addi %xor3A_1092, %add3A_1097 : vector<16xi32>
      %select_n3A_1099 = arith.select %lt3A_1095, %add3A_1098, %xor3A_1092 : vector<16xi1>, vector<16xi32>
      %broadcast_in_dim3A_1100 = vector.shape_cast %select_n3A_1099 : vector<16xi32> to vector<16x1xi32>
      %gather3A_1101 = vector.shape_cast %broadcast_in_dim3A_1100 : vector<16x1xi32> to vector<16xi32>
      %gather3A_1102 = tpu.dynamic_gather %min3A_1089[%gather3A_1101] in [0] : vector<16xf32>, vector<16xi32> -> vector<16xf32>
      %min3A_1103 = arith.minimumf %min3A_1089, %gather3A_1102 : vector<16xf32>
      %slice3A_1104 = vector.extract_strided_slice %min3A_1103 {offsets = [0], sizes = [1], strides = [1]} : vector<16xf32> to vector<1xf32>
      %squeeze3A_1105 = vector.extract %slice3A_1104[0] : f32 from vector<1xf32>
      %add3A_1106 = arith.addf %squeeze3A_1105, %squeeze3A_206 : f32
      %max3A_1107 = arith.constant 0.000000e+00 : f32
      %max3A_1108 = arith.maximumf %add3A_1106, %max3A_1107 : f32
      %add3A_1109 = arith.addf %add3A_1046, %max3A_1108 : f32
      %iota3A_1110 = tpu.iota {dimensions = array<i32: 0>} : vector<16xi32>
      %xor3A_1111 = arith.constant 8 : i32
      %xor3A_1112 = vector.broadcast %xor3A_1111 : i32 to vector<16xi32>
      %xor3A_1113 = arith.xori %iota3A_1110, %xor3A_1112 : vector<16xi32>
      %lt3A_1114 = arith.constant 0 : i32
      %lt3A_1115 = vector.broadcast %lt3A_1114 : i32 to vector<16xi32>
      %lt3A_1116 = arith.cmpi slt, %xor3A_1113, %lt3A_1115 : vector<16xi32>
      %add3A_1117 = arith.constant 16 : i32
      %add3A_1118 = vector.broadcast %add3A_1117 : i32 to vector<16xi32>
      %add3A_1119 = arith.addi %xor3A_1113, %add3A_1118 : vector<16xi32>
      %select_n3A_1120 = arith.select %lt3A_1116, %add3A_1119, %xor3A_1113 : vector<16xi1>, vector<16xi32>
      %broadcast_in_dim3A_1121 = vector.shape_cast %select_n3A_1120 : vector<16xi32> to vector<16x1xi32>
      %gather3A_1122 = vector.shape_cast %broadcast_in_dim3A_1121 : vector<16x1xi32> to vector<16xi32>
      %gather3A_1123 = tpu.dynamic_gather %scan3A_231#14[%gather3A_1122] in [0] : vector<16xf32>, vector<16xi32> -> vector<16xf32>
      %min3A_1124 = arith.minimumf %scan3A_231#14, %gather3A_1123 : vector<16xf32>
      %xor3A_1125 = arith.constant 4 : i32
      %xor3A_1126 = vector.broadcast %xor3A_1125 : i32 to vector<16xi32>
      %xor3A_1127 = arith.xori %iota3A_1110, %xor3A_1126 : vector<16xi32>
      %lt3A_1128 = arith.constant 0 : i32
      %lt3A_1129 = vector.broadcast %lt3A_1128 : i32 to vector<16xi32>
      %lt3A_1130 = arith.cmpi slt, %xor3A_1127, %lt3A_1129 : vector<16xi32>
      %add3A_1131 = arith.constant 16 : i32
      %add3A_1132 = vector.broadcast %add3A_1131 : i32 to vector<16xi32>
      %add3A_1133 = arith.addi %xor3A_1127, %add3A_1132 : vector<16xi32>
      %select_n3A_1134 = arith.select %lt3A_1130, %add3A_1133, %xor3A_1127 : vector<16xi1>, vector<16xi32>
      %broadcast_in_dim3A_1135 = vector.shape_cast %select_n3A_1134 : vector<16xi32> to vector<16x1xi32>
      %gather3A_1136 = vector.shape_cast %broadcast_in_dim3A_1135 : vector<16x1xi32> to vector<16xi32>
      %gather3A_1137 = tpu.dynamic_gather %min3A_1124[%gather3A_1136] in [0] : vector<16xf32>, vector<16xi32> -> vector<16xf32>
      %min3A_1138 = arith.minimumf %min3A_1124, %gather3A_1137 : vector<16xf32>
      %xor3A_1139 = arith.constant 2 : i32
      %xor3A_1140 = vector.broadcast %xor3A_1139 : i32 to vector<16xi32>
      %xor3A_1141 = arith.xori %iota3A_1110, %xor3A_1140 : vector<16xi32>
      %lt3A_1142 = arith.constant 0 : i32
      %lt3A_1143 = vector.broadcast %lt3A_1142 : i32 to vector<16xi32>
      %lt3A_1144 = arith.cmpi slt, %xor3A_1141, %lt3A_1143 : vector<16xi32>
      %add3A_1145 = arith.constant 16 : i32
      %add3A_1146 = vector.broadcast %add3A_1145 : i32 to vector<16xi32>
      %add3A_1147 = arith.addi %xor3A_1141, %add3A_1146 : vector<16xi32>
      %select_n3A_1148 = arith.select %lt3A_1144, %add3A_1147, %xor3A_1141 : vector<16xi1>, vector<16xi32>
      %broadcast_in_dim3A_1149 = vector.shape_cast %select_n3A_1148 : vector<16xi32> to vector<16x1xi32>
      %gather3A_1150 = vector.shape_cast %broadcast_in_dim3A_1149 : vector<16x1xi32> to vector<16xi32>
      %gather3A_1151 = tpu.dynamic_gather %min3A_1138[%gather3A_1150] in [0] : vector<16xf32>, vector<16xi32> -> vector<16xf32>
      %min3A_1152 = arith.minimumf %min3A_1138, %gather3A_1151 : vector<16xf32>
      %xor3A_1153 = arith.constant 1 : i32
      %xor3A_1154 = vector.broadcast %xor3A_1153 : i32 to vector<16xi32>
      %xor3A_1155 = arith.xori %iota3A_1110, %xor3A_1154 : vector<16xi32>
      %lt3A_1156 = arith.constant 0 : i32
      %lt3A_1157 = vector.broadcast %lt3A_1156 : i32 to vector<16xi32>
      %lt3A_1158 = arith.cmpi slt, %xor3A_1155, %lt3A_1157 : vector<16xi32>
      %add3A_1159 = arith.constant 16 : i32
      %add3A_1160 = vector.broadcast %add3A_1159 : i32 to vector<16xi32>
      %add3A_1161 = arith.addi %xor3A_1155, %add3A_1160 : vector<16xi32>
      %select_n3A_1162 = arith.select %lt3A_1158, %add3A_1161, %xor3A_1155 : vector<16xi1>, vector<16xi32>
      %broadcast_in_dim3A_1163 = vector.shape_cast %select_n3A_1162 : vector<16xi32> to vector<16x1xi32>
      %gather3A_1164 = vector.shape_cast %broadcast_in_dim3A_1163 : vector<16x1xi32> to vector<16xi32>
      %gather3A_1165 = tpu.dynamic_gather %min3A_1152[%gather3A_1164] in [0] : vector<16xf32>, vector<16xi32> -> vector<16xf32>
      %min3A_1166 = arith.minimumf %min3A_1152, %gather3A_1165 : vector<16xf32>
      %slice3A_1167 = vector.extract_strided_slice %min3A_1166 {offsets = [0], sizes = [1], strides = [1]} : vector<16xf32> to vector<1xf32>
      %squeeze3A_1168 = vector.extract %slice3A_1167[0] : f32 from vector<1xf32>
      %add3A_1169 = arith.addf %squeeze3A_1168, %squeeze3A_208 : f32
      %max3A_1170 = arith.constant 0.000000e+00 : f32
      %max3A_1171 = arith.maximumf %add3A_1169, %max3A_1170 : f32
      %add3A_1172 = arith.addf %add3A_1109, %max3A_1171 : f32
      %iota3A_1173 = tpu.iota {dimensions = array<i32: 0>} : vector<16xi32>
      %xor3A_1174 = arith.constant 8 : i32
      %xor3A_1175 = vector.broadcast %xor3A_1174 : i32 to vector<16xi32>
      %xor3A_1176 = arith.xori %iota3A_1173, %xor3A_1175 : vector<16xi32>
      %lt3A_1177 = arith.constant 0 : i32
      %lt3A_1178 = vector.broadcast %lt3A_1177 : i32 to vector<16xi32>
      %lt3A_1179 = arith.cmpi slt, %xor3A_1176, %lt3A_1178 : vector<16xi32>
      %add3A_1180 = arith.constant 16 : i32
      %add3A_1181 = vector.broadcast %add3A_1180 : i32 to vector<16xi32>
      %add3A_1182 = arith.addi %xor3A_1176, %add3A_1181 : vector<16xi32>
      %select_n3A_1183 = arith.select %lt3A_1179, %add3A_1182, %xor3A_1176 : vector<16xi1>, vector<16xi32>
      %broadcast_in_dim3A_1184 = vector.shape_cast %select_n3A_1183 : vector<16xi32> to vector<16x1xi32>
      %gather3A_1185 = vector.shape_cast %broadcast_in_dim3A_1184 : vector<16x1xi32> to vector<16xi32>
      %gather3A_1186 = tpu.dynamic_gather %scan3A_231#15[%gather3A_1185] in [0] : vector<16xf32>, vector<16xi32> -> vector<16xf32>
      %min3A_1187 = arith.minimumf %scan3A_231#15, %gather3A_1186 : vector<16xf32>
      %xor3A_1188 = arith.constant 4 : i32
      %xor3A_1189 = vector.broadcast %xor3A_1188 : i32 to vector<16xi32>
      %xor3A_1190 = arith.xori %iota3A_1173, %xor3A_1189 : vector<16xi32>
      %lt3A_1191 = arith.constant 0 : i32
      %lt3A_1192 = vector.broadcast %lt3A_1191 : i32 to vector<16xi32>
      %lt3A_1193 = arith.cmpi slt, %xor3A_1190, %lt3A_1192 : vector<16xi32>
      %add3A_1194 = arith.constant 16 : i32
      %add3A_1195 = vector.broadcast %add3A_1194 : i32 to vector<16xi32>
      %add3A_1196 = arith.addi %xor3A_1190, %add3A_1195 : vector<16xi32>
      %select_n3A_1197 = arith.select %lt3A_1193, %add3A_1196, %xor3A_1190 : vector<16xi1>, vector<16xi32>
      %broadcast_in_dim3A_1198 = vector.shape_cast %select_n3A_1197 : vector<16xi32> to vector<16x1xi32>
      %gather3A_1199 = vector.shape_cast %broadcast_in_dim3A_1198 : vector<16x1xi32> to vector<16xi32>
      %gather3A_1200 = tpu.dynamic_gather %min3A_1187[%gather3A_1199] in [0] : vector<16xf32>, vector<16xi32> -> vector<16xf32>
      %min3A_1201 = arith.minimumf %min3A_1187, %gather3A_1200 : vector<16xf32>
      %xor3A_1202 = arith.constant 2 : i32
      %xor3A_1203 = vector.broadcast %xor3A_1202 : i32 to vector<16xi32>
      %xor3A_1204 = arith.xori %iota3A_1173, %xor3A_1203 : vector<16xi32>
      %lt3A_1205 = arith.constant 0 : i32
      %lt3A_1206 = vector.broadcast %lt3A_1205 : i32 to vector<16xi32>
      %lt3A_1207 = arith.cmpi slt, %xor3A_1204, %lt3A_1206 : vector<16xi32>
      %add3A_1208 = arith.constant 16 : i32
      %add3A_1209 = vector.broadcast %add3A_1208 : i32 to vector<16xi32>
      %add3A_1210 = arith.addi %xor3A_1204, %add3A_1209 : vector<16xi32>
      %select_n3A_1211 = arith.select %lt3A_1207, %add3A_1210, %xor3A_1204 : vector<16xi1>, vector<16xi32>
      %broadcast_in_dim3A_1212 = vector.shape_cast %select_n3A_1211 : vector<16xi32> to vector<16x1xi32>
      %gather3A_1213 = vector.shape_cast %broadcast_in_dim3A_1212 : vector<16x1xi32> to vector<16xi32>
      %gather3A_1214 = tpu.dynamic_gather %min3A_1201[%gather3A_1213] in [0] : vector<16xf32>, vector<16xi32> -> vector<16xf32>
      %min3A_1215 = arith.minimumf %min3A_1201, %gather3A_1214 : vector<16xf32>
      %xor3A_1216 = arith.constant 1 : i32
      %xor3A_1217 = vector.broadcast %xor3A_1216 : i32 to vector<16xi32>
      %xor3A_1218 = arith.xori %iota3A_1173, %xor3A_1217 : vector<16xi32>
      %lt3A_1219 = arith.constant 0 : i32
      %lt3A_1220 = vector.broadcast %lt3A_1219 : i32 to vector<16xi32>
      %lt3A_1221 = arith.cmpi slt, %xor3A_1218, %lt3A_1220 : vector<16xi32>
      %add3A_1222 = arith.constant 16 : i32
      %add3A_1223 = vector.broadcast %add3A_1222 : i32 to vector<16xi32>
      %add3A_1224 = arith.addi %xor3A_1218, %add3A_1223 : vector<16xi32>
      %select_n3A_1225 = arith.select %lt3A_1221, %add3A_1224, %xor3A_1218 : vector<16xi1>, vector<16xi32>
      %broadcast_in_dim3A_1226 = vector.shape_cast %select_n3A_1225 : vector<16xi32> to vector<16x1xi32>
      %gather3A_1227 = vector.shape_cast %broadcast_in_dim3A_1226 : vector<16x1xi32> to vector<16xi32>
      %gather3A_1228 = tpu.dynamic_gather %min3A_1215[%gather3A_1227] in [0] : vector<16xf32>, vector<16xi32> -> vector<16xf32>
      %min3A_1229 = arith.minimumf %min3A_1215, %gather3A_1228 : vector<16xf32>
      %slice3A_1230 = vector.extract_strided_slice %min3A_1229 {offsets = [0], sizes = [1], strides = [1]} : vector<16xf32> to vector<1xf32>
      %squeeze3A_1231 = vector.extract %slice3A_1230[0] : f32 from vector<1xf32>
      %add3A_1232 = arith.addf %squeeze3A_1231, %squeeze3A_210 : f32
      %max3A_1233 = arith.constant 0.000000e+00 : f32
      %max3A_1234 = arith.maximumf %add3A_1232, %max3A_1233 : f32
      %add3A_1235 = arith.addf %add3A_1172, %max3A_1234 : f32
      scf.yield %add3A_1235 : f32
    }
    %scan3A_39 = arith.constant 32 : i32
    "tpu.region"() ({
      %run_scoped3A = tpu.sem_alloc : memref<!tpu.dma_semaphore, #tpu.memory_space<semaphore_mem>>
      %dma_start3A = arith.constant 0 : i32
      %dma_start3A_62 = arith.constant 0 : i32
      %dma_start3A_63 = tpu.memref_slice %arg2[%select_n3A, %dma_start3A, %dma_start3A_62] : memref<8x4x2048xf32, #tpu.memory_space<hbm>> -> memref<1x4x2048xf32, #tpu.memory_space<hbm>>
      %dma_start3A_64 = tpu.memref_squeeze %dma_start3A_63 : memref<1x4x2048xf32, #tpu.memory_space<hbm>> -> memref<4x2048xf32, #tpu.memory_space<hbm>>
      %dma_start3A_65 = arith.constant 0 : i32
      %dma_start3A_66 = arith.constant 0 : i32
      %dma_start3A_67 = tpu.memref_slice %arg2[%select_n3A, %dma_start3A_65, %dma_start3A_66] : memref<8x4x2048xf32, #tpu.memory_space<hbm>> -> memref<1x4x2048xf32, #tpu.memory_space<hbm>>
      %dma_start3A_68 = tpu.memref_squeeze %dma_start3A_67 : memref<1x4x2048xf32, #tpu.memory_space<hbm>> -> memref<4x2048xf32, #tpu.memory_space<hbm>>
      tpu.enqueue_dma source(%dma_start3A_68 : memref<4x2048xf32, #tpu.memory_space<hbm>>) target(%arg5 : memref<4x2048xf32, #tpu.memory_space<vmem>>) target_semaphore(%run_scoped3A : memref<!tpu.dma_semaphore, #tpu.memory_space<semaphore_mem>>)
      %dma_wait3A = arith.constant 0 : i32
      %dma_wait3A_69 = arith.constant 0 : i32
      %dma_wait3A_70 = tpu.memref_slice %arg2[%select_n3A, %dma_wait3A, %dma_wait3A_69] : memref<8x4x2048xf32, #tpu.memory_space<hbm>> -> memref<1x4x2048xf32, #tpu.memory_space<hbm>>
      %dma_wait3A_71 = tpu.memref_squeeze %dma_wait3A_70 : memref<1x4x2048xf32, #tpu.memory_space<hbm>> -> memref<4x2048xf32, #tpu.memory_space<hbm>>
      %dma_wait3A_72 = arith.constant 0 : i32
      %dma_wait3A_73 = arith.constant 0 : i32
      %dma_wait3A_74 = tpu.memref_slice %arg2[%select_n3A, %dma_wait3A_72, %dma_wait3A_73] : memref<8x4x2048xf32, #tpu.memory_space<hbm>> -> memref<1x4x2048xf32, #tpu.memory_space<hbm>>
      %dma_wait3A_75 = tpu.memref_squeeze %dma_wait3A_74 : memref<1x4x2048xf32, #tpu.memory_space<hbm>> -> memref<4x2048xf32, #tpu.memory_space<hbm>>
      tpu.wait_dma2 semaphore(%run_scoped3A : memref<!tpu.dma_semaphore, #tpu.memory_space<semaphore_mem>>) src(%dma_wait3A_75 : memref<4x2048xf32, #tpu.memory_space<hbm>>) dst(%arg5 : memref<4x2048xf32, #tpu.memory_space<vmem>>)
      tpu.yield
    }) : () -> ()
    %mul3A_40 = arith.constant 512 : i32
    %mul3A_41 = arith.muli %select_n3A_30, %mul3A_40 : i32
    "tpu.region"() ({
      %run_scoped3A = tpu.sem_alloc : memref<!tpu.dma_semaphore, #tpu.memory_space<semaphore_mem>>
      %dma_start3A = arith.constant 0 : i32
      %dma_start3A_62 = tpu.memref_slice %arg3[%select_n3A, %dma_start3A, %mul3A_41] : memref<8x4x2048xf32, #tpu.memory_space<hbm>> -> memref<1x4x512xf32, #tpu.memory_space<hbm>>
      %dma_start3A_63 = tpu.memref_squeeze %dma_start3A_62 : memref<1x4x512xf32, #tpu.memory_space<hbm>> -> memref<4x512xf32, #tpu.memory_space<hbm>>
      %dma_start3A_64 = arith.constant 0 : i32
      %dma_start3A_65 = tpu.memref_slice %arg3[%select_n3A, %dma_start3A_64, %mul3A_41] : memref<8x4x2048xf32, #tpu.memory_space<hbm>> -> memref<1x4x512xf32, #tpu.memory_space<hbm>>
      %dma_start3A_66 = tpu.memref_squeeze %dma_start3A_65 : memref<1x4x512xf32, #tpu.memory_space<hbm>> -> memref<4x512xf32, #tpu.memory_space<hbm>>
      tpu.enqueue_dma source(%dma_start3A_66 : memref<4x512xf32, #tpu.memory_space<hbm>>) target(%arg6 : memref<4x512xf32, #tpu.memory_space<vmem>>) target_semaphore(%run_scoped3A : memref<!tpu.dma_semaphore, #tpu.memory_space<semaphore_mem>>)
      %dma_wait3A = arith.constant 0 : i32
      %dma_wait3A_67 = tpu.memref_slice %arg3[%select_n3A, %dma_wait3A, %mul3A_41] : memref<8x4x2048xf32, #tpu.memory_space<hbm>> -> memref<1x4x512xf32, #tpu.memory_space<hbm>>
      %dma_wait3A_68 = tpu.memref_squeeze %dma_wait3A_67 : memref<1x4x512xf32, #tpu.memory_space<hbm>> -> memref<4x512xf32, #tpu.memory_space<hbm>>
      %dma_wait3A_69 = arith.constant 0 : i32
      %dma_wait3A_70 = tpu.memref_slice %arg3[%select_n3A, %dma_wait3A_69, %mul3A_41] : memref<8x4x2048xf32, #tpu.memory_space<hbm>> -> memref<1x4x512xf32, #tpu.memory_space<hbm>>
      %dma_wait3A_71 = tpu.memref_squeeze %dma_wait3A_70 : memref<1x4x512xf32, #tpu.memory_space<hbm>> -> memref<4x512xf32, #tpu.memory_space<hbm>>
      tpu.wait_dma2 semaphore(%run_scoped3A : memref<!tpu.dma_semaphore, #tpu.memory_space<semaphore_mem>>) src(%dma_wait3A_71 : memref<4x512xf32, #tpu.memory_space<hbm>>) dst(%arg6 : memref<4x512xf32, #tpu.memory_space<vmem>>)
      tpu.yield
    }) : () -> ()
    %scan3A_42 = arith.constant 3.000000e+38 : f32
    %scan3A_43 = arith.constant 0.000000e+00 : f32
    %scan3A_44 = arith.constant 0 : i32
    %scan3A_45 = arith.constant 32 : i32
    %scan3A_46 = arith.addi %scan3A_44, %scan3A_45 : i32
    %scan3A_47 = arith.constant 1 : i32
    %scan3A_48 = scf.for %scan3A_62 = %scan3A_44 to %scan3A_46 step %scan3A_47 iter_args(%scan3A_63 = %scan3A_43) -> (f32)  : i32 {
      %mul3A_64 = arith.constant 16 : i32
      %mul3A_65 = arith.muli %scan3A_62, %mul3A_64 : i32
      %get3A = arith.constant 0 : i32
      %get3A_66 = arith.index_cast %get3A : i32 to index
      %get3A_67 = arith.index_cast %mul3A_65 : i32 to index
      %get3A_68 = tpu.vector_load %arg6[%get3A_66, %get3A_67] {strides = array<i32>} : memref<4x512xf32, #tpu.memory_space<vmem>>, vector<1x16xf32>,
      %get3A_69 = vector.shape_cast %get3A_68 : vector<1x16xf32> to vector<16xf32>
      %get3A_70 = arith.constant 1 : i32
      %get3A_71 = arith.index_cast %get3A_70 : i32 to index
      %get3A_72 = arith.index_cast %mul3A_65 : i32 to index
      %get3A_73 = tpu.vector_load %arg6[%get3A_71, %get3A_72] {strides = array<i32>} : memref<4x512xf32, #tpu.memory_space<vmem>>, vector<1x16xf32>,
      %get3A_74 = vector.shape_cast %get3A_73 : vector<1x16xf32> to vector<16xf32>
      %get3A_75 = arith.constant 2 : i32
      %get3A_76 = arith.index_cast %get3A_75 : i32 to index
      %get3A_77 = arith.index_cast %mul3A_65 : i32 to index
      %get3A_78 = tpu.vector_load %arg6[%get3A_76, %get3A_77] {strides = array<i32>} : memref<4x512xf32, #tpu.memory_space<vmem>>, vector<1x16xf32>,
      %get3A_79 = vector.shape_cast %get3A_78 : vector<1x16xf32> to vector<16xf32>
      %get3A_80 = arith.constant 3 : i32
      %get3A_81 = arith.index_cast %get3A_80 : i32 to index
      %get3A_82 = arith.index_cast %mul3A_65 : i32 to index
      %get3A_83 = tpu.vector_load %arg6[%get3A_81, %get3A_82] {strides = array<i32>} : memref<4x512xf32, #tpu.memory_space<vmem>>, vector<1x16xf32>,
      %get3A_84 = vector.shape_cast %get3A_83 : vector<1x16xf32> to vector<16xf32>
      %slice3A = vector.extract_strided_slice %get3A_69 {offsets = [0], sizes = [1], strides = [1]} : vector<16xf32> to vector<1xf32>
      %squeeze3A = vector.extract %slice3A[0] : f32 from vector<1xf32>
      %slice3A_85 = vector.extract_strided_slice %get3A_69 {offsets = [1], sizes = [1], strides = [1]} : vector<16xf32> to vector<1xf32>
      %squeeze3A_86 = vector.extract %slice3A_85[0] : f32 from vector<1xf32>
      %slice3A_87 = vector.extract_strided_slice %get3A_69 {offsets = [2], sizes = [1], strides = [1]} : vector<16xf32> to vector<1xf32>
      %squeeze3A_88 = vector.extract %slice3A_87[0] : f32 from vector<1xf32>
      %slice3A_89 = vector.extract_strided_slice %get3A_69 {offsets = [3], sizes = [1], strides = [1]} : vector<16xf32> to vector<1xf32>
      %squeeze3A_90 = vector.extract %slice3A_89[0] : f32 from vector<1xf32>
      %slice3A_91 = vector.extract_strided_slice %get3A_69 {offsets = [4], sizes = [1], strides = [1]} : vector<16xf32> to vector<1xf32>
      %squeeze3A_92 = vector.extract %slice3A_91[0] : f32 from vector<1xf32>
      %slice3A_93 = vector.extract_strided_slice %get3A_69 {offsets = [5], sizes = [1], strides = [1]} : vector<16xf32> to vector<1xf32>
      %squeeze3A_94 = vector.extract %slice3A_93[0] : f32 from vector<1xf32>
      %slice3A_95 = vector.extract_strided_slice %get3A_69 {offsets = [6], sizes = [1], strides = [1]} : vector<16xf32> to vector<1xf32>
      %squeeze3A_96 = vector.extract %slice3A_95[0] : f32 from vector<1xf32>
      %slice3A_97 = vector.extract_strided_slice %get3A_69 {offsets = [7], sizes = [1], strides = [1]} : vector<16xf32> to vector<1xf32>
      %squeeze3A_98 = vector.extract %slice3A_97[0] : f32 from vector<1xf32>
      %slice3A_99 = vector.extract_strided_slice %get3A_69 {offsets = [8], sizes = [1], strides = [1]} : vector<16xf32> to vector<1xf32>
      %squeeze3A_100 = vector.extract %slice3A_99[0] : f32 from vector<1xf32>
      %slice3A_101 = vector.extract_strided_slice %get3A_69 {offsets = [9], sizes = [1], strides = [1]} : vector<16xf32> to vector<1xf32>
      %squeeze3A_102 = vector.extract %slice3A_101[0] : f32 from vector<1xf32>
      %slice3A_103 = vector.extract_strided_slice %get3A_69 {offsets = [10], sizes = [1], strides = [1]} : vector<16xf32> to vector<1xf32>
      %squeeze3A_104 = vector.extract %slice3A_103[0] : f32 from vector<1xf32>
      %slice3A_105 = vector.extract_strided_slice %get3A_69 {offsets = [11], sizes = [1], strides = [1]} : vector<16xf32> to vector<1xf32>
      %squeeze3A_106 = vector.extract %slice3A_105[0] : f32 from vector<1xf32>
      %slice3A_107 = vector.extract_strided_slice %get3A_69 {offsets = [12], sizes = [1], strides = [1]} : vector<16xf32> to vector<1xf32>
      %squeeze3A_108 = vector.extract %slice3A_107[0] : f32 from vector<1xf32>
      %slice3A_109 = vector.extract_strided_slice %get3A_69 {offsets = [13], sizes = [1], strides = [1]} : vector<16xf32> to vector<1xf32>
      %squeeze3A_110 = vector.extract %slice3A_109[0] : f32 from vector<1xf32>
      %slice3A_111 = vector.extract_strided_slice %get3A_69 {offsets = [14], sizes = [1], strides = [1]} : vector<16xf32> to vector<1xf32>
      %squeeze3A_112 = vector.extract %slice3A_111[0] : f32 from vector<1xf32>
      %slice3A_113 = vector.extract_strided_slice %get3A_69 {offsets = [15], sizes = [1], strides = [1]} : vector<16xf32> to vector<1xf32>
      %squeeze3A_114 = vector.extract %slice3A_113[0] : f32 from vector<1xf32>
      %slice3A_115 = vector.extract_strided_slice %get3A_74 {offsets = [0], sizes = [1], strides = [1]} : vector<16xf32> to vector<1xf32>
      %squeeze3A_116 = vector.extract %slice3A_115[0] : f32 from vector<1xf32>
      %slice3A_117 = vector.extract_strided_slice %get3A_74 {offsets = [1], sizes = [1], strides = [1]} : vector<16xf32> to vector<1xf32>
      %squeeze3A_118 = vector.extract %slice3A_117[0] : f32 from vector<1xf32>
      %slice3A_119 = vector.extract_strided_slice %get3A_74 {offsets = [2], sizes = [1], strides = [1]} : vector<16xf32> to vector<1xf32>
      %squeeze3A_120 = vector.extract %slice3A_119[0] : f32 from vector<1xf32>
      %slice3A_121 = vector.extract_strided_slice %get3A_74 {offsets = [3], sizes = [1], strides = [1]} : vector<16xf32> to vector<1xf32>
      %squeeze3A_122 = vector.extract %slice3A_121[0] : f32 from vector<1xf32>
      %slice3A_123 = vector.extract_strided_slice %get3A_74 {offsets = [4], sizes = [1], strides = [1]} : vector<16xf32> to vector<1xf32>
      %squeeze3A_124 = vector.extract %slice3A_123[0] : f32 from vector<1xf32>
      %slice3A_125 = vector.extract_strided_slice %get3A_74 {offsets = [5], sizes = [1], strides = [1]} : vector<16xf32> to vector<1xf32>
      %squeeze3A_126 = vector.extract %slice3A_125[0] : f32 from vector<1xf32>
      %slice3A_127 = vector.extract_strided_slice %get3A_74 {offsets = [6], sizes = [1], strides = [1]} : vector<16xf32> to vector<1xf32>
      %squeeze3A_128 = vector.extract %slice3A_127[0] : f32 from vector<1xf32>
      %slice3A_129 = vector.extract_strided_slice %get3A_74 {offsets = [7], sizes = [1], strides = [1]} : vector<16xf32> to vector<1xf32>
      %squeeze3A_130 = vector.extract %slice3A_129[0] : f32 from vector<1xf32>
      %slice3A_131 = vector.extract_strided_slice %get3A_74 {offsets = [8], sizes = [1], strides = [1]} : vector<16xf32> to vector<1xf32>
      %squeeze3A_132 = vector.extract %slice3A_131[0] : f32 from vector<1xf32>
      %slice3A_133 = vector.extract_strided_slice %get3A_74 {offsets = [9], sizes = [1], strides = [1]} : vector<16xf32> to vector<1xf32>
      %squeeze3A_134 = vector.extract %slice3A_133[0] : f32 from vector<1xf32>
      %slice3A_135 = vector.extract_strided_slice %get3A_74 {offsets = [10], sizes = [1], strides = [1]} : vector<16xf32> to vector<1xf32>
      %squeeze3A_136 = vector.extract %slice3A_135[0] : f32 from vector<1xf32>
      %slice3A_137 = vector.extract_strided_slice %get3A_74 {offsets = [11], sizes = [1], strides = [1]} : vector<16xf32> to vector<1xf32>
      %squeeze3A_138 = vector.extract %slice3A_137[0] : f32 from vector<1xf32>
      %slice3A_139 = vector.extract_strided_slice %get3A_74 {offsets = [12], sizes = [1], strides = [1]} : vector<16xf32> to vector<1xf32>
      %squeeze3A_140 = vector.extract %slice3A_139[0] : f32 from vector<1xf32>
      %slice3A_141 = vector.extract_strided_slice %get3A_74 {offsets = [13], sizes = [1], strides = [1]} : vector<16xf32> to vector<1xf32>
      %squeeze3A_142 = vector.extract %slice3A_141[0] : f32 from vector<1xf32>
      %slice3A_143 = vector.extract_strided_slice %get3A_74 {offsets = [14], sizes = [1], strides = [1]} : vector<16xf32> to vector<1xf32>
      %squeeze3A_144 = vector.extract %slice3A_143[0] : f32 from vector<1xf32>
      %slice3A_145 = vector.extract_strided_slice %get3A_74 {offsets = [15], sizes = [1], strides = [1]} : vector<16xf32> to vector<1xf32>
      %squeeze3A_146 = vector.extract %slice3A_145[0] : f32 from vector<1xf32>
      %slice3A_147 = vector.extract_strided_slice %get3A_79 {offsets = [0], sizes = [1], strides = [1]} : vector<16xf32> to vector<1xf32>
      %squeeze3A_148 = vector.extract %slice3A_147[0] : f32 from vector<1xf32>
      %slice3A_149 = vector.extract_strided_slice %get3A_79 {offsets = [1], sizes = [1], strides = [1]} : vector<16xf32> to vector<1xf32>
      %squeeze3A_150 = vector.extract %slice3A_149[0] : f32 from vector<1xf32>
      %slice3A_151 = vector.extract_strided_slice %get3A_79 {offsets = [2], sizes = [1], strides = [1]} : vector<16xf32> to vector<1xf32>
      %squeeze3A_152 = vector.extract %slice3A_151[0] : f32 from vector<1xf32>
      %slice3A_153 = vector.extract_strided_slice %get3A_79 {offsets = [3], sizes = [1], strides = [1]} : vector<16xf32> to vector<1xf32>
      %squeeze3A_154 = vector.extract %slice3A_153[0] : f32 from vector<1xf32>
      %slice3A_155 = vector.extract_strided_slice %get3A_79 {offsets = [4], sizes = [1], strides = [1]} : vector<16xf32> to vector<1xf32>
      %squeeze3A_156 = vector.extract %slice3A_155[0] : f32 from vector<1xf32>
      %slice3A_157 = vector.extract_strided_slice %get3A_79 {offsets = [5], sizes = [1], strides = [1]} : vector<16xf32> to vector<1xf32>
      %squeeze3A_158 = vector.extract %slice3A_157[0] : f32 from vector<1xf32>
      %slice3A_159 = vector.extract_strided_slice %get3A_79 {offsets = [6], sizes = [1], strides = [1]} : vector<16xf32> to vector<1xf32>
      %squeeze3A_160 = vector.extract %slice3A_159[0] : f32 from vector<1xf32>
      %slice3A_161 = vector.extract_strided_slice %get3A_79 {offsets = [7], sizes = [1], strides = [1]} : vector<16xf32> to vector<1xf32>
      %squeeze3A_162 = vector.extract %slice3A_161[0] : f32 from vector<1xf32>
      %slice3A_163 = vector.extract_strided_slice %get3A_79 {offsets = [8], sizes = [1], strides = [1]} : vector<16xf32> to vector<1xf32>
      %squeeze3A_164 = vector.extract %slice3A_163[0] : f32 from vector<1xf32>
      %slice3A_165 = vector.extract_strided_slice %get3A_79 {offsets = [9], sizes = [1], strides = [1]} : vector<16xf32> to vector<1xf32>
      %squeeze3A_166 = vector.extract %slice3A_165[0] : f32 from vector<1xf32>
      %slice3A_167 = vector.extract_strided_slice %get3A_79 {offsets = [10], sizes = [1], strides = [1]} : vector<16xf32> to vector<1xf32>
      %squeeze3A_168 = vector.extract %slice3A_167[0] : f32 from vector<1xf32>
      %slice3A_169 = vector.extract_strided_slice %get3A_79 {offsets = [11], sizes = [1], strides = [1]} : vector<16xf32> to vector<1xf32>
      %squeeze3A_170 = vector.extract %slice3A_169[0] : f32 from vector<1xf32>
      %slice3A_171 = vector.extract_strided_slice %get3A_79 {offsets = [12], sizes = [1], strides = [1]} : vector<16xf32> to vector<1xf32>
      %squeeze3A_172 = vector.extract %slice3A_171[0] : f32 from vector<1xf32>
      %slice3A_173 = vector.extract_strided_slice %get3A_79 {offsets = [13], sizes = [1], strides = [1]} : vector<16xf32> to vector<1xf32>
      %squeeze3A_174 = vector.extract %slice3A_173[0] : f32 from vector<1xf32>
      %slice3A_175 = vector.extract_strided_slice %get3A_79 {offsets = [14], sizes = [1], strides = [1]} : vector<16xf32> to vector<1xf32>
      %squeeze3A_176 = vector.extract %slice3A_175[0] : f32 from vector<1xf32>
      %slice3A_177 = vector.extract_strided_slice %get3A_79 {offsets = [15], sizes = [1], strides = [1]} : vector<16xf32> to vector<1xf32>
      %squeeze3A_178 = vector.extract %slice3A_177[0] : f32 from vector<1xf32>
      %slice3A_179 = vector.extract_strided_slice %get3A_84 {offsets = [0], sizes = [1], strides = [1]} : vector<16xf32> to vector<1xf32>
      %squeeze3A_180 = vector.extract %slice3A_179[0] : f32 from vector<1xf32>
      %slice3A_181 = vector.extract_strided_slice %get3A_84 {offsets = [1], sizes = [1], strides = [1]} : vector<16xf32> to vector<1xf32>
      %squeeze3A_182 = vector.extract %slice3A_181[0] : f32 from vector<1xf32>
      %slice3A_183 = vector.extract_strided_slice %get3A_84 {offsets = [2], sizes = [1], strides = [1]} : vector<16xf32> to vector<1xf32>
      %squeeze3A_184 = vector.extract %slice3A_183[0] : f32 from vector<1xf32>
      %slice3A_185 = vector.extract_strided_slice %get3A_84 {offsets = [3], sizes = [1], strides = [1]} : vector<16xf32> to vector<1xf32>
      %squeeze3A_186 = vector.extract %slice3A_185[0] : f32 from vector<1xf32>
      %slice3A_187 = vector.extract_strided_slice %get3A_84 {offsets = [4], sizes = [1], strides = [1]} : vector<16xf32> to vector<1xf32>
      %squeeze3A_188 = vector.extract %slice3A_187[0] : f32 from vector<1xf32>
      %slice3A_189 = vector.extract_strided_slice %get3A_84 {offsets = [5], sizes = [1], strides = [1]} : vector<16xf32> to vector<1xf32>
      %squeeze3A_190 = vector.extract %slice3A_189[0] : f32 from vector<1xf32>
      %slice3A_191 = vector.extract_strided_slice %get3A_84 {offsets = [6], sizes = [1], strides = [1]} : vector<16xf32> to vector<1xf32>
      %squeeze3A_192 = vector.extract %slice3A_191[0] : f32 from vector<1xf32>
      %slice3A_193 = vector.extract_strided_slice %get3A_84 {offsets = [7], sizes = [1], strides = [1]} : vector<16xf32> to vector<1xf32>
      %squeeze3A_194 = vector.extract %slice3A_193[0] : f32 from vector<1xf32>
      %slice3A_195 = vector.extract_strided_slice %get3A_84 {offsets = [8], sizes = [1], strides = [1]} : vector<16xf32> to vector<1xf32>
      %squeeze3A_196 = vector.extract %slice3A_195[0] : f32 from vector<1xf32>
      %slice3A_197 = vector.extract_strided_slice %get3A_84 {offsets = [9], sizes = [1], strides = [1]} : vector<16xf32> to vector<1xf32>
      %squeeze3A_198 = vector.extract %slice3A_197[0] : f32 from vector<1xf32>
      %slice3A_199 = vector.extract_strided_slice %get3A_84 {offsets = [10], sizes = [1], strides = [1]} : vector<16xf32> to vector<1xf32>
      %squeeze3A_200 = vector.extract %slice3A_199[0] : f32 from vector<1xf32>
      %slice3A_201 = vector.extract_strided_slice %get3A_84 {offsets = [11], sizes = [1], strides = [1]} : vector<16xf32> to vector<1xf32>
      %squeeze3A_202 = vector.extract %slice3A_201[0] : f32 from vector<1xf32>
      %slice3A_203 = vector.extract_strided_slice %get3A_84 {offsets = [12], sizes = [1], strides = [1]} : vector<16xf32> to vector<1xf32>
      %squeeze3A_204 = vector.extract %slice3A_203[0] : f32 from vector<1xf32>
      %slice3A_205 = vector.extract_strided_slice %get3A_84 {offsets = [13], sizes = [1], strides = [1]} : vector<16xf32> to vector<1xf32>
      %squeeze3A_206 = vector.extract %slice3A_205[0] : f32 from vector<1xf32>
      %slice3A_207 = vector.extract_strided_slice %get3A_84 {offsets = [14], sizes = [1], strides = [1]} : vector<16xf32> to vector<1xf32>
      %squeeze3A_208 = vector.extract %slice3A_207[0] : f32 from vector<1xf32>
      %slice3A_209 = vector.extract_strided_slice %get3A_84 {offsets = [15], sizes = [1], strides = [1]} : vector<16xf32> to vector<1xf32>
      %squeeze3A_210 = vector.extract %slice3A_209[0] : f32 from vector<1xf32>
      %broadcast_in_dim3A_211 = vector.broadcast %scan3A_42 : f32 to vector<16xf32>
      %broadcast_in_dim3A_212 = vector.broadcast %scan3A_42 : f32 to vector<16xf32>
      %broadcast_in_dim3A_213 = vector.broadcast %scan3A_42 : f32 to vector<16xf32>
      %broadcast_in_dim3A_214 = vector.broadcast %scan3A_42 : f32 to vector<16xf32>
      %broadcast_in_dim3A_215 = vector.broadcast %scan3A_42 : f32 to vector<16xf32>
      %broadcast_in_dim3A_216 = vector.broadcast %scan3A_42 : f32 to vector<16xf32>
      %broadcast_in_dim3A_217 = vector.broadcast %scan3A_42 : f32 to vector<16xf32>
      %broadcast_in_dim3A_218 = vector.broadcast %scan3A_42 : f32 to vector<16xf32>
      %broadcast_in_dim3A_219 = vector.broadcast %scan3A_42 : f32 to vector<16xf32>
      %broadcast_in_dim3A_220 = vector.broadcast %scan3A_42 : f32 to vector<16xf32>
      %broadcast_in_dim3A_221 = vector.broadcast %scan3A_42 : f32 to vector<16xf32>
      %broadcast_in_dim3A_222 = vector.broadcast %scan3A_42 : f32 to vector<16xf32>
      %broadcast_in_dim3A_223 = vector.broadcast %scan3A_42 : f32 to vector<16xf32>
      %broadcast_in_dim3A_224 = vector.broadcast %scan3A_42 : f32 to vector<16xf32>
      %broadcast_in_dim3A_225 = vector.broadcast %scan3A_42 : f32 to vector<16xf32>
      %broadcast_in_dim3A_226 = vector.broadcast %scan3A_42 : f32 to vector<16xf32>
      %scan3A_227 = arith.constant 0 : i32
      %scan3A_228 = arith.constant 128 : i32
      %scan3A_229 = arith.addi %scan3A_227, %scan3A_228 : i32
      %scan3A_230 = arith.constant 1 : i32
      %scan3A_231:16 = scf.for %scan3A_1236 = %scan3A_227 to %scan3A_229 step %scan3A_230 iter_args(%scan3A_1237 = %broadcast_in_dim3A_211, %scan3A_1238 = %broadcast_in_dim3A_212, %scan3A_1239 = %broadcast_in_dim3A_213, %scan3A_1240 = %broadcast_in_dim3A_214, %scan3A_1241 = %broadcast_in_dim3A_215, %scan3A_1242 = %broadcast_in_dim3A_216, %scan3A_1243 = %broadcast_in_dim3A_217, %scan3A_1244 = %broadcast_in_dim3A_218, %scan3A_1245 = %broadcast_in_dim3A_219, %scan3A_1246 = %broadcast_in_dim3A_220, %scan3A_1247 = %broadcast_in_dim3A_221, %scan3A_1248 = %broadcast_in_dim3A_222, %scan3A_1249 = %broadcast_in_dim3A_223, %scan3A_1250 = %broadcast_in_dim3A_224, %scan3A_1251 = %broadcast_in_dim3A_225, %scan3A_1252 = %broadcast_in_dim3A_226) -> (vector<16xf32>, vector<16xf32>, vector<16xf32>, vector<16xf32>, vector<16xf32>, vector<16xf32>, vector<16xf32>, vector<16xf32>, vector<16xf32>, vector<16xf32>, vector<16xf32>, vector<16xf32>, vector<16xf32>, vector<16xf32>, vector<16xf32>, vector<16xf32>)  : i32 {
        %mul3A_1253 = arith.constant 16 : i32
        %mul3A_1254 = arith.muli %scan3A_1236, %mul3A_1253 : i32
        %get3A_1255 = arith.constant 0 : i32
        %get3A_1256 = arith.index_cast %get3A_1255 : i32 to index
        %get3A_1257 = arith.index_cast %mul3A_1254 : i32 to index
        %get3A_1258 = tpu.vector_load %arg5[%get3A_1256, %get3A_1257] {strides = array<i32>} : memref<4x2048xf32, #tpu.memory_space<vmem>>, vector<1x16xf32>,
        %get3A_1259 = vector.shape_cast %get3A_1258 : vector<1x16xf32> to vector<16xf32>
        %get3A_1260 = arith.constant 1 : i32
        %get3A_1261 = arith.index_cast %get3A_1260 : i32 to index
        %get3A_1262 = arith.index_cast %mul3A_1254 : i32 to index
        %get3A_1263 = tpu.vector_load %arg5[%get3A_1261, %get3A_1262] {strides = array<i32>} : memref<4x2048xf32, #tpu.memory_space<vmem>>, vector<1x16xf32>,
        %get3A_1264 = vector.shape_cast %get3A_1263 : vector<1x16xf32> to vector<16xf32>
        %get3A_1265 = arith.constant 2 : i32
        %get3A_1266 = arith.index_cast %get3A_1265 : i32 to index
        %get3A_1267 = arith.index_cast %mul3A_1254 : i32 to index
        %get3A_1268 = tpu.vector_load %arg5[%get3A_1266, %get3A_1267] {strides = array<i32>} : memref<4x2048xf32, #tpu.memory_space<vmem>>, vector<1x16xf32>,
        %get3A_1269 = vector.shape_cast %get3A_1268 : vector<1x16xf32> to vector<16xf32>
        %get3A_1270 = arith.constant 3 : i32
        %get3A_1271 = arith.index_cast %get3A_1270 : i32 to index
        %get3A_1272 = arith.index_cast %mul3A_1254 : i32 to index
        %get3A_1273 = tpu.vector_load %arg5[%get3A_1271, %get3A_1272] {strides = array<i32>} : memref<4x2048xf32, #tpu.memory_space<vmem>>, vector<1x16xf32>,
        %get3A_1274 = vector.shape_cast %get3A_1273 : vector<1x16xf32> to vector<16xf32>
        %mul3A_1275 = vector.broadcast %squeeze3A : f32 to vector<16xf32>
        %mul3A_1276 = arith.mulf %mul3A_1275, %get3A_1259 : vector<16xf32>
        %add3A_1277 = arith.addf %get3A_1274, %mul3A_1276 : vector<16xf32>
        %mul3A_1278 = vector.broadcast %squeeze3A_116 : f32 to vector<16xf32>
        %mul3A_1279 = arith.mulf %mul3A_1278, %get3A_1264 : vector<16xf32>
        %add3A_1280 = arith.addf %add3A_1277, %mul3A_1279 : vector<16xf32>
        %mul3A_1281 = vector.broadcast %squeeze3A_148 : f32 to vector<16xf32>
        %mul3A_1282 = arith.mulf %mul3A_1281, %get3A_1269 : vector<16xf32>
        %add3A_1283 = arith.addf %add3A_1280, %mul3A_1282 : vector<16xf32>
        %min3A_1284 = arith.minimumf %scan3A_1237, %add3A_1283 : vector<16xf32>
        %mul3A_1285 = vector.broadcast %squeeze3A_86 : f32 to vector<16xf32>
        %mul3A_1286 = arith.mulf %mul3A_1285, %get3A_1259 : vector<16xf32>
        %add3A_1287 = arith.addf %get3A_1274, %mul3A_1286 : vector<16xf32>
        %mul3A_1288 = vector.broadcast %squeeze3A_118 : f32 to vector<16xf32>
        %mul3A_1289 = arith.mulf %mul3A_1288, %get3A_1264 : vector<16xf32>
        %add3A_1290 = arith.addf %add3A_1287, %mul3A_1289 : vector<16xf32>
        %mul3A_1291 = vector.broadcast %squeeze3A_150 : f32 to vector<16xf32>
        %mul3A_1292 = arith.mulf %mul3A_1291, %get3A_1269 : vector<16xf32>
        %add3A_1293 = arith.addf %add3A_1290, %mul3A_1292 : vector<16xf32>
        %min3A_1294 = arith.minimumf %scan3A_1238, %add3A_1293 : vector<16xf32>
        %mul3A_1295 = vector.broadcast %squeeze3A_88 : f32 to vector<16xf32>
        %mul3A_1296 = arith.mulf %mul3A_1295, %get3A_1259 : vector<16xf32>
        %add3A_1297 = arith.addf %get3A_1274, %mul3A_1296 : vector<16xf32>
        %mul3A_1298 = vector.broadcast %squeeze3A_120 : f32 to vector<16xf32>
        %mul3A_1299 = arith.mulf %mul3A_1298, %get3A_1264 : vector<16xf32>
        %add3A_1300 = arith.addf %add3A_1297, %mul3A_1299 : vector<16xf32>
        %mul3A_1301 = vector.broadcast %squeeze3A_152 : f32 to vector<16xf32>
        %mul3A_1302 = arith.mulf %mul3A_1301, %get3A_1269 : vector<16xf32>
        %add3A_1303 = arith.addf %add3A_1300, %mul3A_1302 : vector<16xf32>
        %min3A_1304 = arith.minimumf %scan3A_1239, %add3A_1303 : vector<16xf32>
        %mul3A_1305 = vector.broadcast %squeeze3A_90 : f32 to vector<16xf32>
        %mul3A_1306 = arith.mulf %mul3A_1305, %get3A_1259 : vector<16xf32>
        %add3A_1307 = arith.addf %get3A_1274, %mul3A_1306 : vector<16xf32>
        %mul3A_1308 = vector.broadcast %squeeze3A_122 : f32 to vector<16xf32>
        %mul3A_1309 = arith.mulf %mul3A_1308, %get3A_1264 : vector<16xf32>
        %add3A_1310 = arith.addf %add3A_1307, %mul3A_1309 : vector<16xf32>
        %mul3A_1311 = vector.broadcast %squeeze3A_154 : f32 to vector<16xf32>
        %mul3A_1312 = arith.mulf %mul3A_1311, %get3A_1269 : vector<16xf32>
        %add3A_1313 = arith.addf %add3A_1310, %mul3A_1312 : vector<16xf32>
        %min3A_1314 = arith.minimumf %scan3A_1240, %add3A_1313 : vector<16xf32>
        %mul3A_1315 = vector.broadcast %squeeze3A_92 : f32 to vector<16xf32>
        %mul3A_1316 = arith.mulf %mul3A_1315, %get3A_1259 : vector<16xf32>
        %add3A_1317 = arith.addf %get3A_1274, %mul3A_1316 : vector<16xf32>
        %mul3A_1318 = vector.broadcast %squeeze3A_124 : f32 to vector<16xf32>
        %mul3A_1319 = arith.mulf %mul3A_1318, %get3A_1264 : vector<16xf32>
        %add3A_1320 = arith.addf %add3A_1317, %mul3A_1319 : vector<16xf32>
        %mul3A_1321 = vector.broadcast %squeeze3A_156 : f32 to vector<16xf32>
        %mul3A_1322 = arith.mulf %mul3A_1321, %get3A_1269 : vector<16xf32>
        %add3A_1323 = arith.addf %add3A_1320, %mul3A_1322 : vector<16xf32>
        %min3A_1324 = arith.minimumf %scan3A_1241, %add3A_1323 : vector<16xf32>
        %mul3A_1325 = vector.broadcast %squeeze3A_94 : f32 to vector<16xf32>
        %mul3A_1326 = arith.mulf %mul3A_1325, %get3A_1259 : vector<16xf32>
        %add3A_1327 = arith.addf %get3A_1274, %mul3A_1326 : vector<16xf32>
        %mul3A_1328 = vector.broadcast %squeeze3A_126 : f32 to vector<16xf32>
        %mul3A_1329 = arith.mulf %mul3A_1328, %get3A_1264 : vector<16xf32>
        %add3A_1330 = arith.addf %add3A_1327, %mul3A_1329 : vector<16xf32>
        %mul3A_1331 = vector.broadcast %squeeze3A_158 : f32 to vector<16xf32>
        %mul3A_1332 = arith.mulf %mul3A_1331, %get3A_1269 : vector<16xf32>
        %add3A_1333 = arith.addf %add3A_1330, %mul3A_1332 : vector<16xf32>
        %min3A_1334 = arith.minimumf %scan3A_1242, %add3A_1333 : vector<16xf32>
        %mul3A_1335 = vector.broadcast %squeeze3A_96 : f32 to vector<16xf32>
        %mul3A_1336 = arith.mulf %mul3A_1335, %get3A_1259 : vector<16xf32>
        %add3A_1337 = arith.addf %get3A_1274, %mul3A_1336 : vector<16xf32>
        %mul3A_1338 = vector.broadcast %squeeze3A_128 : f32 to vector<16xf32>
        %mul3A_1339 = arith.mulf %mul3A_1338, %get3A_1264 : vector<16xf32>
        %add3A_1340 = arith.addf %add3A_1337, %mul3A_1339 : vector<16xf32>
        %mul3A_1341 = vector.broadcast %squeeze3A_160 : f32 to vector<16xf32>
        %mul3A_1342 = arith.mulf %mul3A_1341, %get3A_1269 : vector<16xf32>
        %add3A_1343 = arith.addf %add3A_1340, %mul3A_1342 : vector<16xf32>
        %min3A_1344 = arith.minimumf %scan3A_1243, %add3A_1343 : vector<16xf32>
        %mul3A_1345 = vector.broadcast %squeeze3A_98 : f32 to vector<16xf32>
        %mul3A_1346 = arith.mulf %mul3A_1345, %get3A_1259 : vector<16xf32>
        %add3A_1347 = arith.addf %get3A_1274, %mul3A_1346 : vector<16xf32>
        %mul3A_1348 = vector.broadcast %squeeze3A_130 : f32 to vector<16xf32>
        %mul3A_1349 = arith.mulf %mul3A_1348, %get3A_1264 : vector<16xf32>
        %add3A_1350 = arith.addf %add3A_1347, %mul3A_1349 : vector<16xf32>
        %mul3A_1351 = vector.broadcast %squeeze3A_162 : f32 to vector<16xf32>
        %mul3A_1352 = arith.mulf %mul3A_1351, %get3A_1269 : vector<16xf32>
        %add3A_1353 = arith.addf %add3A_1350, %mul3A_1352 : vector<16xf32>
        %min3A_1354 = arith.minimumf %scan3A_1244, %add3A_1353 : vector<16xf32>
        %mul3A_1355 = vector.broadcast %squeeze3A_100 : f32 to vector<16xf32>
        %mul3A_1356 = arith.mulf %mul3A_1355, %get3A_1259 : vector<16xf32>
        %add3A_1357 = arith.addf %get3A_1274, %mul3A_1356 : vector<16xf32>
        %mul3A_1358 = vector.broadcast %squeeze3A_132 : f32 to vector<16xf32>
        %mul3A_1359 = arith.mulf %mul3A_1358, %get3A_1264 : vector<16xf32>
        %add3A_1360 = arith.addf %add3A_1357, %mul3A_1359 : vector<16xf32>
        %mul3A_1361 = vector.broadcast %squeeze3A_164 : f32 to vector<16xf32>
        %mul3A_1362 = arith.mulf %mul3A_1361, %get3A_1269 : vector<16xf32>
        %add3A_1363 = arith.addf %add3A_1360, %mul3A_1362 : vector<16xf32>
        %min3A_1364 = arith.minimumf %scan3A_1245, %add3A_1363 : vector<16xf32>
        %mul3A_1365 = vector.broadcast %squeeze3A_102 : f32 to vector<16xf32>
        %mul3A_1366 = arith.mulf %mul3A_1365, %get3A_1259 : vector<16xf32>
        %add3A_1367 = arith.addf %get3A_1274, %mul3A_1366 : vector<16xf32>
        %mul3A_1368 = vector.broadcast %squeeze3A_134 : f32 to vector<16xf32>
        %mul3A_1369 = arith.mulf %mul3A_1368, %get3A_1264 : vector<16xf32>
        %add3A_1370 = arith.addf %add3A_1367, %mul3A_1369 : vector<16xf32>
        %mul3A_1371 = vector.broadcast %squeeze3A_166 : f32 to vector<16xf32>
        %mul3A_1372 = arith.mulf %mul3A_1371, %get3A_1269 : vector<16xf32>
        %add3A_1373 = arith.addf %add3A_1370, %mul3A_1372 : vector<16xf32>
        %min3A_1374 = arith.minimumf %scan3A_1246, %add3A_1373 : vector<16xf32>
        %mul3A_1375 = vector.broadcast %squeeze3A_104 : f32 to vector<16xf32>
        %mul3A_1376 = arith.mulf %mul3A_1375, %get3A_1259 : vector<16xf32>
        %add3A_1377 = arith.addf %get3A_1274, %mul3A_1376 : vector<16xf32>
        %mul3A_1378 = vector.broadcast %squeeze3A_136 : f32 to vector<16xf32>
        %mul3A_1379 = arith.mulf %mul3A_1378, %get3A_1264 : vector<16xf32>
        %add3A_1380 = arith.addf %add3A_1377, %mul3A_1379 : vector<16xf32>
        %mul3A_1381 = vector.broadcast %squeeze3A_168 : f32 to vector<16xf32>
        %mul3A_1382 = arith.mulf %mul3A_1381, %get3A_1269 : vector<16xf32>
        %add3A_1383 = arith.addf %add3A_1380, %mul3A_1382 : vector<16xf32>
        %min3A_1384 = arith.minimumf %scan3A_1247, %add3A_1383 : vector<16xf32>
        %mul3A_1385 = vector.broadcast %squeeze3A_106 : f32 to vector<16xf32>
        %mul3A_1386 = arith.mulf %mul3A_1385, %get3A_1259 : vector<16xf32>
        %add3A_1387 = arith.addf %get3A_1274, %mul3A_1386 : vector<16xf32>
        %mul3A_1388 = vector.broadcast %squeeze3A_138 : f32 to vector<16xf32>
        %mul3A_1389 = arith.mulf %mul3A_1388, %get3A_1264 : vector<16xf32>
        %add3A_1390 = arith.addf %add3A_1387, %mul3A_1389 : vector<16xf32>
        %mul3A_1391 = vector.broadcast %squeeze3A_170 : f32 to vector<16xf32>
        %mul3A_1392 = arith.mulf %mul3A_1391, %get3A_1269 : vector<16xf32>
        %add3A_1393 = arith.addf %add3A_1390, %mul3A_1392 : vector<16xf32>
        %min3A_1394 = arith.minimumf %scan3A_1248, %add3A_1393 : vector<16xf32>
        %mul3A_1395 = vector.broadcast %squeeze3A_108 : f32 to vector<16xf32>
        %mul3A_1396 = arith.mulf %mul3A_1395, %get3A_1259 : vector<16xf32>
        %add3A_1397 = arith.addf %get3A_1274, %mul3A_1396 : vector<16xf32>
        %mul3A_1398 = vector.broadcast %squeeze3A_140 : f32 to vector<16xf32>
        %mul3A_1399 = arith.mulf %mul3A_1398, %get3A_1264 : vector<16xf32>
        %add3A_1400 = arith.addf %add3A_1397, %mul3A_1399 : vector<16xf32>
        %mul3A_1401 = vector.broadcast %squeeze3A_172 : f32 to vector<16xf32>
        %mul3A_1402 = arith.mulf %mul3A_1401, %get3A_1269 : vector<16xf32>
        %add3A_1403 = arith.addf %add3A_1400, %mul3A_1402 : vector<16xf32>
        %min3A_1404 = arith.minimumf %scan3A_1249, %add3A_1403 : vector<16xf32>
        %mul3A_1405 = vector.broadcast %squeeze3A_110 : f32 to vector<16xf32>
        %mul3A_1406 = arith.mulf %mul3A_1405, %get3A_1259 : vector<16xf32>
        %add3A_1407 = arith.addf %get3A_1274, %mul3A_1406 : vector<16xf32>
        %mul3A_1408 = vector.broadcast %squeeze3A_142 : f32 to vector<16xf32>
        %mul3A_1409 = arith.mulf %mul3A_1408, %get3A_1264 : vector<16xf32>
        %add3A_1410 = arith.addf %add3A_1407, %mul3A_1409 : vector<16xf32>
        %mul3A_1411 = vector.broadcast %squeeze3A_174 : f32 to vector<16xf32>
        %mul3A_1412 = arith.mulf %mul3A_1411, %get3A_1269 : vector<16xf32>
        %add3A_1413 = arith.addf %add3A_1410, %mul3A_1412 : vector<16xf32>
        %min3A_1414 = arith.minimumf %scan3A_1250, %add3A_1413 : vector<16xf32>
        %mul3A_1415 = vector.broadcast %squeeze3A_112 : f32 to vector<16xf32>
        %mul3A_1416 = arith.mulf %mul3A_1415, %get3A_1259 : vector<16xf32>
        %add3A_1417 = arith.addf %get3A_1274, %mul3A_1416 : vector<16xf32>
        %mul3A_1418 = vector.broadcast %squeeze3A_144 : f32 to vector<16xf32>
        %mul3A_1419 = arith.mulf %mul3A_1418, %get3A_1264 : vector<16xf32>
        %add3A_1420 = arith.addf %add3A_1417, %mul3A_1419 : vector<16xf32>
        %mul3A_1421 = vector.broadcast %squeeze3A_176 : f32 to vector<16xf32>
        %mul3A_1422 = arith.mulf %mul3A_1421, %get3A_1269 : vector<16xf32>
        %add3A_1423 = arith.addf %add3A_1420, %mul3A_1422 : vector<16xf32>
        %min3A_1424 = arith.minimumf %scan3A_1251, %add3A_1423 : vector<16xf32>
        %mul3A_1425 = vector.broadcast %squeeze3A_114 : f32 to vector<16xf32>
        %mul3A_1426 = arith.mulf %mul3A_1425, %get3A_1259 : vector<16xf32>
        %add3A_1427 = arith.addf %get3A_1274, %mul3A_1426 : vector<16xf32>
        %mul3A_1428 = vector.broadcast %squeeze3A_146 : f32 to vector<16xf32>
        %mul3A_1429 = arith.mulf %mul3A_1428, %get3A_1264 : vector<16xf32>
        %add3A_1430 = arith.addf %add3A_1427, %mul3A_1429 : vector<16xf32>
        %mul3A_1431 = vector.broadcast %squeeze3A_178 : f32 to vector<16xf32>
        %mul3A_1432 = arith.mulf %mul3A_1431, %get3A_1269 : vector<16xf32>
        %add3A_1433 = arith.addf %add3A_1430, %mul3A_1432 : vector<16xf32>
        %min3A_1434 = arith.minimumf %scan3A_1252, %add3A_1433 : vector<16xf32>
        scf.yield %min3A_1284, %min3A_1294, %min3A_1304, %min3A_1314, %min3A_1324, %min3A_1334, %min3A_1344, %min3A_1354, %min3A_1364, %min3A_1374, %min3A_1384, %min3A_1394, %min3A_1404, %min3A_1414, %min3A_1424, %min3A_1434 : vector<16xf32>, vector<16xf32>, vector<16xf32>, vector<16xf32>, vector<16xf32>, vector<16xf32>, vector<16xf32>, vector<16xf32>, vector<16xf32>, vector<16xf32>, vector<16xf32>, vector<16xf32>, vector<16xf32>, vector<16xf32>, vector<16xf32>, vector<16xf32>
      }
      %scan3A_232 = arith.constant 128 : i32
      %iota3A = tpu.iota {dimensions = array<i32: 0>} : vector<16xi32>
      %xor3A = arith.constant 8 : i32
      %xor3A_233 = vector.broadcast %xor3A : i32 to vector<16xi32>
      %xor3A_234 = arith.xori %iota3A, %xor3A_233 : vector<16xi32>
      %lt3A_235 = arith.constant 0 : i32
      %lt3A_236 = vector.broadcast %lt3A_235 : i32 to vector<16xi32>
      %lt3A_237 = arith.cmpi slt, %xor3A_234, %lt3A_236 : vector<16xi32>
      %add3A_238 = arith.constant 16 : i32
      %add3A_239 = vector.broadcast %add3A_238 : i32 to vector<16xi32>
      %add3A_240 = arith.addi %xor3A_234, %add3A_239 : vector<16xi32>
      %select_n3A_241 = arith.select %lt3A_237, %add3A_240, %xor3A_234 : vector<16xi1>, vector<16xi32>
      %broadcast_in_dim3A_242 = vector.shape_cast %select_n3A_241 : vector<16xi32> to vector<16x1xi32>
      %gather3A = vector.shape_cast %broadcast_in_dim3A_242 : vector<16x1xi32> to vector<16xi32>
      %gather3A_243 = tpu.dynamic_gather %scan3A_231#0[%gather3A] in [0] : vector<16xf32>, vector<16xi32> -> vector<16xf32>
      %min3A = arith.minimumf %scan3A_231#0, %gather3A_243 : vector<16xf32>
      %xor3A_244 = arith.constant 4 : i32
      %xor3A_245 = vector.broadcast %xor3A_244 : i32 to vector<16xi32>
      %xor3A_246 = arith.xori %iota3A, %xor3A_245 : vector<16xi32>
      %lt3A_247 = arith.constant 0 : i32
      %lt3A_248 = vector.broadcast %lt3A_247 : i32 to vector<16xi32>
      %lt3A_249 = arith.cmpi slt, %xor3A_246, %lt3A_248 : vector<16xi32>
      %add3A_250 = arith.constant 16 : i32
      %add3A_251 = vector.broadcast %add3A_250 : i32 to vector<16xi32>
      %add3A_252 = arith.addi %xor3A_246, %add3A_251 : vector<16xi32>
      %select_n3A_253 = arith.select %lt3A_249, %add3A_252, %xor3A_246 : vector<16xi1>, vector<16xi32>
      %broadcast_in_dim3A_254 = vector.shape_cast %select_n3A_253 : vector<16xi32> to vector<16x1xi32>
      %gather3A_255 = vector.shape_cast %broadcast_in_dim3A_254 : vector<16x1xi32> to vector<16xi32>
      %gather3A_256 = tpu.dynamic_gather %min3A[%gather3A_255] in [0] : vector<16xf32>, vector<16xi32> -> vector<16xf32>
      %min3A_257 = arith.minimumf %min3A, %gather3A_256 : vector<16xf32>
      %xor3A_258 = arith.constant 2 : i32
      %xor3A_259 = vector.broadcast %xor3A_258 : i32 to vector<16xi32>
      %xor3A_260 = arith.xori %iota3A, %xor3A_259 : vector<16xi32>
      %lt3A_261 = arith.constant 0 : i32
      %lt3A_262 = vector.broadcast %lt3A_261 : i32 to vector<16xi32>
      %lt3A_263 = arith.cmpi slt, %xor3A_260, %lt3A_262 : vector<16xi32>
      %add3A_264 = arith.constant 16 : i32
      %add3A_265 = vector.broadcast %add3A_264 : i32 to vector<16xi32>
      %add3A_266 = arith.addi %xor3A_260, %add3A_265 : vector<16xi32>
      %select_n3A_267 = arith.select %lt3A_263, %add3A_266, %xor3A_260 : vector<16xi1>, vector<16xi32>
      %broadcast_in_dim3A_268 = vector.shape_cast %select_n3A_267 : vector<16xi32> to vector<16x1xi32>
      %gather3A_269 = vector.shape_cast %broadcast_in_dim3A_268 : vector<16x1xi32> to vector<16xi32>
      %gather3A_270 = tpu.dynamic_gather %min3A_257[%gather3A_269] in [0] : vector<16xf32>, vector<16xi32> -> vector<16xf32>
      %min3A_271 = arith.minimumf %min3A_257, %gather3A_270 : vector<16xf32>
      %xor3A_272 = arith.constant 1 : i32
      %xor3A_273 = vector.broadcast %xor3A_272 : i32 to vector<16xi32>
      %xor3A_274 = arith.xori %iota3A, %xor3A_273 : vector<16xi32>
      %lt3A_275 = arith.constant 0 : i32
      %lt3A_276 = vector.broadcast %lt3A_275 : i32 to vector<16xi32>
      %lt3A_277 = arith.cmpi slt, %xor3A_274, %lt3A_276 : vector<16xi32>
      %add3A_278 = arith.constant 16 : i32
      %add3A_279 = vector.broadcast %add3A_278 : i32 to vector<16xi32>
      %add3A_280 = arith.addi %xor3A_274, %add3A_279 : vector<16xi32>
      %select_n3A_281 = arith.select %lt3A_277, %add3A_280, %xor3A_274 : vector<16xi1>, vector<16xi32>
      %broadcast_in_dim3A_282 = vector.shape_cast %select_n3A_281 : vector<16xi32> to vector<16x1xi32>
      %gather3A_283 = vector.shape_cast %broadcast_in_dim3A_282 : vector<16x1xi32> to vector<16xi32>
      %gather3A_284 = tpu.dynamic_gather %min3A_271[%gather3A_283] in [0] : vector<16xf32>, vector<16xi32> -> vector<16xf32>
      %min3A_285 = arith.minimumf %min3A_271, %gather3A_284 : vector<16xf32>
      %slice3A_286 = vector.extract_strided_slice %min3A_285 {offsets = [0], sizes = [1], strides = [1]} : vector<16xf32> to vector<1xf32>
      %squeeze3A_287 = vector.extract %slice3A_286[0] : f32 from vector<1xf32>
      %add3A_288 = arith.addf %squeeze3A_287, %squeeze3A_180 : f32
      %max3A = arith.constant 0.000000e+00 : f32
      %max3A_289 = arith.maximumf %add3A_288, %max3A : f32
      %add3A_290 = arith.addf %scan3A_63, %max3A_289 : f32
      %iota3A_291 = tpu.iota {dimensions = array<i32: 0>} : vector<16xi32>
      %xor3A_292 = arith.constant 8 : i32
      %xor3A_293 = vector.broadcast %xor3A_292 : i32 to vector<16xi32>
      %xor3A_294 = arith.xori %iota3A_291, %xor3A_293 : vector<16xi32>
      %lt3A_295 = arith.constant 0 : i32
      %lt3A_296 = vector.broadcast %lt3A_295 : i32 to vector<16xi32>
      %lt3A_297 = arith.cmpi slt, %xor3A_294, %lt3A_296 : vector<16xi32>
      %add3A_298 = arith.constant 16 : i32
      %add3A_299 = vector.broadcast %add3A_298 : i32 to vector<16xi32>
      %add3A_300 = arith.addi %xor3A_294, %add3A_299 : vector<16xi32>
      %select_n3A_301 = arith.select %lt3A_297, %add3A_300, %xor3A_294 : vector<16xi1>, vector<16xi32>
      %broadcast_in_dim3A_302 = vector.shape_cast %select_n3A_301 : vector<16xi32> to vector<16x1xi32>
      %gather3A_303 = vector.shape_cast %broadcast_in_dim3A_302 : vector<16x1xi32> to vector<16xi32>
      %gather3A_304 = tpu.dynamic_gather %scan3A_231#1[%gather3A_303] in [0] : vector<16xf32>, vector<16xi32> -> vector<16xf32>
      %min3A_305 = arith.minimumf %scan3A_231#1, %gather3A_304 : vector<16xf32>
      %xor3A_306 = arith.constant 4 : i32
      %xor3A_307 = vector.broadcast %xor3A_306 : i32 to vector<16xi32>
      %xor3A_308 = arith.xori %iota3A_291, %xor3A_307 : vector<16xi32>
      %lt3A_309 = arith.constant 0 : i32
      %lt3A_310 = vector.broadcast %lt3A_309 : i32 to vector<16xi32>
      %lt3A_311 = arith.cmpi slt, %xor3A_308, %lt3A_310 : vector<16xi32>
      %add3A_312 = arith.constant 16 : i32
      %add3A_313 = vector.broadcast %add3A_312 : i32 to vector<16xi32>
      %add3A_314 = arith.addi %xor3A_308, %add3A_313 : vector<16xi32>
      %select_n3A_315 = arith.select %lt3A_311, %add3A_314, %xor3A_308 : vector<16xi1>, vector<16xi32>
      %broadcast_in_dim3A_316 = vector.shape_cast %select_n3A_315 : vector<16xi32> to vector<16x1xi32>
      %gather3A_317 = vector.shape_cast %broadcast_in_dim3A_316 : vector<16x1xi32> to vector<16xi32>
      %gather3A_318 = tpu.dynamic_gather %min3A_305[%gather3A_317] in [0] : vector<16xf32>, vector<16xi32> -> vector<16xf32>
      %min3A_319 = arith.minimumf %min3A_305, %gather3A_318 : vector<16xf32>
      %xor3A_320 = arith.constant 2 : i32
      %xor3A_321 = vector.broadcast %xor3A_320 : i32 to vector<16xi32>
      %xor3A_322 = arith.xori %iota3A_291, %xor3A_321 : vector<16xi32>
      %lt3A_323 = arith.constant 0 : i32
      %lt3A_324 = vector.broadcast %lt3A_323 : i32 to vector<16xi32>
      %lt3A_325 = arith.cmpi slt, %xor3A_322, %lt3A_324 : vector<16xi32>
      %add3A_326 = arith.constant 16 : i32
      %add3A_327 = vector.broadcast %add3A_326 : i32 to vector<16xi32>
      %add3A_328 = arith.addi %xor3A_322, %add3A_327 : vector<16xi32>
      %select_n3A_329 = arith.select %lt3A_325, %add3A_328, %xor3A_322 : vector<16xi1>, vector<16xi32>
      %broadcast_in_dim3A_330 = vector.shape_cast %select_n3A_329 : vector<16xi32> to vector<16x1xi32>
      %gather3A_331 = vector.shape_cast %broadcast_in_dim3A_330 : vector<16x1xi32> to vector<16xi32>
      %gather3A_332 = tpu.dynamic_gather %min3A_319[%gather3A_331] in [0] : vector<16xf32>, vector<16xi32> -> vector<16xf32>
      %min3A_333 = arith.minimumf %min3A_319, %gather3A_332 : vector<16xf32>
      %xor3A_334 = arith.constant 1 : i32
      %xor3A_335 = vector.broadcast %xor3A_334 : i32 to vector<16xi32>
      %xor3A_336 = arith.xori %iota3A_291, %xor3A_335 : vector<16xi32>
      %lt3A_337 = arith.constant 0 : i32
      %lt3A_338 = vector.broadcast %lt3A_337 : i32 to vector<16xi32>
      %lt3A_339 = arith.cmpi slt, %xor3A_336, %lt3A_338 : vector<16xi32>
      %add3A_340 = arith.constant 16 : i32
      %add3A_341 = vector.broadcast %add3A_340 : i32 to vector<16xi32>
      %add3A_342 = arith.addi %xor3A_336, %add3A_341 : vector<16xi32>
      %select_n3A_343 = arith.select %lt3A_339, %add3A_342, %xor3A_336 : vector<16xi1>, vector<16xi32>
      %broadcast_in_dim3A_344 = vector.shape_cast %select_n3A_343 : vector<16xi32> to vector<16x1xi32>
      %gather3A_345 = vector.shape_cast %broadcast_in_dim3A_344 : vector<16x1xi32> to vector<16xi32>
      %gather3A_346 = tpu.dynamic_gather %min3A_333[%gather3A_345] in [0] : vector<16xf32>, vector<16xi32> -> vector<16xf32>
      %min3A_347 = arith.minimumf %min3A_333, %gather3A_346 : vector<16xf32>
      %slice3A_348 = vector.extract_strided_slice %min3A_347 {offsets = [0], sizes = [1], strides = [1]} : vector<16xf32> to vector<1xf32>
      %squeeze3A_349 = vector.extract %slice3A_348[0] : f32 from vector<1xf32>
      %add3A_350 = arith.addf %squeeze3A_349, %squeeze3A_182 : f32
      %max3A_351 = arith.constant 0.000000e+00 : f32
      %max3A_352 = arith.maximumf %add3A_350, %max3A_351 : f32
      %add3A_353 = arith.addf %add3A_290, %max3A_352 : f32
      %iota3A_354 = tpu.iota {dimensions = array<i32: 0>} : vector<16xi32>
      %xor3A_355 = arith.constant 8 : i32
      %xor3A_356 = vector.broadcast %xor3A_355 : i32 to vector<16xi32>
      %xor3A_357 = arith.xori %iota3A_354, %xor3A_356 : vector<16xi32>
      %lt3A_358 = arith.constant 0 : i32
      %lt3A_359 = vector.broadcast %lt3A_358 : i32 to vector<16xi32>
      %lt3A_360 = arith.cmpi slt, %xor3A_357, %lt3A_359 : vector<16xi32>
      %add3A_361 = arith.constant 16 : i32
      %add3A_362 = vector.broadcast %add3A_361 : i32 to vector<16xi32>
      %add3A_363 = arith.addi %xor3A_357, %add3A_362 : vector<16xi32>
      %select_n3A_364 = arith.select %lt3A_360, %add3A_363, %xor3A_357 : vector<16xi1>, vector<16xi32>
      %broadcast_in_dim3A_365 = vector.shape_cast %select_n3A_364 : vector<16xi32> to vector<16x1xi32>
      %gather3A_366 = vector.shape_cast %broadcast_in_dim3A_365 : vector<16x1xi32> to vector<16xi32>
      %gather3A_367 = tpu.dynamic_gather %scan3A_231#2[%gather3A_366] in [0] : vector<16xf32>, vector<16xi32> -> vector<16xf32>
      %min3A_368 = arith.minimumf %scan3A_231#2, %gather3A_367 : vector<16xf32>
      %xor3A_369 = arith.constant 4 : i32
      %xor3A_370 = vector.broadcast %xor3A_369 : i32 to vector<16xi32>
      %xor3A_371 = arith.xori %iota3A_354, %xor3A_370 : vector<16xi32>
      %lt3A_372 = arith.constant 0 : i32
      %lt3A_373 = vector.broadcast %lt3A_372 : i32 to vector<16xi32>
      %lt3A_374 = arith.cmpi slt, %xor3A_371, %lt3A_373 : vector<16xi32>
      %add3A_375 = arith.constant 16 : i32
      %add3A_376 = vector.broadcast %add3A_375 : i32 to vector<16xi32>
      %add3A_377 = arith.addi %xor3A_371, %add3A_376 : vector<16xi32>
      %select_n3A_378 = arith.select %lt3A_374, %add3A_377, %xor3A_371 : vector<16xi1>, vector<16xi32>
      %broadcast_in_dim3A_379 = vector.shape_cast %select_n3A_378 : vector<16xi32> to vector<16x1xi32>
      %gather3A_380 = vector.shape_cast %broadcast_in_dim3A_379 : vector<16x1xi32> to vector<16xi32>
      %gather3A_381 = tpu.dynamic_gather %min3A_368[%gather3A_380] in [0] : vector<16xf32>, vector<16xi32> -> vector<16xf32>
      %min3A_382 = arith.minimumf %min3A_368, %gather3A_381 : vector<16xf32>
      %xor3A_383 = arith.constant 2 : i32
      %xor3A_384 = vector.broadcast %xor3A_383 : i32 to vector<16xi32>
      %xor3A_385 = arith.xori %iota3A_354, %xor3A_384 : vector<16xi32>
      %lt3A_386 = arith.constant 0 : i32
      %lt3A_387 = vector.broadcast %lt3A_386 : i32 to vector<16xi32>
      %lt3A_388 = arith.cmpi slt, %xor3A_385, %lt3A_387 : vector<16xi32>
      %add3A_389 = arith.constant 16 : i32
      %add3A_390 = vector.broadcast %add3A_389 : i32 to vector<16xi32>
      %add3A_391 = arith.addi %xor3A_385, %add3A_390 : vector<16xi32>
      %select_n3A_392 = arith.select %lt3A_388, %add3A_391, %xor3A_385 : vector<16xi1>, vector<16xi32>
      %broadcast_in_dim3A_393 = vector.shape_cast %select_n3A_392 : vector<16xi32> to vector<16x1xi32>
      %gather3A_394 = vector.shape_cast %broadcast_in_dim3A_393 : vector<16x1xi32> to vector<16xi32>
      %gather3A_395 = tpu.dynamic_gather %min3A_382[%gather3A_394] in [0] : vector<16xf32>, vector<16xi32> -> vector<16xf32>
      %min3A_396 = arith.minimumf %min3A_382, %gather3A_395 : vector<16xf32>
      %xor3A_397 = arith.constant 1 : i32
      %xor3A_398 = vector.broadcast %xor3A_397 : i32 to vector<16xi32>
      %xor3A_399 = arith.xori %iota3A_354, %xor3A_398 : vector<16xi32>
      %lt3A_400 = arith.constant 0 : i32
      %lt3A_401 = vector.broadcast %lt3A_400 : i32 to vector<16xi32>
      %lt3A_402 = arith.cmpi slt, %xor3A_399, %lt3A_401 : vector<16xi32>
      %add3A_403 = arith.constant 16 : i32
      %add3A_404 = vector.broadcast %add3A_403 : i32 to vector<16xi32>
      %add3A_405 = arith.addi %xor3A_399, %add3A_404 : vector<16xi32>
      %select_n3A_406 = arith.select %lt3A_402, %add3A_405, %xor3A_399 : vector<16xi1>, vector<16xi32>
      %broadcast_in_dim3A_407 = vector.shape_cast %select_n3A_406 : vector<16xi32> to vector<16x1xi32>
      %gather3A_408 = vector.shape_cast %broadcast_in_dim3A_407 : vector<16x1xi32> to vector<16xi32>
      %gather3A_409 = tpu.dynamic_gather %min3A_396[%gather3A_408] in [0] : vector<16xf32>, vector<16xi32> -> vector<16xf32>
      %min3A_410 = arith.minimumf %min3A_396, %gather3A_409 : vector<16xf32>
      %slice3A_411 = vector.extract_strided_slice %min3A_410 {offsets = [0], sizes = [1], strides = [1]} : vector<16xf32> to vector<1xf32>
      %squeeze3A_412 = vector.extract %slice3A_411[0] : f32 from vector<1xf32>
      %add3A_413 = arith.addf %squeeze3A_412, %squeeze3A_184 : f32
      %max3A_414 = arith.constant 0.000000e+00 : f32
      %max3A_415 = arith.maximumf %add3A_413, %max3A_414 : f32
      %add3A_416 = arith.addf %add3A_353, %max3A_415 : f32
      %iota3A_417 = tpu.iota {dimensions = array<i32: 0>} : vector<16xi32>
      %xor3A_418 = arith.constant 8 : i32
      %xor3A_419 = vector.broadcast %xor3A_418 : i32 to vector<16xi32>
      %xor3A_420 = arith.xori %iota3A_417, %xor3A_419 : vector<16xi32>
      %lt3A_421 = arith.constant 0 : i32
      %lt3A_422 = vector.broadcast %lt3A_421 : i32 to vector<16xi32>
      %lt3A_423 = arith.cmpi slt, %xor3A_420, %lt3A_422 : vector<16xi32>
      %add3A_424 = arith.constant 16 : i32
      %add3A_425 = vector.broadcast %add3A_424 : i32 to vector<16xi32>
      %add3A_426 = arith.addi %xor3A_420, %add3A_425 : vector<16xi32>
      %select_n3A_427 = arith.select %lt3A_423, %add3A_426, %xor3A_420 : vector<16xi1>, vector<16xi32>
      %broadcast_in_dim3A_428 = vector.shape_cast %select_n3A_427 : vector<16xi32> to vector<16x1xi32>
      %gather3A_429 = vector.shape_cast %broadcast_in_dim3A_428 : vector<16x1xi32> to vector<16xi32>
      %gather3A_430 = tpu.dynamic_gather %scan3A_231#3[%gather3A_429] in [0] : vector<16xf32>, vector<16xi32> -> vector<16xf32>
      %min3A_431 = arith.minimumf %scan3A_231#3, %gather3A_430 : vector<16xf32>
      %xor3A_432 = arith.constant 4 : i32
      %xor3A_433 = vector.broadcast %xor3A_432 : i32 to vector<16xi32>
      %xor3A_434 = arith.xori %iota3A_417, %xor3A_433 : vector<16xi32>
      %lt3A_435 = arith.constant 0 : i32
      %lt3A_436 = vector.broadcast %lt3A_435 : i32 to vector<16xi32>
      %lt3A_437 = arith.cmpi slt, %xor3A_434, %lt3A_436 : vector<16xi32>
      %add3A_438 = arith.constant 16 : i32
      %add3A_439 = vector.broadcast %add3A_438 : i32 to vector<16xi32>
      %add3A_440 = arith.addi %xor3A_434, %add3A_439 : vector<16xi32>
      %select_n3A_441 = arith.select %lt3A_437, %add3A_440, %xor3A_434 : vector<16xi1>, vector<16xi32>
      %broadcast_in_dim3A_442 = vector.shape_cast %select_n3A_441 : vector<16xi32> to vector<16x1xi32>
      %gather3A_443 = vector.shape_cast %broadcast_in_dim3A_442 : vector<16x1xi32> to vector<16xi32>
      %gather3A_444 = tpu.dynamic_gather %min3A_431[%gather3A_443] in [0] : vector<16xf32>, vector<16xi32> -> vector<16xf32>
      %min3A_445 = arith.minimumf %min3A_431, %gather3A_444 : vector<16xf32>
      %xor3A_446 = arith.constant 2 : i32
      %xor3A_447 = vector.broadcast %xor3A_446 : i32 to vector<16xi32>
      %xor3A_448 = arith.xori %iota3A_417, %xor3A_447 : vector<16xi32>
      %lt3A_449 = arith.constant 0 : i32
      %lt3A_450 = vector.broadcast %lt3A_449 : i32 to vector<16xi32>
      %lt3A_451 = arith.cmpi slt, %xor3A_448, %lt3A_450 : vector<16xi32>
      %add3A_452 = arith.constant 16 : i32
      %add3A_453 = vector.broadcast %add3A_452 : i32 to vector<16xi32>
      %add3A_454 = arith.addi %xor3A_448, %add3A_453 : vector<16xi32>
      %select_n3A_455 = arith.select %lt3A_451, %add3A_454, %xor3A_448 : vector<16xi1>, vector<16xi32>
      %broadcast_in_dim3A_456 = vector.shape_cast %select_n3A_455 : vector<16xi32> to vector<16x1xi32>
      %gather3A_457 = vector.shape_cast %broadcast_in_dim3A_456 : vector<16x1xi32> to vector<16xi32>
      %gather3A_458 = tpu.dynamic_gather %min3A_445[%gather3A_457] in [0] : vector<16xf32>, vector<16xi32> -> vector<16xf32>
      %min3A_459 = arith.minimumf %min3A_445, %gather3A_458 : vector<16xf32>
      %xor3A_460 = arith.constant 1 : i32
      %xor3A_461 = vector.broadcast %xor3A_460 : i32 to vector<16xi32>
      %xor3A_462 = arith.xori %iota3A_417, %xor3A_461 : vector<16xi32>
      %lt3A_463 = arith.constant 0 : i32
      %lt3A_464 = vector.broadcast %lt3A_463 : i32 to vector<16xi32>
      %lt3A_465 = arith.cmpi slt, %xor3A_462, %lt3A_464 : vector<16xi32>
      %add3A_466 = arith.constant 16 : i32
      %add3A_467 = vector.broadcast %add3A_466 : i32 to vector<16xi32>
      %add3A_468 = arith.addi %xor3A_462, %add3A_467 : vector<16xi32>
      %select_n3A_469 = arith.select %lt3A_465, %add3A_468, %xor3A_462 : vector<16xi1>, vector<16xi32>
      %broadcast_in_dim3A_470 = vector.shape_cast %select_n3A_469 : vector<16xi32> to vector<16x1xi32>
      %gather3A_471 = vector.shape_cast %broadcast_in_dim3A_470 : vector<16x1xi32> to vector<16xi32>
      %gather3A_472 = tpu.dynamic_gather %min3A_459[%gather3A_471] in [0] : vector<16xf32>, vector<16xi32> -> vector<16xf32>
      %min3A_473 = arith.minimumf %min3A_459, %gather3A_472 : vector<16xf32>
      %slice3A_474 = vector.extract_strided_slice %min3A_473 {offsets = [0], sizes = [1], strides = [1]} : vector<16xf32> to vector<1xf32>
      %squeeze3A_475 = vector.extract %slice3A_474[0] : f32 from vector<1xf32>
      %add3A_476 = arith.addf %squeeze3A_475, %squeeze3A_186 : f32
      %max3A_477 = arith.constant 0.000000e+00 : f32
      %max3A_478 = arith.maximumf %add3A_476, %max3A_477 : f32
      %add3A_479 = arith.addf %add3A_416, %max3A_478 : f32
      %iota3A_480 = tpu.iota {dimensions = array<i32: 0>} : vector<16xi32>
      %xor3A_481 = arith.constant 8 : i32
      %xor3A_482 = vector.broadcast %xor3A_481 : i32 to vector<16xi32>
      %xor3A_483 = arith.xori %iota3A_480, %xor3A_482 : vector<16xi32>
      %lt3A_484 = arith.constant 0 : i32
      %lt3A_485 = vector.broadcast %lt3A_484 : i32 to vector<16xi32>
      %lt3A_486 = arith.cmpi slt, %xor3A_483, %lt3A_485 : vector<16xi32>
      %add3A_487 = arith.constant 16 : i32
      %add3A_488 = vector.broadcast %add3A_487 : i32 to vector<16xi32>
      %add3A_489 = arith.addi %xor3A_483, %add3A_488 : vector<16xi32>
      %select_n3A_490 = arith.select %lt3A_486, %add3A_489, %xor3A_483 : vector<16xi1>, vector<16xi32>
      %broadcast_in_dim3A_491 = vector.shape_cast %select_n3A_490 : vector<16xi32> to vector<16x1xi32>
      %gather3A_492 = vector.shape_cast %broadcast_in_dim3A_491 : vector<16x1xi32> to vector<16xi32>
      %gather3A_493 = tpu.dynamic_gather %scan3A_231#4[%gather3A_492] in [0] : vector<16xf32>, vector<16xi32> -> vector<16xf32>
      %min3A_494 = arith.minimumf %scan3A_231#4, %gather3A_493 : vector<16xf32>
      %xor3A_495 = arith.constant 4 : i32
      %xor3A_496 = vector.broadcast %xor3A_495 : i32 to vector<16xi32>
      %xor3A_497 = arith.xori %iota3A_480, %xor3A_496 : vector<16xi32>
      %lt3A_498 = arith.constant 0 : i32
      %lt3A_499 = vector.broadcast %lt3A_498 : i32 to vector<16xi32>
      %lt3A_500 = arith.cmpi slt, %xor3A_497, %lt3A_499 : vector<16xi32>
      %add3A_501 = arith.constant 16 : i32
      %add3A_502 = vector.broadcast %add3A_501 : i32 to vector<16xi32>
      %add3A_503 = arith.addi %xor3A_497, %add3A_502 : vector<16xi32>
      %select_n3A_504 = arith.select %lt3A_500, %add3A_503, %xor3A_497 : vector<16xi1>, vector<16xi32>
      %broadcast_in_dim3A_505 = vector.shape_cast %select_n3A_504 : vector<16xi32> to vector<16x1xi32>
      %gather3A_506 = vector.shape_cast %broadcast_in_dim3A_505 : vector<16x1xi32> to vector<16xi32>
      %gather3A_507 = tpu.dynamic_gather %min3A_494[%gather3A_506] in [0] : vector<16xf32>, vector<16xi32> -> vector<16xf32>
      %min3A_508 = arith.minimumf %min3A_494, %gather3A_507 : vector<16xf32>
      %xor3A_509 = arith.constant 2 : i32
      %xor3A_510 = vector.broadcast %xor3A_509 : i32 to vector<16xi32>
      %xor3A_511 = arith.xori %iota3A_480, %xor3A_510 : vector<16xi32>
      %lt3A_512 = arith.constant 0 : i32
      %lt3A_513 = vector.broadcast %lt3A_512 : i32 to vector<16xi32>
      %lt3A_514 = arith.cmpi slt, %xor3A_511, %lt3A_513 : vector<16xi32>
      %add3A_515 = arith.constant 16 : i32
      %add3A_516 = vector.broadcast %add3A_515 : i32 to vector<16xi32>
      %add3A_517 = arith.addi %xor3A_511, %add3A_516 : vector<16xi32>
      %select_n3A_518 = arith.select %lt3A_514, %add3A_517, %xor3A_511 : vector<16xi1>, vector<16xi32>
      %broadcast_in_dim3A_519 = vector.shape_cast %select_n3A_518 : vector<16xi32> to vector<16x1xi32>
      %gather3A_520 = vector.shape_cast %broadcast_in_dim3A_519 : vector<16x1xi32> to vector<16xi32>
      %gather3A_521 = tpu.dynamic_gather %min3A_508[%gather3A_520] in [0] : vector<16xf32>, vector<16xi32> -> vector<16xf32>
      %min3A_522 = arith.minimumf %min3A_508, %gather3A_521 : vector<16xf32>
      %xor3A_523 = arith.constant 1 : i32
      %xor3A_524 = vector.broadcast %xor3A_523 : i32 to vector<16xi32>
      %xor3A_525 = arith.xori %iota3A_480, %xor3A_524 : vector<16xi32>
      %lt3A_526 = arith.constant 0 : i32
      %lt3A_527 = vector.broadcast %lt3A_526 : i32 to vector<16xi32>
      %lt3A_528 = arith.cmpi slt, %xor3A_525, %lt3A_527 : vector<16xi32>
      %add3A_529 = arith.constant 16 : i32
      %add3A_530 = vector.broadcast %add3A_529 : i32 to vector<16xi32>
      %add3A_531 = arith.addi %xor3A_525, %add3A_530 : vector<16xi32>
      %select_n3A_532 = arith.select %lt3A_528, %add3A_531, %xor3A_525 : vector<16xi1>, vector<16xi32>
      %broadcast_in_dim3A_533 = vector.shape_cast %select_n3A_532 : vector<16xi32> to vector<16x1xi32>
      %gather3A_534 = vector.shape_cast %broadcast_in_dim3A_533 : vector<16x1xi32> to vector<16xi32>
      %gather3A_535 = tpu.dynamic_gather %min3A_522[%gather3A_534] in [0] : vector<16xf32>, vector<16xi32> -> vector<16xf32>
      %min3A_536 = arith.minimumf %min3A_522, %gather3A_535 : vector<16xf32>
      %slice3A_537 = vector.extract_strided_slice %min3A_536 {offsets = [0], sizes = [1], strides = [1]} : vector<16xf32> to vector<1xf32>
      %squeeze3A_538 = vector.extract %slice3A_537[0] : f32 from vector<1xf32>
      %add3A_539 = arith.addf %squeeze3A_538, %squeeze3A_188 : f32
      %max3A_540 = arith.constant 0.000000e+00 : f32
      %max3A_541 = arith.maximumf %add3A_539, %max3A_540 : f32
      %add3A_542 = arith.addf %add3A_479, %max3A_541 : f32
      %iota3A_543 = tpu.iota {dimensions = array<i32: 0>} : vector<16xi32>
      %xor3A_544 = arith.constant 8 : i32
      %xor3A_545 = vector.broadcast %xor3A_544 : i32 to vector<16xi32>
      %xor3A_546 = arith.xori %iota3A_543, %xor3A_545 : vector<16xi32>
      %lt3A_547 = arith.constant 0 : i32
      %lt3A_548 = vector.broadcast %lt3A_547 : i32 to vector<16xi32>
      %lt3A_549 = arith.cmpi slt, %xor3A_546, %lt3A_548 : vector<16xi32>
      %add3A_550 = arith.constant 16 : i32
      %add3A_551 = vector.broadcast %add3A_550 : i32 to vector<16xi32>
      %add3A_552 = arith.addi %xor3A_546, %add3A_551 : vector<16xi32>
      %select_n3A_553 = arith.select %lt3A_549, %add3A_552, %xor3A_546 : vector<16xi1>, vector<16xi32>
      %broadcast_in_dim3A_554 = vector.shape_cast %select_n3A_553 : vector<16xi32> to vector<16x1xi32>
      %gather3A_555 = vector.shape_cast %broadcast_in_dim3A_554 : vector<16x1xi32> to vector<16xi32>
      %gather3A_556 = tpu.dynamic_gather %scan3A_231#5[%gather3A_555] in [0] : vector<16xf32>, vector<16xi32> -> vector<16xf32>
      %min3A_557 = arith.minimumf %scan3A_231#5, %gather3A_556 : vector<16xf32>
      %xor3A_558 = arith.constant 4 : i32
      %xor3A_559 = vector.broadcast %xor3A_558 : i32 to vector<16xi32>
      %xor3A_560 = arith.xori %iota3A_543, %xor3A_559 : vector<16xi32>
      %lt3A_561 = arith.constant 0 : i32
      %lt3A_562 = vector.broadcast %lt3A_561 : i32 to vector<16xi32>
      %lt3A_563 = arith.cmpi slt, %xor3A_560, %lt3A_562 : vector<16xi32>
      %add3A_564 = arith.constant 16 : i32
      %add3A_565 = vector.broadcast %add3A_564 : i32 to vector<16xi32>
      %add3A_566 = arith.addi %xor3A_560, %add3A_565 : vector<16xi32>
      %select_n3A_567 = arith.select %lt3A_563, %add3A_566, %xor3A_560 : vector<16xi1>, vector<16xi32>
      %broadcast_in_dim3A_568 = vector.shape_cast %select_n3A_567 : vector<16xi32> to vector<16x1xi32>
      %gather3A_569 = vector.shape_cast %broadcast_in_dim3A_568 : vector<16x1xi32> to vector<16xi32>
      %gather3A_570 = tpu.dynamic_gather %min3A_557[%gather3A_569] in [0] : vector<16xf32>, vector<16xi32> -> vector<16xf32>
      %min3A_571 = arith.minimumf %min3A_557, %gather3A_570 : vector<16xf32>
      %xor3A_572 = arith.constant 2 : i32
      %xor3A_573 = vector.broadcast %xor3A_572 : i32 to vector<16xi32>
      %xor3A_574 = arith.xori %iota3A_543, %xor3A_573 : vector<16xi32>
      %lt3A_575 = arith.constant 0 : i32
      %lt3A_576 = vector.broadcast %lt3A_575 : i32 to vector<16xi32>
      %lt3A_577 = arith.cmpi slt, %xor3A_574, %lt3A_576 : vector<16xi32>
      %add3A_578 = arith.constant 16 : i32
      %add3A_579 = vector.broadcast %add3A_578 : i32 to vector<16xi32>
      %add3A_580 = arith.addi %xor3A_574, %add3A_579 : vector<16xi32>
      %select_n3A_581 = arith.select %lt3A_577, %add3A_580, %xor3A_574 : vector<16xi1>, vector<16xi32>
      %broadcast_in_dim3A_582 = vector.shape_cast %select_n3A_581 : vector<16xi32> to vector<16x1xi32>
      %gather3A_583 = vector.shape_cast %broadcast_in_dim3A_582 : vector<16x1xi32> to vector<16xi32>
      %gather3A_584 = tpu.dynamic_gather %min3A_571[%gather3A_583] in [0] : vector<16xf32>, vector<16xi32> -> vector<16xf32>
      %min3A_585 = arith.minimumf %min3A_571, %gather3A_584 : vector<16xf32>
      %xor3A_586 = arith.constant 1 : i32
      %xor3A_587 = vector.broadcast %xor3A_586 : i32 to vector<16xi32>
      %xor3A_588 = arith.xori %iota3A_543, %xor3A_587 : vector<16xi32>
      %lt3A_589 = arith.constant 0 : i32
      %lt3A_590 = vector.broadcast %lt3A_589 : i32 to vector<16xi32>
      %lt3A_591 = arith.cmpi slt, %xor3A_588, %lt3A_590 : vector<16xi32>
      %add3A_592 = arith.constant 16 : i32
      %add3A_593 = vector.broadcast %add3A_592 : i32 to vector<16xi32>
      %add3A_594 = arith.addi %xor3A_588, %add3A_593 : vector<16xi32>
      %select_n3A_595 = arith.select %lt3A_591, %add3A_594, %xor3A_588 : vector<16xi1>, vector<16xi32>
      %broadcast_in_dim3A_596 = vector.shape_cast %select_n3A_595 : vector<16xi32> to vector<16x1xi32>
      %gather3A_597 = vector.shape_cast %broadcast_in_dim3A_596 : vector<16x1xi32> to vector<16xi32>
      %gather3A_598 = tpu.dynamic_gather %min3A_585[%gather3A_597] in [0] : vector<16xf32>, vector<16xi32> -> vector<16xf32>
      %min3A_599 = arith.minimumf %min3A_585, %gather3A_598 : vector<16xf32>
      %slice3A_600 = vector.extract_strided_slice %min3A_599 {offsets = [0], sizes = [1], strides = [1]} : vector<16xf32> to vector<1xf32>
      %squeeze3A_601 = vector.extract %slice3A_600[0] : f32 from vector<1xf32>
      %add3A_602 = arith.addf %squeeze3A_601, %squeeze3A_190 : f32
      %max3A_603 = arith.constant 0.000000e+00 : f32
      %max3A_604 = arith.maximumf %add3A_602, %max3A_603 : f32
      %add3A_605 = arith.addf %add3A_542, %max3A_604 : f32
      %iota3A_606 = tpu.iota {dimensions = array<i32: 0>} : vector<16xi32>
      %xor3A_607 = arith.constant 8 : i32
      %xor3A_608 = vector.broadcast %xor3A_607 : i32 to vector<16xi32>
      %xor3A_609 = arith.xori %iota3A_606, %xor3A_608 : vector<16xi32>
      %lt3A_610 = arith.constant 0 : i32
      %lt3A_611 = vector.broadcast %lt3A_610 : i32 to vector<16xi32>
      %lt3A_612 = arith.cmpi slt, %xor3A_609, %lt3A_611 : vector<16xi32>
      %add3A_613 = arith.constant 16 : i32
      %add3A_614 = vector.broadcast %add3A_613 : i32 to vector<16xi32>
      %add3A_615 = arith.addi %xor3A_609, %add3A_614 : vector<16xi32>
      %select_n3A_616 = arith.select %lt3A_612, %add3A_615, %xor3A_609 : vector<16xi1>, vector<16xi32>
      %broadcast_in_dim3A_617 = vector.shape_cast %select_n3A_616 : vector<16xi32> to vector<16x1xi32>
      %gather3A_618 = vector.shape_cast %broadcast_in_dim3A_617 : vector<16x1xi32> to vector<16xi32>
      %gather3A_619 = tpu.dynamic_gather %scan3A_231#6[%gather3A_618] in [0] : vector<16xf32>, vector<16xi32> -> vector<16xf32>
      %min3A_620 = arith.minimumf %scan3A_231#6, %gather3A_619 : vector<16xf32>
      %xor3A_621 = arith.constant 4 : i32
      %xor3A_622 = vector.broadcast %xor3A_621 : i32 to vector<16xi32>
      %xor3A_623 = arith.xori %iota3A_606, %xor3A_622 : vector<16xi32>
      %lt3A_624 = arith.constant 0 : i32
      %lt3A_625 = vector.broadcast %lt3A_624 : i32 to vector<16xi32>
      %lt3A_626 = arith.cmpi slt, %xor3A_623, %lt3A_625 : vector<16xi32>
      %add3A_627 = arith.constant 16 : i32
      %add3A_628 = vector.broadcast %add3A_627 : i32 to vector<16xi32>
      %add3A_629 = arith.addi %xor3A_623, %add3A_628 : vector<16xi32>
      %select_n3A_630 = arith.select %lt3A_626, %add3A_629, %xor3A_623 : vector<16xi1>, vector<16xi32>
      %broadcast_in_dim3A_631 = vector.shape_cast %select_n3A_630 : vector<16xi32> to vector<16x1xi32>
      %gather3A_632 = vector.shape_cast %broadcast_in_dim3A_631 : vector<16x1xi32> to vector<16xi32>
      %gather3A_633 = tpu.dynamic_gather %min3A_620[%gather3A_632] in [0] : vector<16xf32>, vector<16xi32> -> vector<16xf32>
      %min3A_634 = arith.minimumf %min3A_620, %gather3A_633 : vector<16xf32>
      %xor3A_635 = arith.constant 2 : i32
      %xor3A_636 = vector.broadcast %xor3A_635 : i32 to vector<16xi32>
      %xor3A_637 = arith.xori %iota3A_606, %xor3A_636 : vector<16xi32>
      %lt3A_638 = arith.constant 0 : i32
      %lt3A_639 = vector.broadcast %lt3A_638 : i32 to vector<16xi32>
      %lt3A_640 = arith.cmpi slt, %xor3A_637, %lt3A_639 : vector<16xi32>
      %add3A_641 = arith.constant 16 : i32
      %add3A_642 = vector.broadcast %add3A_641 : i32 to vector<16xi32>
      %add3A_643 = arith.addi %xor3A_637, %add3A_642 : vector<16xi32>
      %select_n3A_644 = arith.select %lt3A_640, %add3A_643, %xor3A_637 : vector<16xi1>, vector<16xi32>
      %broadcast_in_dim3A_645 = vector.shape_cast %select_n3A_644 : vector<16xi32> to vector<16x1xi32>
      %gather3A_646 = vector.shape_cast %broadcast_in_dim3A_645 : vector<16x1xi32> to vector<16xi32>
      %gather3A_647 = tpu.dynamic_gather %min3A_634[%gather3A_646] in [0] : vector<16xf32>, vector<16xi32> -> vector<16xf32>
      %min3A_648 = arith.minimumf %min3A_634, %gather3A_647 : vector<16xf32>
      %xor3A_649 = arith.constant 1 : i32
      %xor3A_650 = vector.broadcast %xor3A_649 : i32 to vector<16xi32>
      %xor3A_651 = arith.xori %iota3A_606, %xor3A_650 : vector<16xi32>
      %lt3A_652 = arith.constant 0 : i32
      %lt3A_653 = vector.broadcast %lt3A_652 : i32 to vector<16xi32>
      %lt3A_654 = arith.cmpi slt, %xor3A_651, %lt3A_653 : vector<16xi32>
      %add3A_655 = arith.constant 16 : i32
      %add3A_656 = vector.broadcast %add3A_655 : i32 to vector<16xi32>
      %add3A_657 = arith.addi %xor3A_651, %add3A_656 : vector<16xi32>
      %select_n3A_658 = arith.select %lt3A_654, %add3A_657, %xor3A_651 : vector<16xi1>, vector<16xi32>
      %broadcast_in_dim3A_659 = vector.shape_cast %select_n3A_658 : vector<16xi32> to vector<16x1xi32>
      %gather3A_660 = vector.shape_cast %broadcast_in_dim3A_659 : vector<16x1xi32> to vector<16xi32>
      %gather3A_661 = tpu.dynamic_gather %min3A_648[%gather3A_660] in [0] : vector<16xf32>, vector<16xi32> -> vector<16xf32>
      %min3A_662 = arith.minimumf %min3A_648, %gather3A_661 : vector<16xf32>
      %slice3A_663 = vector.extract_strided_slice %min3A_662 {offsets = [0], sizes = [1], strides = [1]} : vector<16xf32> to vector<1xf32>
      %squeeze3A_664 = vector.extract %slice3A_663[0] : f32 from vector<1xf32>
      %add3A_665 = arith.addf %squeeze3A_664, %squeeze3A_192 : f32
      %max3A_666 = arith.constant 0.000000e+00 : f32
      %max3A_667 = arith.maximumf %add3A_665, %max3A_666 : f32
      %add3A_668 = arith.addf %add3A_605, %max3A_667 : f32
      %iota3A_669 = tpu.iota {dimensions = array<i32: 0>} : vector<16xi32>
      %xor3A_670 = arith.constant 8 : i32
      %xor3A_671 = vector.broadcast %xor3A_670 : i32 to vector<16xi32>
      %xor3A_672 = arith.xori %iota3A_669, %xor3A_671 : vector<16xi32>
      %lt3A_673 = arith.constant 0 : i32
      %lt3A_674 = vector.broadcast %lt3A_673 : i32 to vector<16xi32>
      %lt3A_675 = arith.cmpi slt, %xor3A_672, %lt3A_674 : vector<16xi32>
      %add3A_676 = arith.constant 16 : i32
      %add3A_677 = vector.broadcast %add3A_676 : i32 to vector<16xi32>
      %add3A_678 = arith.addi %xor3A_672, %add3A_677 : vector<16xi32>
      %select_n3A_679 = arith.select %lt3A_675, %add3A_678, %xor3A_672 : vector<16xi1>, vector<16xi32>
      %broadcast_in_dim3A_680 = vector.shape_cast %select_n3A_679 : vector<16xi32> to vector<16x1xi32>
      %gather3A_681 = vector.shape_cast %broadcast_in_dim3A_680 : vector<16x1xi32> to vector<16xi32>
      %gather3A_682 = tpu.dynamic_gather %scan3A_231#7[%gather3A_681] in [0] : vector<16xf32>, vector<16xi32> -> vector<16xf32>
      %min3A_683 = arith.minimumf %scan3A_231#7, %gather3A_682 : vector<16xf32>
      %xor3A_684 = arith.constant 4 : i32
      %xor3A_685 = vector.broadcast %xor3A_684 : i32 to vector<16xi32>
      %xor3A_686 = arith.xori %iota3A_669, %xor3A_685 : vector<16xi32>
      %lt3A_687 = arith.constant 0 : i32
      %lt3A_688 = vector.broadcast %lt3A_687 : i32 to vector<16xi32>
      %lt3A_689 = arith.cmpi slt, %xor3A_686, %lt3A_688 : vector<16xi32>
      %add3A_690 = arith.constant 16 : i32
      %add3A_691 = vector.broadcast %add3A_690 : i32 to vector<16xi32>
      %add3A_692 = arith.addi %xor3A_686, %add3A_691 : vector<16xi32>
      %select_n3A_693 = arith.select %lt3A_689, %add3A_692, %xor3A_686 : vector<16xi1>, vector<16xi32>
      %broadcast_in_dim3A_694 = vector.shape_cast %select_n3A_693 : vector<16xi32> to vector<16x1xi32>
      %gather3A_695 = vector.shape_cast %broadcast_in_dim3A_694 : vector<16x1xi32> to vector<16xi32>
      %gather3A_696 = tpu.dynamic_gather %min3A_683[%gather3A_695] in [0] : vector<16xf32>, vector<16xi32> -> vector<16xf32>
      %min3A_697 = arith.minimumf %min3A_683, %gather3A_696 : vector<16xf32>
      %xor3A_698 = arith.constant 2 : i32
      %xor3A_699 = vector.broadcast %xor3A_698 : i32 to vector<16xi32>
      %xor3A_700 = arith.xori %iota3A_669, %xor3A_699 : vector<16xi32>
      %lt3A_701 = arith.constant 0 : i32
      %lt3A_702 = vector.broadcast %lt3A_701 : i32 to vector<16xi32>
      %lt3A_703 = arith.cmpi slt, %xor3A_700, %lt3A_702 : vector<16xi32>
      %add3A_704 = arith.constant 16 : i32
      %add3A_705 = vector.broadcast %add3A_704 : i32 to vector<16xi32>
      %add3A_706 = arith.addi %xor3A_700, %add3A_705 : vector<16xi32>
      %select_n3A_707 = arith.select %lt3A_703, %add3A_706, %xor3A_700 : vector<16xi1>, vector<16xi32>
      %broadcast_in_dim3A_708 = vector.shape_cast %select_n3A_707 : vector<16xi32> to vector<16x1xi32>
      %gather3A_709 = vector.shape_cast %broadcast_in_dim3A_708 : vector<16x1xi32> to vector<16xi32>
      %gather3A_710 = tpu.dynamic_gather %min3A_697[%gather3A_709] in [0] : vector<16xf32>, vector<16xi32> -> vector<16xf32>
      %min3A_711 = arith.minimumf %min3A_697, %gather3A_710 : vector<16xf32>
      %xor3A_712 = arith.constant 1 : i32
      %xor3A_713 = vector.broadcast %xor3A_712 : i32 to vector<16xi32>
      %xor3A_714 = arith.xori %iota3A_669, %xor3A_713 : vector<16xi32>
      %lt3A_715 = arith.constant 0 : i32
      %lt3A_716 = vector.broadcast %lt3A_715 : i32 to vector<16xi32>
      %lt3A_717 = arith.cmpi slt, %xor3A_714, %lt3A_716 : vector<16xi32>
      %add3A_718 = arith.constant 16 : i32
      %add3A_719 = vector.broadcast %add3A_718 : i32 to vector<16xi32>
      %add3A_720 = arith.addi %xor3A_714, %add3A_719 : vector<16xi32>
      %select_n3A_721 = arith.select %lt3A_717, %add3A_720, %xor3A_714 : vector<16xi1>, vector<16xi32>
      %broadcast_in_dim3A_722 = vector.shape_cast %select_n3A_721 : vector<16xi32> to vector<16x1xi32>
      %gather3A_723 = vector.shape_cast %broadcast_in_dim3A_722 : vector<16x1xi32> to vector<16xi32>
      %gather3A_724 = tpu.dynamic_gather %min3A_711[%gather3A_723] in [0] : vector<16xf32>, vector<16xi32> -> vector<16xf32>
      %min3A_725 = arith.minimumf %min3A_711, %gather3A_724 : vector<16xf32>
      %slice3A_726 = vector.extract_strided_slice %min3A_725 {offsets = [0], sizes = [1], strides = [1]} : vector<16xf32> to vector<1xf32>
      %squeeze3A_727 = vector.extract %slice3A_726[0] : f32 from vector<1xf32>
      %add3A_728 = arith.addf %squeeze3A_727, %squeeze3A_194 : f32
      %max3A_729 = arith.constant 0.000000e+00 : f32
      %max3A_730 = arith.maximumf %add3A_728, %max3A_729 : f32
      %add3A_731 = arith.addf %add3A_668, %max3A_730 : f32
      %iota3A_732 = tpu.iota {dimensions = array<i32: 0>} : vector<16xi32>
      %xor3A_733 = arith.constant 8 : i32
      %xor3A_734 = vector.broadcast %xor3A_733 : i32 to vector<16xi32>
      %xor3A_735 = arith.xori %iota3A_732, %xor3A_734 : vector<16xi32>
      %lt3A_736 = arith.constant 0 : i32
      %lt3A_737 = vector.broadcast %lt3A_736 : i32 to vector<16xi32>
      %lt3A_738 = arith.cmpi slt, %xor3A_735, %lt3A_737 : vector<16xi32>
      %add3A_739 = arith.constant 16 : i32
      %add3A_740 = vector.broadcast %add3A_739 : i32 to vector<16xi32>
      %add3A_741 = arith.addi %xor3A_735, %add3A_740 : vector<16xi32>
      %select_n3A_742 = arith.select %lt3A_738, %add3A_741, %xor3A_735 : vector<16xi1>, vector<16xi32>
      %broadcast_in_dim3A_743 = vector.shape_cast %select_n3A_742 : vector<16xi32> to vector<16x1xi32>
      %gather3A_744 = vector.shape_cast %broadcast_in_dim3A_743 : vector<16x1xi32> to vector<16xi32>
      %gather3A_745 = tpu.dynamic_gather %scan3A_231#8[%gather3A_744] in [0] : vector<16xf32>, vector<16xi32> -> vector<16xf32>
      %min3A_746 = arith.minimumf %scan3A_231#8, %gather3A_745 : vector<16xf32>
      %xor3A_747 = arith.constant 4 : i32
      %xor3A_748 = vector.broadcast %xor3A_747 : i32 to vector<16xi32>
      %xor3A_749 = arith.xori %iota3A_732, %xor3A_748 : vector<16xi32>
      %lt3A_750 = arith.constant 0 : i32
      %lt3A_751 = vector.broadcast %lt3A_750 : i32 to vector<16xi32>
      %lt3A_752 = arith.cmpi slt, %xor3A_749, %lt3A_751 : vector<16xi32>
      %add3A_753 = arith.constant 16 : i32
      %add3A_754 = vector.broadcast %add3A_753 : i32 to vector<16xi32>
      %add3A_755 = arith.addi %xor3A_749, %add3A_754 : vector<16xi32>
      %select_n3A_756 = arith.select %lt3A_752, %add3A_755, %xor3A_749 : vector<16xi1>, vector<16xi32>
      %broadcast_in_dim3A_757 = vector.shape_cast %select_n3A_756 : vector<16xi32> to vector<16x1xi32>
      %gather3A_758 = vector.shape_cast %broadcast_in_dim3A_757 : vector<16x1xi32> to vector<16xi32>
      %gather3A_759 = tpu.dynamic_gather %min3A_746[%gather3A_758] in [0] : vector<16xf32>, vector<16xi32> -> vector<16xf32>
      %min3A_760 = arith.minimumf %min3A_746, %gather3A_759 : vector<16xf32>
      %xor3A_761 = arith.constant 2 : i32
      %xor3A_762 = vector.broadcast %xor3A_761 : i32 to vector<16xi32>
      %xor3A_763 = arith.xori %iota3A_732, %xor3A_762 : vector<16xi32>
      %lt3A_764 = arith.constant 0 : i32
      %lt3A_765 = vector.broadcast %lt3A_764 : i32 to vector<16xi32>
      %lt3A_766 = arith.cmpi slt, %xor3A_763, %lt3A_765 : vector<16xi32>
      %add3A_767 = arith.constant 16 : i32
      %add3A_768 = vector.broadcast %add3A_767 : i32 to vector<16xi32>
      %add3A_769 = arith.addi %xor3A_763, %add3A_768 : vector<16xi32>
      %select_n3A_770 = arith.select %lt3A_766, %add3A_769, %xor3A_763 : vector<16xi1>, vector<16xi32>
      %broadcast_in_dim3A_771 = vector.shape_cast %select_n3A_770 : vector<16xi32> to vector<16x1xi32>
      %gather3A_772 = vector.shape_cast %broadcast_in_dim3A_771 : vector<16x1xi32> to vector<16xi32>
      %gather3A_773 = tpu.dynamic_gather %min3A_760[%gather3A_772] in [0] : vector<16xf32>, vector<16xi32> -> vector<16xf32>
      %min3A_774 = arith.minimumf %min3A_760, %gather3A_773 : vector<16xf32>
      %xor3A_775 = arith.constant 1 : i32
      %xor3A_776 = vector.broadcast %xor3A_775 : i32 to vector<16xi32>
      %xor3A_777 = arith.xori %iota3A_732, %xor3A_776 : vector<16xi32>
      %lt3A_778 = arith.constant 0 : i32
      %lt3A_779 = vector.broadcast %lt3A_778 : i32 to vector<16xi32>
      %lt3A_780 = arith.cmpi slt, %xor3A_777, %lt3A_779 : vector<16xi32>
      %add3A_781 = arith.constant 16 : i32
      %add3A_782 = vector.broadcast %add3A_781 : i32 to vector<16xi32>
      %add3A_783 = arith.addi %xor3A_777, %add3A_782 : vector<16xi32>
      %select_n3A_784 = arith.select %lt3A_780, %add3A_783, %xor3A_777 : vector<16xi1>, vector<16xi32>
      %broadcast_in_dim3A_785 = vector.shape_cast %select_n3A_784 : vector<16xi32> to vector<16x1xi32>
      %gather3A_786 = vector.shape_cast %broadcast_in_dim3A_785 : vector<16x1xi32> to vector<16xi32>
      %gather3A_787 = tpu.dynamic_gather %min3A_774[%gather3A_786] in [0] : vector<16xf32>, vector<16xi32> -> vector<16xf32>
      %min3A_788 = arith.minimumf %min3A_774, %gather3A_787 : vector<16xf32>
      %slice3A_789 = vector.extract_strided_slice %min3A_788 {offsets = [0], sizes = [1], strides = [1]} : vector<16xf32> to vector<1xf32>
      %squeeze3A_790 = vector.extract %slice3A_789[0] : f32 from vector<1xf32>
      %add3A_791 = arith.addf %squeeze3A_790, %squeeze3A_196 : f32
      %max3A_792 = arith.constant 0.000000e+00 : f32
      %max3A_793 = arith.maximumf %add3A_791, %max3A_792 : f32
      %add3A_794 = arith.addf %add3A_731, %max3A_793 : f32
      %iota3A_795 = tpu.iota {dimensions = array<i32: 0>} : vector<16xi32>
      %xor3A_796 = arith.constant 8 : i32
      %xor3A_797 = vector.broadcast %xor3A_796 : i32 to vector<16xi32>
      %xor3A_798 = arith.xori %iota3A_795, %xor3A_797 : vector<16xi32>
      %lt3A_799 = arith.constant 0 : i32
      %lt3A_800 = vector.broadcast %lt3A_799 : i32 to vector<16xi32>
      %lt3A_801 = arith.cmpi slt, %xor3A_798, %lt3A_800 : vector<16xi32>
      %add3A_802 = arith.constant 16 : i32
      %add3A_803 = vector.broadcast %add3A_802 : i32 to vector<16xi32>
      %add3A_804 = arith.addi %xor3A_798, %add3A_803 : vector<16xi32>
      %select_n3A_805 = arith.select %lt3A_801, %add3A_804, %xor3A_798 : vector<16xi1>, vector<16xi32>
      %broadcast_in_dim3A_806 = vector.shape_cast %select_n3A_805 : vector<16xi32> to vector<16x1xi32>
      %gather3A_807 = vector.shape_cast %broadcast_in_dim3A_806 : vector<16x1xi32> to vector<16xi32>
      %gather3A_808 = tpu.dynamic_gather %scan3A_231#9[%gather3A_807] in [0] : vector<16xf32>, vector<16xi32> -> vector<16xf32>
      %min3A_809 = arith.minimumf %scan3A_231#9, %gather3A_808 : vector<16xf32>
      %xor3A_810 = arith.constant 4 : i32
      %xor3A_811 = vector.broadcast %xor3A_810 : i32 to vector<16xi32>
      %xor3A_812 = arith.xori %iota3A_795, %xor3A_811 : vector<16xi32>
      %lt3A_813 = arith.constant 0 : i32
      %lt3A_814 = vector.broadcast %lt3A_813 : i32 to vector<16xi32>
      %lt3A_815 = arith.cmpi slt, %xor3A_812, %lt3A_814 : vector<16xi32>
      %add3A_816 = arith.constant 16 : i32
      %add3A_817 = vector.broadcast %add3A_816 : i32 to vector<16xi32>
      %add3A_818 = arith.addi %xor3A_812, %add3A_817 : vector<16xi32>
      %select_n3A_819 = arith.select %lt3A_815, %add3A_818, %xor3A_812 : vector<16xi1>, vector<16xi32>
      %broadcast_in_dim3A_820 = vector.shape_cast %select_n3A_819 : vector<16xi32> to vector<16x1xi32>
      %gather3A_821 = vector.shape_cast %broadcast_in_dim3A_820 : vector<16x1xi32> to vector<16xi32>
      %gather3A_822 = tpu.dynamic_gather %min3A_809[%gather3A_821] in [0] : vector<16xf32>, vector<16xi32> -> vector<16xf32>
      %min3A_823 = arith.minimumf %min3A_809, %gather3A_822 : vector<16xf32>
      %xor3A_824 = arith.constant 2 : i32
      %xor3A_825 = vector.broadcast %xor3A_824 : i32 to vector<16xi32>
      %xor3A_826 = arith.xori %iota3A_795, %xor3A_825 : vector<16xi32>
      %lt3A_827 = arith.constant 0 : i32
      %lt3A_828 = vector.broadcast %lt3A_827 : i32 to vector<16xi32>
      %lt3A_829 = arith.cmpi slt, %xor3A_826, %lt3A_828 : vector<16xi32>
      %add3A_830 = arith.constant 16 : i32
      %add3A_831 = vector.broadcast %add3A_830 : i32 to vector<16xi32>
      %add3A_832 = arith.addi %xor3A_826, %add3A_831 : vector<16xi32>
      %select_n3A_833 = arith.select %lt3A_829, %add3A_832, %xor3A_826 : vector<16xi1>, vector<16xi32>
      %broadcast_in_dim3A_834 = vector.shape_cast %select_n3A_833 : vector<16xi32> to vector<16x1xi32>
      %gather3A_835 = vector.shape_cast %broadcast_in_dim3A_834 : vector<16x1xi32> to vector<16xi32>
      %gather3A_836 = tpu.dynamic_gather %min3A_823[%gather3A_835] in [0] : vector<16xf32>, vector<16xi32> -> vector<16xf32>
      %min3A_837 = arith.minimumf %min3A_823, %gather3A_836 : vector<16xf32>
      %xor3A_838 = arith.constant 1 : i32
      %xor3A_839 = vector.broadcast %xor3A_838 : i32 to vector<16xi32>
      %xor3A_840 = arith.xori %iota3A_795, %xor3A_839 : vector<16xi32>
      %lt3A_841 = arith.constant 0 : i32
      %lt3A_842 = vector.broadcast %lt3A_841 : i32 to vector<16xi32>
      %lt3A_843 = arith.cmpi slt, %xor3A_840, %lt3A_842 : vector<16xi32>
      %add3A_844 = arith.constant 16 : i32
      %add3A_845 = vector.broadcast %add3A_844 : i32 to vector<16xi32>
      %add3A_846 = arith.addi %xor3A_840, %add3A_845 : vector<16xi32>
      %select_n3A_847 = arith.select %lt3A_843, %add3A_846, %xor3A_840 : vector<16xi1>, vector<16xi32>
      %broadcast_in_dim3A_848 = vector.shape_cast %select_n3A_847 : vector<16xi32> to vector<16x1xi32>
      %gather3A_849 = vector.shape_cast %broadcast_in_dim3A_848 : vector<16x1xi32> to vector<16xi32>
      %gather3A_850 = tpu.dynamic_gather %min3A_837[%gather3A_849] in [0] : vector<16xf32>, vector<16xi32> -> vector<16xf32>
      %min3A_851 = arith.minimumf %min3A_837, %gather3A_850 : vector<16xf32>
      %slice3A_852 = vector.extract_strided_slice %min3A_851 {offsets = [0], sizes = [1], strides = [1]} : vector<16xf32> to vector<1xf32>
      %squeeze3A_853 = vector.extract %slice3A_852[0] : f32 from vector<1xf32>
      %add3A_854 = arith.addf %squeeze3A_853, %squeeze3A_198 : f32
      %max3A_855 = arith.constant 0.000000e+00 : f32
      %max3A_856 = arith.maximumf %add3A_854, %max3A_855 : f32
      %add3A_857 = arith.addf %add3A_794, %max3A_856 : f32
      %iota3A_858 = tpu.iota {dimensions = array<i32: 0>} : vector<16xi32>
      %xor3A_859 = arith.constant 8 : i32
      %xor3A_860 = vector.broadcast %xor3A_859 : i32 to vector<16xi32>
      %xor3A_861 = arith.xori %iota3A_858, %xor3A_860 : vector<16xi32>
      %lt3A_862 = arith.constant 0 : i32
      %lt3A_863 = vector.broadcast %lt3A_862 : i32 to vector<16xi32>
      %lt3A_864 = arith.cmpi slt, %xor3A_861, %lt3A_863 : vector<16xi32>
      %add3A_865 = arith.constant 16 : i32
      %add3A_866 = vector.broadcast %add3A_865 : i32 to vector<16xi32>
      %add3A_867 = arith.addi %xor3A_861, %add3A_866 : vector<16xi32>
      %select_n3A_868 = arith.select %lt3A_864, %add3A_867, %xor3A_861 : vector<16xi1>, vector<16xi32>
      %broadcast_in_dim3A_869 = vector.shape_cast %select_n3A_868 : vector<16xi32> to vector<16x1xi32>
      %gather3A_870 = vector.shape_cast %broadcast_in_dim3A_869 : vector<16x1xi32> to vector<16xi32>
      %gather3A_871 = tpu.dynamic_gather %scan3A_231#10[%gather3A_870] in [0] : vector<16xf32>, vector<16xi32> -> vector<16xf32>
      %min3A_872 = arith.minimumf %scan3A_231#10, %gather3A_871 : vector<16xf32>
      %xor3A_873 = arith.constant 4 : i32
      %xor3A_874 = vector.broadcast %xor3A_873 : i32 to vector<16xi32>
      %xor3A_875 = arith.xori %iota3A_858, %xor3A_874 : vector<16xi32>
      %lt3A_876 = arith.constant 0 : i32
      %lt3A_877 = vector.broadcast %lt3A_876 : i32 to vector<16xi32>
      %lt3A_878 = arith.cmpi slt, %xor3A_875, %lt3A_877 : vector<16xi32>
      %add3A_879 = arith.constant 16 : i32
      %add3A_880 = vector.broadcast %add3A_879 : i32 to vector<16xi32>
      %add3A_881 = arith.addi %xor3A_875, %add3A_880 : vector<16xi32>
      %select_n3A_882 = arith.select %lt3A_878, %add3A_881, %xor3A_875 : vector<16xi1>, vector<16xi32>
      %broadcast_in_dim3A_883 = vector.shape_cast %select_n3A_882 : vector<16xi32> to vector<16x1xi32>
      %gather3A_884 = vector.shape_cast %broadcast_in_dim3A_883 : vector<16x1xi32> to vector<16xi32>
      %gather3A_885 = tpu.dynamic_gather %min3A_872[%gather3A_884] in [0] : vector<16xf32>, vector<16xi32> -> vector<16xf32>
      %min3A_886 = arith.minimumf %min3A_872, %gather3A_885 : vector<16xf32>
      %xor3A_887 = arith.constant 2 : i32
      %xor3A_888 = vector.broadcast %xor3A_887 : i32 to vector<16xi32>
      %xor3A_889 = arith.xori %iota3A_858, %xor3A_888 : vector<16xi32>
      %lt3A_890 = arith.constant 0 : i32
      %lt3A_891 = vector.broadcast %lt3A_890 : i32 to vector<16xi32>
      %lt3A_892 = arith.cmpi slt, %xor3A_889, %lt3A_891 : vector<16xi32>
      %add3A_893 = arith.constant 16 : i32
      %add3A_894 = vector.broadcast %add3A_893 : i32 to vector<16xi32>
      %add3A_895 = arith.addi %xor3A_889, %add3A_894 : vector<16xi32>
      %select_n3A_896 = arith.select %lt3A_892, %add3A_895, %xor3A_889 : vector<16xi1>, vector<16xi32>
      %broadcast_in_dim3A_897 = vector.shape_cast %select_n3A_896 : vector<16xi32> to vector<16x1xi32>
      %gather3A_898 = vector.shape_cast %broadcast_in_dim3A_897 : vector<16x1xi32> to vector<16xi32>
      %gather3A_899 = tpu.dynamic_gather %min3A_886[%gather3A_898] in [0] : vector<16xf32>, vector<16xi32> -> vector<16xf32>
      %min3A_900 = arith.minimumf %min3A_886, %gather3A_899 : vector<16xf32>
      %xor3A_901 = arith.constant 1 : i32
      %xor3A_902 = vector.broadcast %xor3A_901 : i32 to vector<16xi32>
      %xor3A_903 = arith.xori %iota3A_858, %xor3A_902 : vector<16xi32>
      %lt3A_904 = arith.constant 0 : i32
      %lt3A_905 = vector.broadcast %lt3A_904 : i32 to vector<16xi32>
      %lt3A_906 = arith.cmpi slt, %xor3A_903, %lt3A_905 : vector<16xi32>
      %add3A_907 = arith.constant 16 : i32
      %add3A_908 = vector.broadcast %add3A_907 : i32 to vector<16xi32>
      %add3A_909 = arith.addi %xor3A_903, %add3A_908 : vector<16xi32>
      %select_n3A_910 = arith.select %lt3A_906, %add3A_909, %xor3A_903 : vector<16xi1>, vector<16xi32>
      %broadcast_in_dim3A_911 = vector.shape_cast %select_n3A_910 : vector<16xi32> to vector<16x1xi32>
      %gather3A_912 = vector.shape_cast %broadcast_in_dim3A_911 : vector<16x1xi32> to vector<16xi32>
      %gather3A_913 = tpu.dynamic_gather %min3A_900[%gather3A_912] in [0] : vector<16xf32>, vector<16xi32> -> vector<16xf32>
      %min3A_914 = arith.minimumf %min3A_900, %gather3A_913 : vector<16xf32>
      %slice3A_915 = vector.extract_strided_slice %min3A_914 {offsets = [0], sizes = [1], strides = [1]} : vector<16xf32> to vector<1xf32>
      %squeeze3A_916 = vector.extract %slice3A_915[0] : f32 from vector<1xf32>
      %add3A_917 = arith.addf %squeeze3A_916, %squeeze3A_200 : f32
      %max3A_918 = arith.constant 0.000000e+00 : f32
      %max3A_919 = arith.maximumf %add3A_917, %max3A_918 : f32
      %add3A_920 = arith.addf %add3A_857, %max3A_919 : f32
      %iota3A_921 = tpu.iota {dimensions = array<i32: 0>} : vector<16xi32>
      %xor3A_922 = arith.constant 8 : i32
      %xor3A_923 = vector.broadcast %xor3A_922 : i32 to vector<16xi32>
      %xor3A_924 = arith.xori %iota3A_921, %xor3A_923 : vector<16xi32>
      %lt3A_925 = arith.constant 0 : i32
      %lt3A_926 = vector.broadcast %lt3A_925 : i32 to vector<16xi32>
      %lt3A_927 = arith.cmpi slt, %xor3A_924, %lt3A_926 : vector<16xi32>
      %add3A_928 = arith.constant 16 : i32
      %add3A_929 = vector.broadcast %add3A_928 : i32 to vector<16xi32>
      %add3A_930 = arith.addi %xor3A_924, %add3A_929 : vector<16xi32>
      %select_n3A_931 = arith.select %lt3A_927, %add3A_930, %xor3A_924 : vector<16xi1>, vector<16xi32>
      %broadcast_in_dim3A_932 = vector.shape_cast %select_n3A_931 : vector<16xi32> to vector<16x1xi32>
      %gather3A_933 = vector.shape_cast %broadcast_in_dim3A_932 : vector<16x1xi32> to vector<16xi32>
      %gather3A_934 = tpu.dynamic_gather %scan3A_231#11[%gather3A_933] in [0] : vector<16xf32>, vector<16xi32> -> vector<16xf32>
      %min3A_935 = arith.minimumf %scan3A_231#11, %gather3A_934 : vector<16xf32>
      %xor3A_936 = arith.constant 4 : i32
      %xor3A_937 = vector.broadcast %xor3A_936 : i32 to vector<16xi32>
      %xor3A_938 = arith.xori %iota3A_921, %xor3A_937 : vector<16xi32>
      %lt3A_939 = arith.constant 0 : i32
      %lt3A_940 = vector.broadcast %lt3A_939 : i32 to vector<16xi32>
      %lt3A_941 = arith.cmpi slt, %xor3A_938, %lt3A_940 : vector<16xi32>
      %add3A_942 = arith.constant 16 : i32
      %add3A_943 = vector.broadcast %add3A_942 : i32 to vector<16xi32>
      %add3A_944 = arith.addi %xor3A_938, %add3A_943 : vector<16xi32>
      %select_n3A_945 = arith.select %lt3A_941, %add3A_944, %xor3A_938 : vector<16xi1>, vector<16xi32>
      %broadcast_in_dim3A_946 = vector.shape_cast %select_n3A_945 : vector<16xi32> to vector<16x1xi32>
      %gather3A_947 = vector.shape_cast %broadcast_in_dim3A_946 : vector<16x1xi32> to vector<16xi32>
      %gather3A_948 = tpu.dynamic_gather %min3A_935[%gather3A_947] in [0] : vector<16xf32>, vector<16xi32> -> vector<16xf32>
      %min3A_949 = arith.minimumf %min3A_935, %gather3A_948 : vector<16xf32>
      %xor3A_950 = arith.constant 2 : i32
      %xor3A_951 = vector.broadcast %xor3A_950 : i32 to vector<16xi32>
      %xor3A_952 = arith.xori %iota3A_921, %xor3A_951 : vector<16xi32>
      %lt3A_953 = arith.constant 0 : i32
      %lt3A_954 = vector.broadcast %lt3A_953 : i32 to vector<16xi32>
      %lt3A_955 = arith.cmpi slt, %xor3A_952, %lt3A_954 : vector<16xi32>
      %add3A_956 = arith.constant 16 : i32
      %add3A_957 = vector.broadcast %add3A_956 : i32 to vector<16xi32>
      %add3A_958 = arith.addi %xor3A_952, %add3A_957 : vector<16xi32>
      %select_n3A_959 = arith.select %lt3A_955, %add3A_958, %xor3A_952 : vector<16xi1>, vector<16xi32>
      %broadcast_in_dim3A_960 = vector.shape_cast %select_n3A_959 : vector<16xi32> to vector<16x1xi32>
      %gather3A_961 = vector.shape_cast %broadcast_in_dim3A_960 : vector<16x1xi32> to vector<16xi32>
      %gather3A_962 = tpu.dynamic_gather %min3A_949[%gather3A_961] in [0] : vector<16xf32>, vector<16xi32> -> vector<16xf32>
      %min3A_963 = arith.minimumf %min3A_949, %gather3A_962 : vector<16xf32>
      %xor3A_964 = arith.constant 1 : i32
      %xor3A_965 = vector.broadcast %xor3A_964 : i32 to vector<16xi32>
      %xor3A_966 = arith.xori %iota3A_921, %xor3A_965 : vector<16xi32>
      %lt3A_967 = arith.constant 0 : i32
      %lt3A_968 = vector.broadcast %lt3A_967 : i32 to vector<16xi32>
      %lt3A_969 = arith.cmpi slt, %xor3A_966, %lt3A_968 : vector<16xi32>
      %add3A_970 = arith.constant 16 : i32
      %add3A_971 = vector.broadcast %add3A_970 : i32 to vector<16xi32>
      %add3A_972 = arith.addi %xor3A_966, %add3A_971 : vector<16xi32>
      %select_n3A_973 = arith.select %lt3A_969, %add3A_972, %xor3A_966 : vector<16xi1>, vector<16xi32>
      %broadcast_in_dim3A_974 = vector.shape_cast %select_n3A_973 : vector<16xi32> to vector<16x1xi32>
      %gather3A_975 = vector.shape_cast %broadcast_in_dim3A_974 : vector<16x1xi32> to vector<16xi32>
      %gather3A_976 = tpu.dynamic_gather %min3A_963[%gather3A_975] in [0] : vector<16xf32>, vector<16xi32> -> vector<16xf32>
      %min3A_977 = arith.minimumf %min3A_963, %gather3A_976 : vector<16xf32>
      %slice3A_978 = vector.extract_strided_slice %min3A_977 {offsets = [0], sizes = [1], strides = [1]} : vector<16xf32> to vector<1xf32>
      %squeeze3A_979 = vector.extract %slice3A_978[0] : f32 from vector<1xf32>
      %add3A_980 = arith.addf %squeeze3A_979, %squeeze3A_202 : f32
      %max3A_981 = arith.constant 0.000000e+00 : f32
      %max3A_982 = arith.maximumf %add3A_980, %max3A_981 : f32
      %add3A_983 = arith.addf %add3A_920, %max3A_982 : f32
      %iota3A_984 = tpu.iota {dimensions = array<i32: 0>} : vector<16xi32>
      %xor3A_985 = arith.constant 8 : i32
      %xor3A_986 = vector.broadcast %xor3A_985 : i32 to vector<16xi32>
      %xor3A_987 = arith.xori %iota3A_984, %xor3A_986 : vector<16xi32>
      %lt3A_988 = arith.constant 0 : i32
      %lt3A_989 = vector.broadcast %lt3A_988 : i32 to vector<16xi32>
      %lt3A_990 = arith.cmpi slt, %xor3A_987, %lt3A_989 : vector<16xi32>
      %add3A_991 = arith.constant 16 : i32
      %add3A_992 = vector.broadcast %add3A_991 : i32 to vector<16xi32>
      %add3A_993 = arith.addi %xor3A_987, %add3A_992 : vector<16xi32>
      %select_n3A_994 = arith.select %lt3A_990, %add3A_993, %xor3A_987 : vector<16xi1>, vector<16xi32>
      %broadcast_in_dim3A_995 = vector.shape_cast %select_n3A_994 : vector<16xi32> to vector<16x1xi32>
      %gather3A_996 = vector.shape_cast %broadcast_in_dim3A_995 : vector<16x1xi32> to vector<16xi32>
      %gather3A_997 = tpu.dynamic_gather %scan3A_231#12[%gather3A_996] in [0] : vector<16xf32>, vector<16xi32> -> vector<16xf32>
      %min3A_998 = arith.minimumf %scan3A_231#12, %gather3A_997 : vector<16xf32>
      %xor3A_999 = arith.constant 4 : i32
      %xor3A_1000 = vector.broadcast %xor3A_999 : i32 to vector<16xi32>
      %xor3A_1001 = arith.xori %iota3A_984, %xor3A_1000 : vector<16xi32>
      %lt3A_1002 = arith.constant 0 : i32
      %lt3A_1003 = vector.broadcast %lt3A_1002 : i32 to vector<16xi32>
      %lt3A_1004 = arith.cmpi slt, %xor3A_1001, %lt3A_1003 : vector<16xi32>
      %add3A_1005 = arith.constant 16 : i32
      %add3A_1006 = vector.broadcast %add3A_1005 : i32 to vector<16xi32>
      %add3A_1007 = arith.addi %xor3A_1001, %add3A_1006 : vector<16xi32>
      %select_n3A_1008 = arith.select %lt3A_1004, %add3A_1007, %xor3A_1001 : vector<16xi1>, vector<16xi32>
      %broadcast_in_dim3A_1009 = vector.shape_cast %select_n3A_1008 : vector<16xi32> to vector<16x1xi32>
      %gather3A_1010 = vector.shape_cast %broadcast_in_dim3A_1009 : vector<16x1xi32> to vector<16xi32>
      %gather3A_1011 = tpu.dynamic_gather %min3A_998[%gather3A_1010] in [0] : vector<16xf32>, vector<16xi32> -> vector<16xf32>
      %min3A_1012 = arith.minimumf %min3A_998, %gather3A_1011 : vector<16xf32>
      %xor3A_1013 = arith.constant 2 : i32
      %xor3A_1014 = vector.broadcast %xor3A_1013 : i32 to vector<16xi32>
      %xor3A_1015 = arith.xori %iota3A_984, %xor3A_1014 : vector<16xi32>
      %lt3A_1016 = arith.constant 0 : i32
      %lt3A_1017 = vector.broadcast %lt3A_1016 : i32 to vector<16xi32>
      %lt3A_1018 = arith.cmpi slt, %xor3A_1015, %lt3A_1017 : vector<16xi32>
      %add3A_1019 = arith.constant 16 : i32
      %add3A_1020 = vector.broadcast %add3A_1019 : i32 to vector<16xi32>
      %add3A_1021 = arith.addi %xor3A_1015, %add3A_1020 : vector<16xi32>
      %select_n3A_1022 = arith.select %lt3A_1018, %add3A_1021, %xor3A_1015 : vector<16xi1>, vector<16xi32>
      %broadcast_in_dim3A_1023 = vector.shape_cast %select_n3A_1022 : vector<16xi32> to vector<16x1xi32>
      %gather3A_1024 = vector.shape_cast %broadcast_in_dim3A_1023 : vector<16x1xi32> to vector<16xi32>
      %gather3A_1025 = tpu.dynamic_gather %min3A_1012[%gather3A_1024] in [0] : vector<16xf32>, vector<16xi32> -> vector<16xf32>
      %min3A_1026 = arith.minimumf %min3A_1012, %gather3A_1025 : vector<16xf32>
      %xor3A_1027 = arith.constant 1 : i32
      %xor3A_1028 = vector.broadcast %xor3A_1027 : i32 to vector<16xi32>
      %xor3A_1029 = arith.xori %iota3A_984, %xor3A_1028 : vector<16xi32>
      %lt3A_1030 = arith.constant 0 : i32
      %lt3A_1031 = vector.broadcast %lt3A_1030 : i32 to vector<16xi32>
      %lt3A_1032 = arith.cmpi slt, %xor3A_1029, %lt3A_1031 : vector<16xi32>
      %add3A_1033 = arith.constant 16 : i32
      %add3A_1034 = vector.broadcast %add3A_1033 : i32 to vector<16xi32>
      %add3A_1035 = arith.addi %xor3A_1029, %add3A_1034 : vector<16xi32>
      %select_n3A_1036 = arith.select %lt3A_1032, %add3A_1035, %xor3A_1029 : vector<16xi1>, vector<16xi32>
      %broadcast_in_dim3A_1037 = vector.shape_cast %select_n3A_1036 : vector<16xi32> to vector<16x1xi32>
      %gather3A_1038 = vector.shape_cast %broadcast_in_dim3A_1037 : vector<16x1xi32> to vector<16xi32>
      %gather3A_1039 = tpu.dynamic_gather %min3A_1026[%gather3A_1038] in [0] : vector<16xf32>, vector<16xi32> -> vector<16xf32>
      %min3A_1040 = arith.minimumf %min3A_1026, %gather3A_1039 : vector<16xf32>
      %slice3A_1041 = vector.extract_strided_slice %min3A_1040 {offsets = [0], sizes = [1], strides = [1]} : vector<16xf32> to vector<1xf32>
      %squeeze3A_1042 = vector.extract %slice3A_1041[0] : f32 from vector<1xf32>
      %add3A_1043 = arith.addf %squeeze3A_1042, %squeeze3A_204 : f32
      %max3A_1044 = arith.constant 0.000000e+00 : f32
      %max3A_1045 = arith.maximumf %add3A_1043, %max3A_1044 : f32
      %add3A_1046 = arith.addf %add3A_983, %max3A_1045 : f32
      %iota3A_1047 = tpu.iota {dimensions = array<i32: 0>} : vector<16xi32>
      %xor3A_1048 = arith.constant 8 : i32
      %xor3A_1049 = vector.broadcast %xor3A_1048 : i32 to vector<16xi32>
      %xor3A_1050 = arith.xori %iota3A_1047, %xor3A_1049 : vector<16xi32>
      %lt3A_1051 = arith.constant 0 : i32
      %lt3A_1052 = vector.broadcast %lt3A_1051 : i32 to vector<16xi32>
      %lt3A_1053 = arith.cmpi slt, %xor3A_1050, %lt3A_1052 : vector<16xi32>
      %add3A_1054 = arith.constant 16 : i32
      %add3A_1055 = vector.broadcast %add3A_1054 : i32 to vector<16xi32>
      %add3A_1056 = arith.addi %xor3A_1050, %add3A_1055 : vector<16xi32>
      %select_n3A_1057 = arith.select %lt3A_1053, %add3A_1056, %xor3A_1050 : vector<16xi1>, vector<16xi32>
      %broadcast_in_dim3A_1058 = vector.shape_cast %select_n3A_1057 : vector<16xi32> to vector<16x1xi32>
      %gather3A_1059 = vector.shape_cast %broadcast_in_dim3A_1058 : vector<16x1xi32> to vector<16xi32>
      %gather3A_1060 = tpu.dynamic_gather %scan3A_231#13[%gather3A_1059] in [0] : vector<16xf32>, vector<16xi32> -> vector<16xf32>
      %min3A_1061 = arith.minimumf %scan3A_231#13, %gather3A_1060 : vector<16xf32>
      %xor3A_1062 = arith.constant 4 : i32
      %xor3A_1063 = vector.broadcast %xor3A_1062 : i32 to vector<16xi32>
      %xor3A_1064 = arith.xori %iota3A_1047, %xor3A_1063 : vector<16xi32>
      %lt3A_1065 = arith.constant 0 : i32
      %lt3A_1066 = vector.broadcast %lt3A_1065 : i32 to vector<16xi32>
      %lt3A_1067 = arith.cmpi slt, %xor3A_1064, %lt3A_1066 : vector<16xi32>
      %add3A_1068 = arith.constant 16 : i32
      %add3A_1069 = vector.broadcast %add3A_1068 : i32 to vector<16xi32>
      %add3A_1070 = arith.addi %xor3A_1064, %add3A_1069 : vector<16xi32>
      %select_n3A_1071 = arith.select %lt3A_1067, %add3A_1070, %xor3A_1064 : vector<16xi1>, vector<16xi32>
      %broadcast_in_dim3A_1072 = vector.shape_cast %select_n3A_1071 : vector<16xi32> to vector<16x1xi32>
      %gather3A_1073 = vector.shape_cast %broadcast_in_dim3A_1072 : vector<16x1xi32> to vector<16xi32>
      %gather3A_1074 = tpu.dynamic_gather %min3A_1061[%gather3A_1073] in [0] : vector<16xf32>, vector<16xi32> -> vector<16xf32>
      %min3A_1075 = arith.minimumf %min3A_1061, %gather3A_1074 : vector<16xf32>
      %xor3A_1076 = arith.constant 2 : i32
      %xor3A_1077 = vector.broadcast %xor3A_1076 : i32 to vector<16xi32>
      %xor3A_1078 = arith.xori %iota3A_1047, %xor3A_1077 : vector<16xi32>
      %lt3A_1079 = arith.constant 0 : i32
      %lt3A_1080 = vector.broadcast %lt3A_1079 : i32 to vector<16xi32>
      %lt3A_1081 = arith.cmpi slt, %xor3A_1078, %lt3A_1080 : vector<16xi32>
      %add3A_1082 = arith.constant 16 : i32
      %add3A_1083 = vector.broadcast %add3A_1082 : i32 to vector<16xi32>
      %add3A_1084 = arith.addi %xor3A_1078, %add3A_1083 : vector<16xi32>
      %select_n3A_1085 = arith.select %lt3A_1081, %add3A_1084, %xor3A_1078 : vector<16xi1>, vector<16xi32>
      %broadcast_in_dim3A_1086 = vector.shape_cast %select_n3A_1085 : vector<16xi32> to vector<16x1xi32>
      %gather3A_1087 = vector.shape_cast %broadcast_in_dim3A_1086 : vector<16x1xi32> to vector<16xi32>
      %gather3A_1088 = tpu.dynamic_gather %min3A_1075[%gather3A_1087] in [0] : vector<16xf32>, vector<16xi32> -> vector<16xf32>
      %min3A_1089 = arith.minimumf %min3A_1075, %gather3A_1088 : vector<16xf32>
      %xor3A_1090 = arith.constant 1 : i32
      %xor3A_1091 = vector.broadcast %xor3A_1090 : i32 to vector<16xi32>
      %xor3A_1092 = arith.xori %iota3A_1047, %xor3A_1091 : vector<16xi32>
      %lt3A_1093 = arith.constant 0 : i32
      %lt3A_1094 = vector.broadcast %lt3A_1093 : i32 to vector<16xi32>
      %lt3A_1095 = arith.cmpi slt, %xor3A_1092, %lt3A_1094 : vector<16xi32>
      %add3A_1096 = arith.constant 16 : i32
      %add3A_1097 = vector.broadcast %add3A_1096 : i32 to vector<16xi32>
      %add3A_1098 = arith.addi %xor3A_1092, %add3A_1097 : vector<16xi32>
      %select_n3A_1099 = arith.select %lt3A_1095, %add3A_1098, %xor3A_1092 : vector<16xi1>, vector<16xi32>
      %broadcast_in_dim3A_1100 = vector.shape_cast %select_n3A_1099 : vector<16xi32> to vector<16x1xi32>
      %gather3A_1101 = vector.shape_cast %broadcast_in_dim3A_1100 : vector<16x1xi32> to vector<16xi32>
      %gather3A_1102 = tpu.dynamic_gather %min3A_1089[%gather3A_1101] in [0] : vector<16xf32>, vector<16xi32> -> vector<16xf32>
      %min3A_1103 = arith.minimumf %min3A_1089, %gather3A_1102 : vector<16xf32>
      %slice3A_1104 = vector.extract_strided_slice %min3A_1103 {offsets = [0], sizes = [1], strides = [1]} : vector<16xf32> to vector<1xf32>
      %squeeze3A_1105 = vector.extract %slice3A_1104[0] : f32 from vector<1xf32>
      %add3A_1106 = arith.addf %squeeze3A_1105, %squeeze3A_206 : f32
      %max3A_1107 = arith.constant 0.000000e+00 : f32
      %max3A_1108 = arith.maximumf %add3A_1106, %max3A_1107 : f32
      %add3A_1109 = arith.addf %add3A_1046, %max3A_1108 : f32
      %iota3A_1110 = tpu.iota {dimensions = array<i32: 0>} : vector<16xi32>
      %xor3A_1111 = arith.constant 8 : i32
      %xor3A_1112 = vector.broadcast %xor3A_1111 : i32 to vector<16xi32>
      %xor3A_1113 = arith.xori %iota3A_1110, %xor3A_1112 : vector<16xi32>
      %lt3A_1114 = arith.constant 0 : i32
      %lt3A_1115 = vector.broadcast %lt3A_1114 : i32 to vector<16xi32>
      %lt3A_1116 = arith.cmpi slt, %xor3A_1113, %lt3A_1115 : vector<16xi32>
      %add3A_1117 = arith.constant 16 : i32
      %add3A_1118 = vector.broadcast %add3A_1117 : i32 to vector<16xi32>
      %add3A_1119 = arith.addi %xor3A_1113, %add3A_1118 : vector<16xi32>
      %select_n3A_1120 = arith.select %lt3A_1116, %add3A_1119, %xor3A_1113 : vector<16xi1>, vector<16xi32>
      %broadcast_in_dim3A_1121 = vector.shape_cast %select_n3A_1120 : vector<16xi32> to vector<16x1xi32>
      %gather3A_1122 = vector.shape_cast %broadcast_in_dim3A_1121 : vector<16x1xi32> to vector<16xi32>
      %gather3A_1123 = tpu.dynamic_gather %scan3A_231#14[%gather3A_1122] in [0] : vector<16xf32>, vector<16xi32> -> vector<16xf32>
      %min3A_1124 = arith.minimumf %scan3A_231#14, %gather3A_1123 : vector<16xf32>
      %xor3A_1125 = arith.constant 4 : i32
      %xor3A_1126 = vector.broadcast %xor3A_1125 : i32 to vector<16xi32>
      %xor3A_1127 = arith.xori %iota3A_1110, %xor3A_1126 : vector<16xi32>
      %lt3A_1128 = arith.constant 0 : i32
      %lt3A_1129 = vector.broadcast %lt3A_1128 : i32 to vector<16xi32>
      %lt3A_1130 = arith.cmpi slt, %xor3A_1127, %lt3A_1129 : vector<16xi32>
      %add3A_1131 = arith.constant 16 : i32
      %add3A_1132 = vector.broadcast %add3A_1131 : i32 to vector<16xi32>
      %add3A_1133 = arith.addi %xor3A_1127, %add3A_1132 : vector<16xi32>
      %select_n3A_1134 = arith.select %lt3A_1130, %add3A_1133, %xor3A_1127 : vector<16xi1>, vector<16xi32>
      %broadcast_in_dim3A_1135 = vector.shape_cast %select_n3A_1134 : vector<16xi32> to vector<16x1xi32>
      %gather3A_1136 = vector.shape_cast %broadcast_in_dim3A_1135 : vector<16x1xi32> to vector<16xi32>
      %gather3A_1137 = tpu.dynamic_gather %min3A_1124[%gather3A_1136] in [0] : vector<16xf32>, vector<16xi32> -> vector<16xf32>
      %min3A_1138 = arith.minimumf %min3A_1124, %gather3A_1137 : vector<16xf32>
      %xor3A_1139 = arith.constant 2 : i32
      %xor3A_1140 = vector.broadcast %xor3A_1139 : i32 to vector<16xi32>
      %xor3A_1141 = arith.xori %iota3A_1110, %xor3A_1140 : vector<16xi32>
      %lt3A_1142 = arith.constant 0 : i32
      %lt3A_1143 = vector.broadcast %lt3A_1142 : i32 to vector<16xi32>
      %lt3A_1144 = arith.cmpi slt, %xor3A_1141, %lt3A_1143 : vector<16xi32>
      %add3A_1145 = arith.constant 16 : i32
      %add3A_1146 = vector.broadcast %add3A_1145 : i32 to vector<16xi32>
      %add3A_1147 = arith.addi %xor3A_1141, %add3A_1146 : vector<16xi32>
      %select_n3A_1148 = arith.select %lt3A_1144, %add3A_1147, %xor3A_1141 : vector<16xi1>, vector<16xi32>
      %broadcast_in_dim3A_1149 = vector.shape_cast %select_n3A_1148 : vector<16xi32> to vector<16x1xi32>
      %gather3A_1150 = vector.shape_cast %broadcast_in_dim3A_1149 : vector<16x1xi32> to vector<16xi32>
      %gather3A_1151 = tpu.dynamic_gather %min3A_1138[%gather3A_1150] in [0] : vector<16xf32>, vector<16xi32> -> vector<16xf32>
      %min3A_1152 = arith.minimumf %min3A_1138, %gather3A_1151 : vector<16xf32>
      %xor3A_1153 = arith.constant 1 : i32
      %xor3A_1154 = vector.broadcast %xor3A_1153 : i32 to vector<16xi32>
      %xor3A_1155 = arith.xori %iota3A_1110, %xor3A_1154 : vector<16xi32>
      %lt3A_1156 = arith.constant 0 : i32
      %lt3A_1157 = vector.broadcast %lt3A_1156 : i32 to vector<16xi32>
      %lt3A_1158 = arith.cmpi slt, %xor3A_1155, %lt3A_1157 : vector<16xi32>
      %add3A_1159 = arith.constant 16 : i32
      %add3A_1160 = vector.broadcast %add3A_1159 : i32 to vector<16xi32>
      %add3A_1161 = arith.addi %xor3A_1155, %add3A_1160 : vector<16xi32>
      %select_n3A_1162 = arith.select %lt3A_1158, %add3A_1161, %xor3A_1155 : vector<16xi1>, vector<16xi32>
      %broadcast_in_dim3A_1163 = vector.shape_cast %select_n3A_1162 : vector<16xi32> to vector<16x1xi32>
      %gather3A_1164 = vector.shape_cast %broadcast_in_dim3A_1163 : vector<16x1xi32> to vector<16xi32>
      %gather3A_1165 = tpu.dynamic_gather %min3A_1152[%gather3A_1164] in [0] : vector<16xf32>, vector<16xi32> -> vector<16xf32>
      %min3A_1166 = arith.minimumf %min3A_1152, %gather3A_1165 : vector<16xf32>
      %slice3A_1167 = vector.extract_strided_slice %min3A_1166 {offsets = [0], sizes = [1], strides = [1]} : vector<16xf32> to vector<1xf32>
      %squeeze3A_1168 = vector.extract %slice3A_1167[0] : f32 from vector<1xf32>
      %add3A_1169 = arith.addf %squeeze3A_1168, %squeeze3A_208 : f32
      %max3A_1170 = arith.constant 0.000000e+00 : f32
      %max3A_1171 = arith.maximumf %add3A_1169, %max3A_1170 : f32
      %add3A_1172 = arith.addf %add3A_1109, %max3A_1171 : f32
      %iota3A_1173 = tpu.iota {dimensions = array<i32: 0>} : vector<16xi32>
      %xor3A_1174 = arith.constant 8 : i32
      %xor3A_1175 = vector.broadcast %xor3A_1174 : i32 to vector<16xi32>
      %xor3A_1176 = arith.xori %iota3A_1173, %xor3A_1175 : vector<16xi32>
      %lt3A_1177 = arith.constant 0 : i32
      %lt3A_1178 = vector.broadcast %lt3A_1177 : i32 to vector<16xi32>
      %lt3A_1179 = arith.cmpi slt, %xor3A_1176, %lt3A_1178 : vector<16xi32>
      %add3A_1180 = arith.constant 16 : i32
      %add3A_1181 = vector.broadcast %add3A_1180 : i32 to vector<16xi32>
      %add3A_1182 = arith.addi %xor3A_1176, %add3A_1181 : vector<16xi32>
      %select_n3A_1183 = arith.select %lt3A_1179, %add3A_1182, %xor3A_1176 : vector<16xi1>, vector<16xi32>
      %broadcast_in_dim3A_1184 = vector.shape_cast %select_n3A_1183 : vector<16xi32> to vector<16x1xi32>
      %gather3A_1185 = vector.shape_cast %broadcast_in_dim3A_1184 : vector<16x1xi32> to vector<16xi32>
      %gather3A_1186 = tpu.dynamic_gather %scan3A_231#15[%gather3A_1185] in [0] : vector<16xf32>, vector<16xi32> -> vector<16xf32>
      %min3A_1187 = arith.minimumf %scan3A_231#15, %gather3A_1186 : vector<16xf32>
      %xor3A_1188 = arith.constant 4 : i32
      %xor3A_1189 = vector.broadcast %xor3A_1188 : i32 to vector<16xi32>
      %xor3A_1190 = arith.xori %iota3A_1173, %xor3A_1189 : vector<16xi32>
      %lt3A_1191 = arith.constant 0 : i32
      %lt3A_1192 = vector.broadcast %lt3A_1191 : i32 to vector<16xi32>
      %lt3A_1193 = arith.cmpi slt, %xor3A_1190, %lt3A_1192 : vector<16xi32>
      %add3A_1194 = arith.constant 16 : i32
      %add3A_1195 = vector.broadcast %add3A_1194 : i32 to vector<16xi32>
      %add3A_1196 = arith.addi %xor3A_1190, %add3A_1195 : vector<16xi32>
      %select_n3A_1197 = arith.select %lt3A_1193, %add3A_1196, %xor3A_1190 : vector<16xi1>, vector<16xi32>
      %broadcast_in_dim3A_1198 = vector.shape_cast %select_n3A_1197 : vector<16xi32> to vector<16x1xi32>
      %gather3A_1199 = vector.shape_cast %broadcast_in_dim3A_1198 : vector<16x1xi32> to vector<16xi32>
      %gather3A_1200 = tpu.dynamic_gather %min3A_1187[%gather3A_1199] in [0] : vector<16xf32>, vector<16xi32> -> vector<16xf32>
      %min3A_1201 = arith.minimumf %min3A_1187, %gather3A_1200 : vector<16xf32>
      %xor3A_1202 = arith.constant 2 : i32
      %xor3A_1203 = vector.broadcast %xor3A_1202 : i32 to vector<16xi32>
      %xor3A_1204 = arith.xori %iota3A_1173, %xor3A_1203 : vector<16xi32>
      %lt3A_1205 = arith.constant 0 : i32
      %lt3A_1206 = vector.broadcast %lt3A_1205 : i32 to vector<16xi32>
      %lt3A_1207 = arith.cmpi slt, %xor3A_1204, %lt3A_1206 : vector<16xi32>
      %add3A_1208 = arith.constant 16 : i32
      %add3A_1209 = vector.broadcast %add3A_1208 : i32 to vector<16xi32>
      %add3A_1210 = arith.addi %xor3A_1204, %add3A_1209 : vector<16xi32>
      %select_n3A_1211 = arith.select %lt3A_1207, %add3A_1210, %xor3A_1204 : vector<16xi1>, vector<16xi32>
      %broadcast_in_dim3A_1212 = vector.shape_cast %select_n3A_1211 : vector<16xi32> to vector<16x1xi32>
      %gather3A_1213 = vector.shape_cast %broadcast_in_dim3A_1212 : vector<16x1xi32> to vector<16xi32>
      %gather3A_1214 = tpu.dynamic_gather %min3A_1201[%gather3A_1213] in [0] : vector<16xf32>, vector<16xi32> -> vector<16xf32>
      %min3A_1215 = arith.minimumf %min3A_1201, %gather3A_1214 : vector<16xf32>
      %xor3A_1216 = arith.constant 1 : i32
      %xor3A_1217 = vector.broadcast %xor3A_1216 : i32 to vector<16xi32>
      %xor3A_1218 = arith.xori %iota3A_1173, %xor3A_1217 : vector<16xi32>
      %lt3A_1219 = arith.constant 0 : i32
      %lt3A_1220 = vector.broadcast %lt3A_1219 : i32 to vector<16xi32>
      %lt3A_1221 = arith.cmpi slt, %xor3A_1218, %lt3A_1220 : vector<16xi32>
      %add3A_1222 = arith.constant 16 : i32
      %add3A_1223 = vector.broadcast %add3A_1222 : i32 to vector<16xi32>
      %add3A_1224 = arith.addi %xor3A_1218, %add3A_1223 : vector<16xi32>
      %select_n3A_1225 = arith.select %lt3A_1221, %add3A_1224, %xor3A_1218 : vector<16xi1>, vector<16xi32>
      %broadcast_in_dim3A_1226 = vector.shape_cast %select_n3A_1225 : vector<16xi32> to vector<16x1xi32>
      %gather3A_1227 = vector.shape_cast %broadcast_in_dim3A_1226 : vector<16x1xi32> to vector<16xi32>
      %gather3A_1228 = tpu.dynamic_gather %min3A_1215[%gather3A_1227] in [0] : vector<16xf32>, vector<16xi32> -> vector<16xf32>
      %min3A_1229 = arith.minimumf %min3A_1215, %gather3A_1228 : vector<16xf32>
      %slice3A_1230 = vector.extract_strided_slice %min3A_1229 {offsets = [0], sizes = [1], strides = [1]} : vector<16xf32> to vector<1xf32>
      %squeeze3A_1231 = vector.extract %slice3A_1230[0] : f32 from vector<1xf32>
      %add3A_1232 = arith.addf %squeeze3A_1231, %squeeze3A_210 : f32
      %max3A_1233 = arith.constant 0.000000e+00 : f32
      %max3A_1234 = arith.maximumf %add3A_1232, %max3A_1233 : f32
      %add3A_1235 = arith.addf %add3A_1172, %max3A_1234 : f32
      scf.yield %add3A_1235 : f32
    }
    %scan3A_49 = arith.constant 32 : i32
    %mul3A_50 = arith.constant 4.8828125E-4 : f32
    %mul3A_51 = arith.mulf %scan3A_38, %mul3A_50 : f32
    %mul3A_52 = arith.constant 4.8828125E-4 : f32
    %mul3A_53 = arith.mulf %scan3A_48, %mul3A_52 : f32
    %add3A_54 = arith.addf %mul3A_51, %mul3A_53 : f32
    %mul3A_55 = arith.constant 1.250000e-01 : f32
    %mul3A_56 = arith.mulf %add3A_54, %mul3A_55 : f32
    %mul3A_57 = arith.constant 6.250000e-02 : f32
    %mul3A_58 = arith.mulf %mul3A_56, %mul3A_57 : f32
    %broadcast_in_dim3A = vector.broadcast %mul3A_58 : f32 to vector<16xf32>
    %swap3A = arith.constant 0 : index
    %swap3A_59 = tpu.vector_load %arg7[%swap3A] {strides = array<i32>} : memref<16xf32, #tpu.memory_space<vmem>>, vector<16xf32>,
    %swap3A_60 = vector.shape_cast %swap3A_59 : vector<16xf32> to vector<16xf32>
    %swap3A_61 = vector.shape_cast %broadcast_in_dim3A : vector<16xf32> to vector<16xf32>
    tpu.vector_store %arg7[%swap3A], %swap3A_61 {strides = array<i32>} : memref<16xf32, #tpu.memory_space<vmem>>, vector<16xf32>,
    "tpu.region"() ({
      %run_scoped3A = tpu.sem_alloc : memref<!tpu.dma_semaphore, #tpu.memory_space<semaphore_mem>>
      %dma_start3A = arith.constant 0 : i32
      %dma_start3A_62 = tpu.memref_slice %arg4[%add3A, %dma_start3A] : memref<32x16xf32, #tpu.memory_space<hbm>> -> memref<1x16xf32, #tpu.memory_space<hbm>>
      %dma_start3A_63 = tpu.memref_squeeze %dma_start3A_62 : memref<1x16xf32, #tpu.memory_space<hbm>> -> memref<16xf32, #tpu.memory_space<hbm>>
      %dma_start3A_64 = arith.constant 0 : i32
      %dma_start3A_65 = tpu.memref_slice %arg4[%add3A, %dma_start3A_64] : memref<32x16xf32, #tpu.memory_space<hbm>> -> memref<1x16xf32, #tpu.memory_space<hbm>>
      %dma_start3A_66 = tpu.memref_squeeze %dma_start3A_65 : memref<1x16xf32, #tpu.memory_space<hbm>> -> memref<16xf32, #tpu.memory_space<hbm>>
      tpu.enqueue_dma source(%arg7 : memref<16xf32, #tpu.memory_space<vmem>>) target(%dma_start3A_66 : memref<16xf32, #tpu.memory_space<hbm>>) target_semaphore(%run_scoped3A : memref<!tpu.dma_semaphore, #tpu.memory_space<semaphore_mem>>)
      %dma_wait3A = arith.constant 0 : i32
      %dma_wait3A_67 = tpu.memref_slice %arg4[%add3A, %dma_wait3A] : memref<32x16xf32, #tpu.memory_space<hbm>> -> memref<1x16xf32, #tpu.memory_space<hbm>>
      %dma_wait3A_68 = tpu.memref_squeeze %dma_wait3A_67 : memref<1x16xf32, #tpu.memory_space<hbm>> -> memref<16xf32, #tpu.memory_space<hbm>>
      %dma_wait3A_69 = arith.constant 0 : i32
      %dma_wait3A_70 = tpu.memref_slice %arg4[%add3A, %dma_wait3A_69] : memref<32x16xf32, #tpu.memory_space<hbm>> -> memref<1x16xf32, #tpu.memory_space<hbm>>
      %dma_wait3A_71 = tpu.memref_squeeze %dma_wait3A_70 : memref<1x16xf32, #tpu.memory_space<hbm>> -> memref<16xf32, #tpu.memory_space<hbm>>
      tpu.wait_dma2 semaphore(%run_scoped3A : memref<!tpu.dma_semaphore, #tpu.memory_space<semaphore_mem>>) src(%arg7 : memref<16xf32, #tpu.memory_space<vmem>>) dst(%dma_wait3A_71 : memref<16xf32, #tpu.memory_space<hbm>>)
      tpu.yield
    }) : () -> ()
    return
  }
}

</mosaic_0001>

<sc_bundles>
// kernel: kernel.3.cloned.1.call-start
scs
__scs_entry_jumppad:
0x0: {  	(pc) =	sbr.rel $0x88, $3  }
0x1: {  	(tag) =	ssettag $0x0;
	lr =	simm.s32 $0x1  }
0x2: {  	[smem:$0x3F9F] =	sst lr;
	_ =	strace $0xD0000000  }
0x3: {  	_ = 	snop  }
0x4: {  	_ = 	snop  }
0x5: {  	_ = 	snop  }
0x6: {  	_ = 	snop  }
0x7: {  	_ = 	snop  }
__scs_overlays_trampoline_lowered:
0x8: {  	[smem:$0x3FAE] =	sst s0  }
0x9: {  	[smem:$0x3FAF] =	sst s1  }
0xa: {  	[smem:$0x3FB0] =	sst s2  }
0xb: {  	[smem:$0x3FB1] =	sst s3  }
0xc: {  	[smem:$0x3FB2] =	sst s4  }
0xd: {  	[smem:$0x3FB3] =	sst s5  }
0xe: {  	[smem:$0x3FB4] =	sst s6  }
0xf: {  	[smem:$0x3FB5] =	sst s7  }
0x10: {  	[smem:$0x3FB6] =	sst s8  }
0x11: {  	[smem:$0x3FB7] =	sst s9;
	s0 =	simm.s32 @!p0 $0x0  }
0x12: {  	s1 =	sld [smem:$0x3F9D];
	s0 =	simm.s32 @p0 $0x1  }
0x13: {  	[smem:$0x3FB8] =	sst s0;
	s0 =	simm.s32 @!p1 $0x0  }
0x14: {  	s2 =	sld [smem:$0x3F9C];
	s0 =	simm.s32 @p1 $0x1  }
0x15: {  	[smem:$0x3FB9] =	sst s0;
	s0 =	simm.s32 @!p2 $0x0  }
0x16: {  	s3 =	sld [smem:$0x3FDB];
	s0 =	simm.s32 @p2 $0x1  }
0x17: {  	s4 =	simm.s32 $0x1BF5;
	[smem:$0x3FBB] =	sst s0  }
0x18: {  	s0 =	sld [smem:$0x3F9E];
	_ =	swait.ge [sflag:s4], $0x0  }
0x19: {  	s7 =	sld [smem:$0x3F9F]  }
0x1a: {  	s8 =	sadd.s32 $0xFFFFE003, lr  }
0x1b: {  	s9 =	sadd.s32 $0xFFFFFEF7, lr;
	s5 =	simm.s32 $0xFFFFFFFF;
	p2 =	slt.u32 s8, $0xFFFFF086  }
0x1c: {  	p1 =	slt.u32 s9, $0xF7A;
	s5 =	simm.s32 @!p2 $0x0  }
0x1d: {  	s5 =	simm.s32 @p1 $0x1;
	p0 =	seq.s32 s7, s2  }
0x1e: {  	s7 =	smul.u32 @!p0 $0xF7A, s2;
	p2 =	seq.s32 @!p0 s5, $0x0  }
0x1f: {  	s9 =	smul.u32 $0xF7A, s1;
	s8 =	simm.s32 @!p0 $0x1BF5;
	p2 =	por !p2, p0  }
0x20: {  	[sflag:s8] =	ssyncset.s32 @!p0 $0xFFFFF086;
	s6 =	sadd.s32 @!p0 s3, s7;
	s7 =	simm.s32 @!p0 $0x108  }
0x21: {  	s3 =	sadd.s32 s3, s9;
	s6 =	sadd.s32 @!p0 $0x88, s6;
	s7 =	simm.s32 @p2 $0x1082  }
0x22: {  	[simem:s7], [sflag:s8] =	dma.local @!p0 [hbm:s6], $0xF7A  }
0x23: {  	s9 =	sor.u32 $0xD0000000, s2;
	s6 =	simm.s32 $0x108;
	_ =	swait.ge @!p0 [sflag:s8], $0x0  }
0x24: {  	s3 =	sadd.s32 $0x88, s3;
	s6 =	simm.s32 @!p1 $0x1082;
	[sflag:s4] =	ssyncset.s32 $0xFFFFF086  }
0x25: {  	[simem:s6], [sflag:s4] =	dma.local [hbm:s3], $0xF7A  }
0x26: {  	[smem:$0x3F9F] =	sst s1;
	(tag) =	ssettag s2;
	_ =	strace s9  }
0x27: {  	s1 =	sld [smem:$0x3FAF]  }
0x28: {  	s2 =	sld [smem:$0x3FB0]  }
0x29: {  	s4 =	sld [smem:$0x3FB2]  }
0x2a: {  	p0 =	seq.s32 s5, $0x0;
	s5 =	sld [smem:$0x3FB3]  }
0x2b: {  	s6 =	sld [smem:$0x3FB4]  }
0x2c: {  	s7 =	sld [smem:$0x3FB5]  }
0x2d: {  	s3 =	simm.s32 $0x108;
	s8 =	sld [smem:$0x3FB6]  }
0x2e: {  	s3 =	simm.s32 @!p0 $0x1082;
	s9 =	sld [smem:$0x3FB7]  }
0x2f: {  	lr =	sadd.s32 s0, s3;
	s0 =	sld [smem:$0x3FAE]  }
0x30: {  	s3 =	sld [smem:$0x3FB1]  }
0x31: {  	[smem:$0x3FBA] =	sst s10  }
0x32: {  	s10 =	sld [smem:$0x3FB8];
	_ =	sdelay $0x3  }
0x33: {  	p0 =	seq.s32 s10, $0x1;
	s10 =	sld [smem:$0x3FBA];
	_ =	sdelay $0x3  }
0x34: {  	[smem:$0x3FBA] =	sst s10  }
0x35: {  	s10 =	sld [smem:$0x3FB9];
	_ =	sdelay $0x3  }
0x36: {  	p1 =	seq.s32 s10, $0x1;
	s10 =	sld [smem:$0x3FBA];
	_ =	sdelay $0x3  }
0x37: {  	[smem:$0x3FBA] =	sst s10  }
0x38: {  	s10 =	sld [smem:$0x3FBB]  }
0x39: {  	_ = 	snop;
	(pc) =	sbr.ind lr, $3  }
0x3a: {  	_ = 	snop  }
0x3b: {  	_ = 	snop  }
0x3c: {  	p2 =	seq.s32 s10, $0x1;
	s10 =	sld [smem:$0x3FBA]  }
0x3d: {  	_ =	shalt  }
0x3e: {  	_ =	shalt  }
0x3f: {  	_ =	shalt  }
0x40: {  	_ =	shalt  }
0x41: {  	_ =	shalt  }
0x42: {  	_ =	shalt  }
0x43: {  	_ =	shalt  }
0x44: {  	_ =	shalt  }
0x45: {  	_ =	shalt  }
0x46: {  	_ =	shalt  }
0x47: {  	_ =	shalt  }
0x48: {  	_ =	shalt  }
0x49: {  	_ =	shalt  }
0x4a: {  	_ =	shalt  }
0x4b: {  	_ =	shalt  }
0x4c: {  	_ =	shalt  }
0x4d: {  	_ =	shalt  }
0x4e: {  	_ =	shalt  }
0x4f: {  	_ =	shalt  }
0x50: {  	_ =	shalt  }
0x51: {  	_ =	shalt  }
0x52: {  	_ =	shalt  }
0x53: {  	_ =	shalt  }
0x54: {  	_ =	shalt  }
0x55: {  	_ =	shalt  }
0x56: {  	_ =	shalt  }
0x57: {  	_ =	shalt  }
0x58: {  	_ =	shalt  }
0x59: {  	_ =	shalt  }
0x5a: {  	_ =	shalt  }
0x5b: {  	_ =	shalt  }
0x5c: {  	_ =	shalt  }
0x5d: {  	_ =	shalt  }
0x5e: {  	_ =	shalt  }
0x5f: {  	_ =	shalt  }
0x60: {  	_ =	shalt  }
0x61: {  	_ =	shalt  }
0x62: {  	_ =	shalt  }
0x63: {  	_ =	shalt  }
0x64: {  	_ =	shalt  }
0x65: {  	_ =	shalt  }
0x66: {  	_ =	shalt  }
0x67: {  	_ =	shalt  }
0x68: {  	_ =	shalt  }
0x69: {  	_ =	shalt  }
0x6a: {  	_ =	shalt  }
0x6b: {  	_ =	shalt  }
0x6c: {  	_ =	shalt  }
0x6d: {  	_ =	shalt  }
0x6e: {  	_ =	shalt  }
0x6f: {  	_ =	shalt  }
0x70: {  	_ =	shalt  }
0x71: {  	_ =	shalt  }
0x72: {  	_ =	shalt  }
0x73: {  	_ =	shalt  }
0x74: {  	_ =	shalt  }
0x75: {  	_ =	shalt  }
0x76: {  	_ =	shalt  }
0x77: {  	_ =	shalt  }
0x78: {  	_ =	shalt  }
0x79: {  	_ =	shalt  }
0x7a: {  	_ =	shalt  }
0x7b: {  	_ =	shalt  }
0x7c: {  	_ =	shalt  }
0x7d: {  	_ =	shalt  }
0x7e: {  	_ =	shalt  }
0x7f: {  	_ =	shalt  }
0x80: {  	_ =	shalt  }
0x81: {  	_ =	shalt  }
0x82: {  	_ =	shalt  }
0x83: {  	_ =	shalt  }
0x84: {  	_ =	shalt  }
0x85: {  	_ =	shalt  }
0x86: {  	_ =	shalt  }
0x87: {  	_ =	shalt  }
.Lfunc_end0:
.L_simem_size_0:
called_computation_lowered:
.L_overlay_start_0:
0x88: {  	s2 =	sld [smem:$0x3FD9]  }
0x89: {  	s3 =	sld [smem:$0x3FFE];
	_ =	sdelay $0x1  }
0x8a: {  	s1 =	srdreg.scid  }
0x8b: {  	s0 =	sand.u32 $0x1, s1  }
0x8c: {  	s16 =	sshll.u32 s0, $0xA;
	s2 =	sadd.s32 s3, s2  }
0x8d: {  	s2 =	sadd.s32 s2, s16  }
0x8e: {  	[smem:$0x3FC6] =	sst s2  }
0x8f: {  	_ = 	snop  }
0x90: {  	(tm) =	ssettm $0x1  }
0x91: {  	s17 =	sld [smem:$0x3FFB];
	_ =	sdelay $0x3  }
0x92: {  	_ =	strace s17  }
0x93: {  	s2 =	sld [smem:$0x3FFC];
	_ =	sdelay $0x3  }
0x94: {  	_ =	strace s2  }
0x95: {  	s2 =	sld [smem:$0x3FFD];
	_ =	sdelay $0x3  }
0x96: {  	_ =	strace s2  }
0x97: {  	_ =	strace $0x8FFFFFFF  }
0x98: {  	s18 =	sld [smem:$0x3FDB];
	_ =	sdelay $0x1  }
0x99: {  	s19 =	simm.s32 $_scs_section_size  }
0x9a: {  	s4 =	simm.s32 $_size__tile_overlayer_lowered;
	s5 =	simm.s32 $_tile_overlayer_lowered  }
0x9b: {  	s22 =	simm.s32 $0x1BFF;
	s21 =	sshll.u32 s5, $0x1;
	s2 =	sadd.s32 s19, s18  }
0x9c: {  	s6 =	simm.s32 $0x0;
	s20 =	sshll.u32 s4, $0x1;
	s4 =	sadd.s32 s21, s2  }
0x9d: {  	[timem:s6], [sflag:s22] =	dma.local [hbm:s4], s20  }
0x9e: {  	_ =	swait.ge [sflag:s22], s20  }
0x9f: {  	s3 =	ssub.s32 $0x0, s20;
	[sflag:s22] =	ssyncset.done $0x0  }
0xa0: {  	[sflag:s22] =	ssyncadd.s32 s3;
	_ =	sdelay $0x1  }
0xa1: {  	s23 =	simm.s32 $0x1B8B  }
0xa2: {  	_ =	swait.ge [sflag:s23], $0x1  }
0xa3: {  	[sflag:s23] =	ssyncset.done $0x0  }
0xa4: {  	s25 =	simm.s32 $0x1B8E;
	s24 =	sld [smem:$0x3FFE];
	[sflag:s23] =	ssyncadd.s32 $0xFFFFFFFF  }
0xa5: {  	s26 =	simm.s32 $execute0_lowered;
	[smem:$0x3FD2] =	sst s25  }
0xa6: {  	s4 =	sshll.u32 s26, $0x1;
	_ =	strace $0x80000046;
	[dreg:$0x1] =	wrdreg $0xFFFFFFFF  }
0xa7: {  	s28 =	simm.s32 $_size_execute0_lowered;
	s2 =	sadd.s32 s2, s4;
	[dreg:$0x0] =	wrdreg $0x0  }
0xa8: {  	s4 =	sshll.u32 s28, $0x1;
	[dreg:$0x2] =	wrdreg s2  }
0xa9: {  	[dreg:$0x3] =	wrdreg s4  }
0xaa: {  	[dreg:$0x4] =	wrdreg $0xC0  }
0xab: {  	_ =	task [dreg:s6], $0x5FFFF  }
0xac: {  	[dreg:$0x1] =	wrdreg $0xFFFFFFFF  }
0xad: {  	[dreg:$0x0] =	wrdreg $0x60  }
0xae: {  	[dreg:$0x2] =	wrdreg s24  }
0xaf: {  	[dreg:$0x3] =	wrdreg $0x9  }
0xb0: {  	_ =	task.clear_ibuf [dreg:s6], $0x4FFFF;
	_ =	strace $0x90000046  }
0xb1: {  	s29 =	simm.s32 $0x9;
	_ =	strace $0x80000048  }
0xb2: {  	_ =	swait.ge [sflag:s29], $0x1  }
0xb3: {  	[sflag:s29] =	ssyncadd.s32 $0xFFFFFFFF  }
0xb4: {  	_ =	strace $0x90000048  }
0xb5: {  	_ =	sfence  }
0xb6: {  	s30 =	sld [smem:$0x0];
	_ =	sdelay $0x2  }
0xb7: {  	s31 =	sshll.u32 s1, $0xD;
	s1 =	sshrl.u32 s1, $0x2  }
0xb8: {  	s3 =	sand.u32 $0x4000, s31;
	s1 =	sadd.s32 s1, s30  }
0xb9: {  	s0 =	sor.u32 s3, s0;
	s1 =	sshll.u32 s1, $0x11  }
0xba: {  	s0 =	sor.u32 s1, s0  }
0xbb: {  	s0 =	sadd.s32 $0x8F2B, s0  }
0xbc: {  	[sflag:s0] =	ssyncadd.remote.s32 $0x1  }
0xbd: {  	_ =	sfence.sel $0xFFFF  }
0xbe: {  	[dreg:$0x0] =	wrdreg $0xFFFFFFFF;
	(pc) =	sbr.abs _section_cstart, $3  }
0xbf: {  	[dreg:$0x1] =	wrdreg $0xFFFFFFFF  }
0xc0: {  	_ =	task.clear_ibuf [dreg:s6], $0x2FFFF;
	_ =	strace $0x9FFFFFFF  }
0xc1: {  	(tm) =	ssettm $0x7FFFFFFF  }
tec
execute0_lowered:
.L_overlay_start_1:
0x0: {  	(tag) =	ssettag $0x1  }
0x1: {  	v0 =	vimm.s32 $0xFEDCBA98;
	v1 =	vimm.s32 $0x76543210;
	v2 =	vimm.s32 $0xBA98FEDC  }
0x2: {  	v3 =	vimm.s32 $0x32107654;
	v4 =	vimm.s32 $0xDCFE98BA;
	v5 =	vimm.s32 $0x54761032  }
0x3: {  	v6 =	vimm.s32 $0xEFCDAB89;
	v7 =	vimm.s32 $0x67452301;
	v0 =	vunpack.c.l.s4.s8 v0  }
0x4: {  	s1 =	rddreg [dreg:$0x0];
	v1 =	vunpack.c.l.s4.s8 v1;
	v2 =	vunpack.c.l.s4.s8 v2;
	v3 =	vunpack.c.l.s4.s8 v3  }
0x5: {  	s0 =	simm.s32 $0x0;
	s2 =	srdreg.scid;
	s5 =	stileid.u32;
	v4 =	vunpack.c.l.s4.s8 v4;
	v5 =	vunpack.c.l.s4.s8 v5;
	v6 =	vunpack.c.l.s4.s8 v6  }
0x6: {  	s10 =	simm.s32 $0x2000;
	s12 =	simm.s32 $0x0;
	[smem:$0x7FF] =	sst s0;
	v7 =	vunpack.c.l.s4.s8 v7;
	v0 =	vunpack.c.0.s8.s32 v0;
	v2 =	vunpack.c.0.s8.s32 v2  }
0x7: {  	s2 =	sand.u32 $0x1, s2;
	s3 =	sshll.u32 s5, $0x1;
	s6 =	sadd.s32 $0x2000, s1;
	v3 =	vunpack.c.0.s8.s32 v3;
	v4 =	vunpack.c.0.s8.s32 v4;
	v1 =	vunpack.c.0.s8.s32 v1  }
0x8: {  	s30 =	sshll.u32 s5, $0xC;
	_ =	strace $0x80000047;
	s3 =	sor.u32 s2, s3;
	v5 =	vunpack.c.0.s8.s32 v5;
	v6 =	vunpack.c.0.s8.s32 v6;
	v0 =	vand.u32 $0xF, v0  }
0x9: {  	s2 =	ssub.s32 $0x2, s2;
	s4 =	sshll.u32 s3, $0x4;
	s3 =	sshll.u32 s3, $0xB;
	v7 =	vunpack.c.0.s8.s32 v7;
	v2 =	vcombine.low v3, v2;
	v0 =	vcombine.low v0, v1  }
0xa: {  	s31 =	sshrl.u32 s2, $0x1;
	s7 =	sadd.s32 s4, s1;
	s4 =	sand.u32 $0xE000, s30;
	v59 =	vcombine.low v5, v4  }
0xb: {  	s3 =	sand.u32 $0x1800, s3;
	s2 =	ssub.s32 s2, s31;
	s8 =	sshrl.u32 s4, $0x3;
	v60 =	vcombine.low v7, v6;
	v61 =	vand.u32 $0xF, v2;
	[tilespmem:$0x1FFC0] =	vst v0  }
0xc: {  	s4 =	sor.u32 s4, s3;
	s7 =	sadd.s32 $0x4000, s7;
	s3 =	sadd.s32 s6, s8;
	v62 =	vand.u32 $0xF, v59;
	[tilespmem:$0x1FFD0] =	vst v61  }
0xd: {  	s9 =	sshrl.u32 s4, $0x3;
	s5 =	sadd.s32 s1, s8;
	s8 =	smax.u32 s2, $0x1;
	v63 =	vand.u32 $0xF, v60;
	[tilespmem:$0x1FFE0] =	vst v62  }
0xe: {  	s4 =	sadd.s32 s1, s9;
	s6 =	sadd.s32 s6, s9;
	s9 =	simm.s32 $0x1;
	[tilespmem:$0x1FFF0] =	vst v63  }
.LBB2_1:
0xf: {  	[tilespmem:s0], [sflag:$0x1] =	stream.linear.gather [hbm4b:s3+s0], $0x2000, $0x38;
	[tilespmem:$0x2880] =	vst v63  }
0x10: {  	_ =	swait.ge [sflag:s9], $0x2000  }
0x11: {  	[sflag:s9] =	ssyncset.done $0x0  }
0x12: {  	[sflag:s9] =	ssyncadd.s32 $0xFFFFE000  }
0x13: {  	[tilespmem:s10], [sflag:$0x1] =	stream.linear.gather [hbm4b:s4+s0], $0x800, $0x38;
	[tilespmem:$0x2880] =	vst v63  }
0x14: {  	_ =	swait.ge [sflag:s9], $0x800  }
0x15: {  	[sflag:s9] =	ssyncset.done $0x0  }
0x16: {  	s13 =	simm.f32 $0.0e+00;
	s14 =	simm.s32 $0x0;
	[sflag:s9] =	ssyncadd.s32 $0xFFFFF800  }
.LBB2_2:
0x17: {  	s1 =	sshll.u32 s14, $0x4;
	s2 =	sshll.u32 s14, $0x6  }
0x18: {  	s1 =	sand.u32 $0x70, s1;
	s2 =	sand.u32 $0x600, s2  }
0x19: {  	s16 =	sor.u32 s1, s2  }
0x1a: {  	v1 =	vld [tilespmem:s16+$0x2000]  }
0x1b: {  	v2 =	vld [tilespmem:s16+$0x2080]  }
0x1c: {  	v0 =	vld [tilespmem:s16+$0x2100];
	_ =	sdelay $0x3  }
0x1d: {  	v6 =	vbroadcast v1, $0x0;
	v21 =	vbroadcast v2, $0x0  }
0x1e: {  	v22 =	vbroadcast v0, $0x0;
	v8 =	vbroadcast v1, $0x1  }
0x1f: {  	v33 =	vbroadcast v2, $0x1;
	v23 =	vbroadcast v0, $0x1  }
0x20: {  	v9 =	vbroadcast v1, $0x2;
	v31 =	vbroadcast v2, $0x2  }
0x21: {  	v24 =	vbroadcast v0, $0x2;
	v10 =	vbroadcast v1, $0x3  }
0x22: {  	v32 =	vbroadcast v2, $0x3;
	v25 =	vbroadcast v0, $0x3  }
0x23: {  	v12 =	vbroadcast v1, $0x4;
	v34 =	vbroadcast v2, $0x4  }
0x24: {  	v26 =	vbroadcast v0, $0x4;
	v13 =	vbroadcast v1, $0x5  }
0x25: {  	v35 =	vbroadcast v2, $0x5;
	v27 =	vbroadcast v0, $0x5  }
0x26: {  	v14 =	vbroadcast v1, $0x6;
	v36 =	vbroadcast v2, $0x6  }
0x27: {  	v28 =	vbroadcast v0, $0x6;
	v15 =	vbroadcast v1, $0x7  }
0x28: {  	v37 =	vbroadcast v2, $0x7;
	v29 =	vbroadcast v0, $0x7  }
0x29: {  	v16 =	vbroadcast v1, $0x8;
	v38 =	vbroadcast v2, $0x8  }
0x2a: {  	v30 =	vbroadcast v0, $0x8;
	v17 =	vbroadcast v1, $0x9  }
0x2b: {  	s29 =	simm.s32 $0x0;
	v49 =	vbroadcast v2, $0x9;
	v18 =	vbroadcast v1, $0xA  }
0x2c: {  	s30 =	sand.u32 $0x70, s29;
	s1 =	sand.u32 $0x1E00, s29;
	v42 =	vbroadcast v2, $0xA;
	v20 =	vbroadcast v1, $0xB  }
0x2d: {  	s1 =	sor.u32 s30, s1;
	v44 =	vbroadcast v2, $0xB;
	v40 =	vbroadcast v1, $0xC  }
0x2e: {  	v3 =	vld [tilespmem:s1+$0x0];
	v48 =	vbroadcast v2, $0xC;
	v43 =	vbroadcast v1, $0xD  }
0x2f: {  	v41 =	vbroadcast v1, $0xE;
	v52 =	vbroadcast v1, $0xF;
	[tilespmem:$0x1FDC0] =	vst v6  }
0x30: {  	v4 =	vld [tilespmem:s1+$0x80];
	v11 =	vbroadcast v2, $0xF;
	v19 =	vbroadcast v0, $0xF;
	[tilespmem:$0x1FDD0] =	vst v8  }
0x31: {  	v61 =	vbroadcast v2, $0xD;
	v63 =	vbroadcast v2, $0xE;
	[tilespmem:$0x1FDE0] =	vst v9  }
0x32: {  	v50 =	vbroadcast v0, $0xD;
	v51 =	vbroadcast v0, $0xE;
	[tilespmem:$0x1FDF0] =	vst v10  }
0x33: {  	v6 =	vmul.f32 v3, v6;
	v7 =	vmul.f32 v3, v52;
	[tilespmem:$0x1FE00] =	vst v12  }
0x34: {  	v5 =	vld [tilespmem:s1+$0x180];
	v8 =	vmul.f32 v3, v8;
	v9 =	vmul.f32 v3, v9;
	[tilespmem:$0x1FE10] =	vst v13  }
0x35: {  	v10 =	vmul.f32 v3, v10;
	v47 =	vmov v11;
	v11 =	vmul.f32 v4, v11;
	[tilespmem:$0x1FE20] =	vst v14  }
0x36: {  	v56 =	vimm.f32 $3.000000010e+38;
	v12 =	vmul.f32 v3, v12;
	v13 =	vmul.f32 v3, v13;
	[tilespmem:$0x1FE30] =	vst v15  }
0x37: {  	v57 =	vimm.f32 $3.000000010e+38;
	v14 =	vmul.f32 v3, v14;
	v15 =	vmul.f32 v3, v15;
	[tilespmem:$0x1FE40] =	vst v16  }
0x38: {  	v58 =	vimm.f32 $3.000000010e+38;
	v1 =	vld [tilespmem:s1+$0x100];
	v16 =	vmul.f32 v3, v16;
	[tilespmem:$0x1FE50] =	vst v17;
	v17 =	vmul.f32 v3, v17  }
0x39: {  	[tilespmem:$0x1FE60] =	vst v18;
	v18 =	vmul.f32 v3, v18;
	v7 =	vadd.f32 v5, v7;
	v6 =	vadd.f32 v5, v6  }
0x3a: {  	[tilespmem:$0x1FEB0] =	vst v21;
	v21 =	vmul.f32 v4, v21;
	v8 =	vadd.f32 v5, v8;
	v10 =	vadd.f32 v5, v10  }
0x3b: {  	v59 =	vmul.f32 v4, v33;
	v12 =	vadd.f32 v5, v12;
	v13 =	vadd.f32 v5, v13  }
0x3c: {  	v60 =	vmul.f32 v4, v31;
	v14 =	vadd.f32 v5, v14;
	v15 =	vadd.f32 v5, v15  }
0x3d: {  	v16 =	vadd.f32 v5, v16;
	v7 =	vadd.f32 v7, v11;
	v11 =	vmul.f32 v1, v19  }
0x3e: {  	v17 =	vadd.f32 v5, v17;
	v21 =	vadd.f32 v6, v21;
	v6 =	vmul.f32 v4, v34  }
0x3f: {  	v39 =	vmovc v19;
	v19 =	vadd.f32 v7, v11;
	v7 =	vadd.f32 v5, v9;
	v9 =	vmul.f32 v3, v20  }
0x40: {  	[tilespmem:$0x1FE70] =	vst v20;
	v18 =	vadd.f32 v5, v18;
	v11 =	vmul.f32 v3, v40;
	v20 =	vmul.f32 v3, v43  }
0x41: {  	[tilespmem:$0x1FEA0] =	vst v41;
	v3 =	vmul.f32 v3, v41;
	v41 =	vadd.f32 v8, v59;
	v12 =	vadd.f32 v12, v6  }
0x42: {  	v6 =	vmul.f32 v4, v37;
	v8 =	vmul.f32 v4, v48;
	v9 =	vadd.f32 v5, v9  }
0x43: {  	v59 =	vimm.f32 $3.000000010e+38;
	v11 =	vadd.f32 v5, v11;
	v20 =	vadd.f32 v5, v20  }
0x44: {  	[tilespmem:$0x1FED0] =	vst v31;
	v3 =	vadd.f32 v5, v3;
	v5 =	vmul.f32 v4, v32;
	v31 =	vadd.f32 v7, v60  }
0x45: {  	v7 =	vmul.f32 v4, v35;
	v15 =	vadd.f32 v15, v6;
	v6 =	vmul.f32 v4, v42  }
0x46: {  	v55 =	vmin.f32 v56, v19;
	v10 =	vadd.f32 v10, v5;
	v5 =	vmul.f32 v4, v36  }
0x47: {  	[tilespmem:$0x1FE80] =	vst v40;
	v19 =	vmul.f32 v1, v50;
	v62 =	vadd.f32 v13, v7;
	v7 =	vmul.f32 v4, v38  }
0x48: {  	[tilespmem:$0x1FE90] =	vst v43;
	v60 =	vimm.f32 $3.000000010e+38;
	v2 =	vadd.f32 v14, v5;
	v5 =	vmul.f32 v4, v49  }
0x49: {  	[tilespmem:$0x1FEC0] =	vst v33;
	v13 =	vmul.f32 v4, v61;
	v16 =	vadd.f32 v16, v7;
	v7 =	vmul.f32 v4, v44  }
0x4a: {  	[tilespmem:$0x1FEE0] =	vst v32;
	v4 =	vmul.f32 v4, v63;
	v17 =	vadd.f32 v17, v5;
	v5 =	vadd.f32 v18, v6  }
0x4b: {  	[tilespmem:$0x1FEF0] =	vst v34;
	v7 =	vadd.f32 v9, v7;
	v9 =	vmul.f32 v1, v22;
	v6 =	vadd.f32 v11, v8  }
0x4c: {  	[tilespmem:$0x1FF00] =	vst v35;
	v11 =	vmul.f32 v1, v23;
	v8 =	vadd.f32 v20, v13;
	v13 =	vmul.f32 v1, v24  }
0x4d: {  	[tilespmem:$0x1FF10] =	vst v37;
	v4 =	vadd.f32 v3, v4;
	v3 =	vmul.f32 v1, v25;
	v18 =	vmul.f32 v1, v28  }
0x4e: {  	[tilespmem:$0x1FF20] =	vst v38;
	v20 =	vmul.f32 v1, v30;
	v53 =	vadd.f32 v21, v9;
	v9 =	vmul.f32 v1, v26  }
0x4f: {  	[tilespmem:$0x1FF30] =	vst v49;
	v41 =	vadd.f32 v41, v11;
	v11 =	vmul.f32 v1, v27;
	v21 =	vbroadcast v0, $0x9  }
0x50: {  	[tilespmem:$0x1FF40] =	vst v61;
	v14 =	vadd.f32 v31, v13;
	v13 =	vadd.f32 v10, v3;
	v3 =	vmul.f32 v1, v29  }
0x51: {  	[tilespmem:$0x1FF50] =	vst v22;
	v10 =	vadd.f32 v2, v18;
	v9 =	vadd.f32 v12, v9;
	v2 =	vmul.f32 v1, v21  }
0x52: {  	v46 =	vmovc v36;
	[tilespmem:$0x1FF60] =	vst v23;
	v49 =	vbroadcast v0, $0xB;
	v12 =	vadd.f32 v62, v11;
	v11 =	vadd.f32 v15, v3  }
0x53: {  	[tilespmem:$0x1FF70] =	vst v24;
	v40 =	vmovc v42;
	v18 =	vbroadcast v0, $0xA;
	v15 =	vadd.f32 v16, v20;
	v16 =	vadd.f32 v17, v2;
	v2 =	vld [tilespmem:s16+$0x2180]  }
0x54: {  	[tilespmem:$0x1FF80] =	vst v26;
	v37 =	vmovc v63;
	v43 =	vmovc v29;
	v61 =	vimm.f32 $3.000000010e+38;
	v63 =	vimm.f32 $3.000000010e+38;
	v3 =	vbroadcast v0, $0xC  }
0x55: {  	v45 =	vmovc v21;
	v21 =	vmul.f32 v1, v18;
	v20 =	vmul.f32 v1, v49;
	v54 =	vmin.f32 v56, v53  }
0x56: {  	[tilespmem:$0x1FF90] =	vst v27;
	v42 =	vmovc v44;
	v35 =	vmovc v48;
	v53 =	vmin.f32 v56, v41;
	v41 =	vimm.f32 $3.000000010e+38;
	v0 =	vimm.f32 $3.000000010e+38  }
0x57: {  	s31 =	simm.s32 $0x10;
	s15 =	simm.s32 $0x40;
	[tilespmem:$0x1FFA0] =	vst v28;
	v38 =	vmovc v25;
	v48 =	vmovc v18;
	v62 =	vimm.f32 $3.000000010e+38;
	v18 =	vmul.f32 v1, v3;
	v17 =	vmul.f32 v1, v51  }
0x58: {  	s17 =	simm.s32 $0x20;
	s2 =	sand.u32 $0x1E00, s15;
	s1 =	sand.u32 $0x70, s31;
	v44 =	vmovc v30;
	v36 =	vmovc v3;
	v1 =	vimm.f32 $3.000000010e+38;
	v3 =	vimm.f32 $3.000000010e+38;
	[tilespmem:$0x1FFB0] =	vst v2;
	v2 =	vimm.f32 $3.000000010e+38  }
.LBB2_3:
0x59: {  	s1 =	sor.u32 s1, s2;
	v22 =	vld [tilespmem:$0x1FE90]  }
0x5a: {  	v56 =	vmin.f32 v56, v14;
	v14 =	vld [tilespmem:s1+$0x0]  }
0x5b: {  	v41 =	vmin.f32 v41, v13;
	v13 =	vld [tilespmem:s1+$0x80]  }
0x5c: {  	v0 =	vmin.f32 v0, v9;
	v9 =	vld [tilespmem:s1+$0x180]  }
0x5d: {  	v60 =	vmin.f32 v60, v10;
	v10 =	vld [tilespmem:s1+$0x100]  }
0x5e: {  	v1 =	vmin.f32 v1, v12;
	v12 =	vld [tilespmem:$0x1FE00]  }
0x5f: {  	v58 =	vmin.f32 v58, v15;
	v15 =	vld [tilespmem:$0x1FE10]  }
0x60: {  	v62 =	vmin.f32 v62, v16;
	v16 =	vld [tilespmem:$0x1FE20]  }
0x61: {  	v4 =	vadd.f32 v4, v17;
	v17 =	vld [tilespmem:$0x1FE30]  }
0x62: {  	v5 =	vadd.f32 v5, v21;
	v6 =	vadd.f32 v6, v18;
	v18 =	vld [tilespmem:$0x1FE40]  }
0x63: {  	v7 =	vadd.f32 v7, v20;
	v8 =	vadd.f32 v8, v19;
	v19 =	vld [tilespmem:$0x1FE50]  }
0x64: {  	v20 =	vld [tilespmem:$0x1FE60];
	v63 =	vmin.f32 v63, v5;
	v5 =	vmul.f32 v14, v52  }
0x65: {  	v57 =	vmin.f32 v57, v11;
	v21 =	vld [tilespmem:$0x1FE80];
	v59 =	vmin.f32 v59, v7;
	v61 =	vmin.f32 v61, v4  }
0x66: {  	v4 =	vld [tilespmem:$0x1FDC0];
	v11 =	vmul.f32 v13, v47;
	v12 =	vmul.f32 v14, v12;
	v5 =	vadd.f32 v9, v5  }
0x67: {  	v23 =	vld [tilespmem:$0x1FEA0];
	v2 =	vmin.f32 v2, v6;
	v15 =	vmul.f32 v14, v15;
	v16 =	vmul.f32 v14, v16  }
0x68: {  	v6 =	vld [tilespmem:$0x1FDD0];
	v17 =	vmul.f32 v14, v17;
	v5 =	vadd.f32 v5, v11;
	v11 =	vmul.f32 v10, v39  }
0x69: {  	v3 =	vmin.f32 v3, v8;
	v7 =	vld [tilespmem:$0x1FDE0];
	v18 =	vmul.f32 v14, v18;
	v19 =	vmul.f32 v14, v19  }
0x6a: {  	v8 =	vld [tilespmem:$0x1FDF0];
	v20 =	vmul.f32 v14, v20;
	v21 =	vmul.f32 v14, v21;
	v5 =	vadd.f32 v5, v11  }
0x6b: {  	v22 =	vmul.f32 v14, v22;
	v4 =	vmul.f32 v14, v4;
	v12 =	vadd.f32 v9, v12;
	v11 =	vld [tilespmem:$0x1FE70]  }
0x6c: {  	v15 =	vadd.f32 v9, v15;
	v16 =	vadd.f32 v9, v16;
	v55 =	vmin.f32 v55, v5;
	v5 =	vld [tilespmem:$0x1FEB0]  }
0x6d: {  	v6 =	vmul.f32 v14, v6;
	v17 =	vadd.f32 v9, v17;
	v18 =	vadd.f32 v9, v18  }
0x6e: {  	v7 =	vmul.f32 v14, v7;
	v19 =	vadd.f32 v9, v19;
	v20 =	vadd.f32 v9, v20  }
0x6f: {  	v8 =	vmul.f32 v14, v8;
	v21 =	vadd.f32 v9, v21;
	v22 =	vadd.f32 v9, v22  }
0x70: {  	v4 =	vadd.f32 v9, v4;
	v6 =	vadd.f32 v9, v6;
	v11 =	vmul.f32 v14, v11  }
0x71: {  	v7 =	vadd.f32 v9, v7;
	v14 =	vmul.f32 v14, v23;
	v23 =	vld [tilespmem:$0x1FEC0];
	v5 =	vmul.f32 v13, v5  }
0x72: {  	v27 =	vld [tilespmem:$0x1FF00];
	v8 =	vadd.f32 v9, v8;
	v11 =	vadd.f32 v9, v11  }
0x73: {  	v9 =	vadd.f32 v9, v14;
	v14 =	vadd.f32 v4, v5;
	v4 =	vmul.f32 v13, v46;
	v5 =	vld [tilespmem:$0x1FF10];
	_ =	sdelay $0x1  }
0x74: {  	v16 =	vadd.f32 v16, v4;
	v4 =	vld [tilespmem:$0x1FF60]  }
0x75: {  	v23 =	vmul.f32 v13, v23;
	_ =	sdelay $0x1  }
0x76: {  	v27 =	vmul.f32 v13, v27;
	v23 =	vadd.f32 v6, v23;
	v6 =	vld [tilespmem:$0x1FF20];
	v5 =	vmul.f32 v13, v5;
	_ =	sdelay $0x1  }
0x77: {  	v15 =	vadd.f32 v15, v27;
	v27 =	vadd.f32 v17, v5;
	v17 =	vmul.f32 v10, v4;
	v4 =	vld [tilespmem:$0x1FF70]  }
0x78: {  	v25 =	vld [tilespmem:$0x1FEE0]  }
0x79: {  	v24 =	vld [tilespmem:$0x1FED0]  }
0x7a: {  	v30 =	vld [tilespmem:$0x1FF40];
	v6 =	vmul.f32 v13, v6  }
0x7b: {  	v26 =	vld [tilespmem:$0x1FEF0]  }
0x7c: {  	v31 =	vadd.f32 v18, v6;
	v18 =	vmul.f32 v10, v4;
	v4 =	vld [tilespmem:$0x1FF80]  }
0x7d: {  	v28 =	vld [tilespmem:$0x1FF30];
	v25 =	vmul.f32 v13, v25  }
0x7e: {  	v34 =	vld [tilespmem:$0x1FF50]  }
0x7f: {  	v30 =	vmul.f32 v13, v30;
	v25 =	vadd.f32 v8, v25;
	v8 =	vmul.f32 v13, v35  }
0x80: {  	v24 =	vmul.f32 v13, v24;
	v26 =	vmul.f32 v13, v26  }
0x81: {  	v6 =	vadd.f32 v21, v8;
	v8 =	vadd.f32 v22, v30;
	v22 =	vmul.f32 v10, v4;
	v4 =	vld [tilespmem:$0x1FF90]  }
0x82: {  	v28 =	vmul.f32 v13, v28;
	v12 =	vadd.f32 v12, v26  }
0x83: {  	v26 =	vmul.f32 v10, v34;
	v24 =	vadd.f32 v7, v24;
	v7 =	vmul.f32 v13, v40  }
0x84: {  	v29 =	vmul.f32 v13, v42;
	v13 =	vmul.f32 v13, v37  }
0x85: {  	v32 =	vmul.f32 v10, v43;
	v26 =	vadd.f32 v14, v26;
	v5 =	vadd.f32 v20, v7  }
0x86: {  	v7 =	vadd.f32 v11, v29;
	v29 =	vmul.f32 v10, v4;
	v4 =	vadd.f32 v9, v13;
	v9 =	vld [tilespmem:$0x1FFA0]  }
0x87: {  	v33 =	vmul.f32 v10, v44;
	v28 =	vadd.f32 v19, v28;
	v34 =	vmul.f32 v10, v45  }
0x88: {  	p0 =	sne.s32 s17, $0x7F0;
	v19 =	vmul.f32 v10, v50;
	v54 =	vmin.f32 v54, v26;
	v11 =	vmul.f32 v10, v38  }
.Ltmp0:
0x89: {  	v20 =	vmul.f32 v10, v49;
	v23 =	vadd.f32 v23, v17;
	v17 =	vmul.f32 v10, v51;
	(pc) =	sbr.rel @p0 .LBB2_3-.Ltmp0, $4  }
0x8a: {  	v21 =	vmul.f32 v10, v48;
	v14 =	vadd.f32 v24, v18;
	v13 =	vadd.f32 v25, v11  }
0x8b: {  	v11 =	vadd.f32 v27, v32;
	v30 =	vmul.f32 v10, v9;
	v9 =	vadd.f32 v12, v22  }
0x8c: {  	s15 =	sadd.s32 $0x40, s15;
	v53 =	vmin.f32 v53, v23;
	v12 =	vadd.f32 v15, v29;
	v15 =	vadd.f32 v31, v33  }
0x8d: {  	s1 =	sand.u32 $0x70, s17;
	s2 =	sand.u32 $0x1E00, s15;
	s17 =	sadd.s32 $0x10, s17;
	v18 =	vmul.f32 v10, v36;
	v10 =	vadd.f32 v16, v30;
	v16 =	vadd.f32 v28, v34  }
0x8e: {  	v32 =	vld [tilespmem:$0x1FDC0]  }
0x8f: {  	v34 =	vld [tilespmem:$0x1FDD0]  }
0x90: {  	v14 =	vmin.f32 v56, v14;
	v56 =	vld [tilespmem:$0x1FE10]  }
0x91: {  	v11 =	vmin.f32 v57, v11;
	v57 =	vld [tilespmem:$0x1FE20]  }
0x92: {  	v24 =	vld [tilespmem:$0x1FE30]  }
0x93: {  	v25 =	vld [tilespmem:$0x1FE40]  }
0x94: {  	s1 =	sor.u32 s1, s2;
	v26 =	vld [tilespmem:$0x1FE50]  }
0x95: {  	v22 =	vld [tilespmem:s1+$0x0]  }
0x96: {  	v23 =	vld [tilespmem:s1+$0x80]  }
0x97: {  	v5 =	vadd.f32 v5, v21;
	v0 =	vmin.f32 v0, v9;
	v9 =	vmin.f32 v1, v12;
	v12 =	vld [tilespmem:s1+$0x100]  }
0x98: {  	v7 =	vadd.f32 v7, v20;
	v8 =	vadd.f32 v8, v19;
	v15 =	vmin.f32 v58, v15;
	v58 =	vld [tilespmem:$0x1FE60]  }
0x99: {  	v13 =	vmin.f32 v41, v13;
	v4 =	vadd.f32 v4, v17;
	v21 =	vld [tilespmem:s1+$0x180];
	v6 =	vadd.f32 v6, v18  }
0x9a: {  	v10 =	vmin.f32 v60, v10;
	v16 =	vmin.f32 v62, v16;
	v60 =	vld [tilespmem:$0x1FE80];
	v5 =	vmin.f32 v63, v5  }
0x9b: {  	v62 =	vld [tilespmem:$0x1FEA0];
	v7 =	vmin.f32 v59, v7;
	v28 =	vmul.f32 v22, v52;
	v30 =	vmul.f32 v23, v47  }
0x9c: {  	v59 =	vld [tilespmem:$0x1FE70];
	v2 =	vmin.f32 v2, v6;
	v6 =	vmul.f32 v22, v32;
	v33 =	vmul.f32 v12, v39  }
0x9d: {  	v41 =	vmin.f32 v61, v4;
	v4 =	vmul.f32 v22, v34;
	v39 =	vld [tilespmem:$0x1FDE0];
	v19 =	vmul.f32 v22, v56  }
0x9e: {  	v1 =	vmin.f32 v3, v8;
	v47 =	vld [tilespmem:$0x1FDF0];
	v20 =	vmul.f32 v22, v57;
	v24 =	vmul.f32 v22, v24  }
0x9f: {  	v52 =	vld [tilespmem:$0x1FE00];
	v25 =	vmul.f32 v22, v25;
	v27 =	vmul.f32 v22, v26;
	v29 =	vadd.f32 v21, v28  }
0xa0: {  	v32 =	vld [tilespmem:$0x1FEC0];
	v34 =	vmul.f32 v12, v50;
	v6 =	vadd.f32 v21, v6;
	v4 =	vadd.f32 v21, v4  }
0xa1: {  	v61 =	vld [tilespmem:$0x1FE90];
	v28 =	vmul.f32 v22, v58;
	v19 =	vadd.f32 v21, v19;
	v20 =	vadd.f32 v21, v20  }
0xa2: {  	v24 =	vadd.f32 v21, v24;
	v31 =	vadd.f32 v29, v30;
	v29 =	vmul.f32 v22, v59  }
0xa3: {  	v63 =	vadd.f32 v21, v25;
	v30 =	vmul.f32 v22, v60;
	v17 =	vmul.f32 v22, v39  }
0xa4: {  	v56 =	vld [tilespmem:$0x1FEF0];
	v28 =	vadd.f32 v21, v28;
	v8 =	vmul.f32 v22, v47;
	v18 =	vmul.f32 v22, v52  }
0xa5: {  	v39 =	vadd.f32 v21, v27;
	v32 =	vmul.f32 v23, v32;
	v52 =	vld [tilespmem:$0x1FED0];
	v3 =	vadd.f32 v31, v33  }
0xa6: {  	v47 =	vld [tilespmem:$0x1FEB0];
	v31 =	vmul.f32 v22, v61;
	v22 =	vmul.f32 v22, v62;
	v29 =	vadd.f32 v21, v29  }
0xa7: {  	v57 =	vld [tilespmem:$0x1FF00];
	v30 =	vadd.f32 v21, v30;
	v33 =	vmul.f32 v23, v46;
	v61 =	vmul.f32 v23, v40  }
0xa8: {  	v17 =	vadd.f32 v21, v17;
	v8 =	vadd.f32 v21, v8;
	v26 =	vmin.f32 v55, v3;
	v55 =	vld [tilespmem:$0x1FEE0]  }
0xa9: {  	v59 =	vld [tilespmem:$0x1FF20];
	v18 =	vadd.f32 v21, v18;
	v4 =	vadd.f32 v4, v32;
	v32 =	vmul.f32 v23, v56  }
0xaa: {  	v58 =	vld [tilespmem:$0x1FF10];
	v31 =	vadd.f32 v21, v31;
	v21 =	vadd.f32 v21, v22;
	v22 =	vmul.f32 v23, v52  }
0xab: {  	v62 =	vmul.f32 v23, v42;
	v20 =	vadd.f32 v20, v33;
	v27 =	vmul.f32 v23, v47  }
0xac: {  	v60 =	vld [tilespmem:$0x1FF30];
	v18 =	vadd.f32 v18, v32;
	v17 =	vadd.f32 v17, v22;
	v22 =	vmul.f32 v23, v57  }
0xad: {  	v52 =	vmul.f32 v12, v38;
	v6 =	vadd.f32 v6, v27;
	v27 =	vmul.f32 v23, v55  }
0xae: {  	v42 =	vld [tilespmem:$0x1FF50];
	v19 =	vadd.f32 v19, v22;
	v22 =	vmul.f32 v23, v59;
	v59 =	vmul.f32 v12, v44  }
0xaf: {  	v8 =	vadd.f32 v8, v27;
	v27 =	vmul.f32 v23, v58;
	v58 =	vmul.f32 v12, v43  }
0xb0: {  	v3 =	vadd.f32 v63, v22;
	v63 =	vmul.f32 v23, v35;
	v22 =	vadd.f32 v29, v62  }
0xb1: {  	v55 =	vld [tilespmem:$0x1FF80];
	v62 =	vmul.f32 v12, v49;
	v24 =	vadd.f32 v24, v27;
	v27 =	vmul.f32 v23, v60  }
0xb2: {  	v8 =	vadd.f32 v8, v52;
	v60 =	vmul.f32 v12, v45;
	v40 =	vadd.f32 v30, v63  }
0xb3: {  	v57 =	vld [tilespmem:$0x1FFA0];
	v30 =	vmul.f32 v12, v42;
	v3 =	vadd.f32 v3, v59;
	v22 =	vadd.f32 v22, v62  }
0xb4: {  	v63 =	vmul.f32 v12, v36;
	v25 =	vadd.f32 v39, v27;
	v27 =	vadd.f32 v28, v61;
	v39 =	vld [tilespmem:$0x1FF40]  }
0xb5: {  	v36 =	vld [tilespmem:$0x1FFB0];
	v61 =	vmul.f32 v12, v48;
	v24 =	vadd.f32 v24, v58;
	v8 =	vmin.f32 v13, v8  }
0xb6: {  	v47 =	vld [tilespmem:$0x1FF70];
	v6 =	vadd.f32 v6, v30;
	v30 =	vmul.f32 v12, v55;
	v3 =	vmin.f32 v15, v3  }
0xb7: {  	v46 =	vld [tilespmem:$0x1FF60];
	v7 =	vmin.f32 v7, v22;
	v32 =	vadd.f32 v25, v60;
	v35 =	vadd.f32 v27, v61  }
0xb8: {  	v56 =	vld [tilespmem:$0x1FF90];
	v11 =	vmin.f32 v11, v24;
	v18 =	vadd.f32 v18, v30;
	v30 =	vmul.f32 v12, v57  }
0xb9: {  	v6 =	vmin.f32 v54, v6;
	v28 =	vmul.f32 v23, v39;
	v23 =	vmul.f32 v23, v37  }
0xba: {  	(v2sf) =	vpush v36, $0x0;
	v5 =	vmin.f32 v5, v35;
	v20 =	vadd.f32 v20, v30  }
0xbb: {  	(v2sf) =	vpush v36, $0x1;
	v21 =	vadd.f32 v21, v23;
	v23 =	vmul.f32 v12, v47  }
0xbc: {  	(v2sf) =	vpush v36, $0x2;
	v28 =	vadd.f32 v31, v28;
	v31 =	vmul.f32 v12, v46  }
0xbd: {  	v17 =	vadd.f32 v17, v23;
	v23 =	vmul.f32 v12, v56;
	v12 =	vmul.f32 v12, v51  }
0xbe: {  	v37 =	vadd.f32 v40, v63;
	v18 =	vmin.f32 v0, v18;
	(v2sf) =	vpush v36, $0x3  }
0xbf: {  	v40 =	vmin.f32 v16, v32;
	(v2sf) =	vpush v36, $0x4;
	v0 =	vadd.f32 v21, v12;
	v21 =	vld [tilespmem:$0x1FFC0]  }
0xc0: {  	v10 =	vmin.f32 v10, v20;
	v4 =	vadd.f32 v4, v31;
	(v2sf) =	vpush v36, $0x5  }
0xc1: {  	v2 =	vmin.f32 v2, v37;
	v38 =	vadd.f32 v28, v34;
	(v2sf) =	vpush v36, $0x6  }
0xc2: {  	v19 =	vadd.f32 v19, v23;
	v4 =	vmin.f32 v53, v4;
	(v2sf) =	vpush v36, $0x7  }
0xc3: {  	v14 =	vmin.f32 v14, v17;
	v1 =	vmin.f32 v1, v38;
	(v2sf) =	vpush v36, $0x8  }
0xc4: {  	v9 =	vmin.f32 v9, v19;
	(v2sf) =	vpush v36, $0x9;
	v39 =	vperm.xlane v6, v21  }
0xc5: {  	v0 =	vmin.f32 v41, v0;
	v43 =	vperm.xlane v4, v21;
	v44 =	vperm.xlane v14, v21  }
0xc6: {  	(v2sf) =	vpush v36, $0xA;
	v46 =	vperm.xlane v8, v21;
	v50 =	vperm.xlane v18, v21  }
0xc7: {  	(v2sf) =	vpush v36, $0xB;
	v51 =	vperm.xlane v9, v21;
	v57 =	vperm.xlane v10, v21  }
0xc8: {  	v20 =	vld [tilespmem:$0x1FFD0];
	(v2sf) =	vpush v36, $0xC;
	v24 =	vperm.xlane v3, v21;
	v27 =	vperm.xlane v40, v21  }
0xc9: {  	v29 =	vperm.xlane v5, v21;
	(v2sf) =	vpush v36, $0xD;
	v6 =	vmin.f32 v6, v39  }
0xca: {  	v4 =	vmin.f32 v4, v43;
	v14 =	vmin.f32 v14, v44;
	(v2sf) =	vpush v36, $0xE  }
0xcb: {  	v8 =	vmin.f32 v8, v46;
	v13 =	vmin.f32 v18, v50;
	v9 =	vmin.f32 v9, v51  }
0xcc: {  	v60 =	vmin.f32 v10, v57;
	v39 =	vperm.xlane v7, v21;
	v51 =	vperm.xlane v0, v21  }
0xcd: {  	v3 =	vmin.f32 v3, v24;
	v42 =	vperm.xlane v6, v20;
	v16 =	vperm.xlane v4, v20  }
0xce: {  	v30 =	vmin.f32 v40, v27;
	v45 =	vperm.xlane v14, v20;
	v49 =	vperm.xlane v8, v20  }
0xcf: {  	v22 =	vld [tilespmem:$0x1FFE0];
	v5 =	vmin.f32 v5, v29;
	v54 =	vperm.xlane v13, v20;
	v56 =	vperm.xlane v9, v20  }
0xd0: {  	(v2sf) =	vpush v36, $0xF;
	v62 =	vperm.xlane v60, v20;
	v31 =	vperm.xlane v3, v20  }
0xd1: {  	v32 =	vperm.xlane v30, v20;
	v34 =	vperm.xlane v5, v20;
	v7 =	vmin.f32 v7, v39  }
0xd2: {  	v6 =	vmin.f32 v6, v42;
	v4 =	vmin.f32 v4, v16;
	v14 =	vmin.f32 v14, v45  }
0xd3: {  	v23 =	vld [tilespmem:$0x1FFF0];
	v13 =	vmin.f32 v13, v54;
	v43 =	vperm.xlane v7, v20;
	v45 =	vperm.xlane v2, v21  }
0xd4: {  	v3 =	vmin.f32 v3, v31;
	v54 =	vperm.xlane v26, v21;
	v15 =	vperm.xlane v6, v22  }
0xd5: {  	v35 =	vmin.f32 v30, v32;
	v16 =	vperm.xlane v4, v22;
	v48 =	vperm.xlane v14, v22  }
0xd6: {  	v5 =	vmin.f32 v5, v34;
	v59 =	vperm.xlane v13, v22;
	v36 =	vperm.xlane v3, v22  }
0xd7: {  	v37 =	vperm.xlane v35, v22;
	v38 =	vperm.xlane v5, v22;
	v6 =	vmin.f32 v6, v15  }
0xd8: {  	v2 =	vmin.f32 v2, v45;
	v4 =	vmin.f32 v4, v16;
	v15 =	vperm.xlane v6, v23  }
0xd9: {  	v14 =	vmin.f32 v14, v48;
	v16 =	vperm.xlane v11, v21;
	v3 =	vmin.f32 v3, v36  }
0xda: {  	v5 =	vmin.f32 v5, v38;
	v47 =	vperm.xlane v4, v23;
	v6 =	vmin.f32 v6, v15  }
0xdb: {  	s1 =	spop (v2sf);
	v52 =	vperm.xlane v14, v23;
	(v2sf) =	vpush v6, $0x0;
	v6 =	vmin.f32 v8, v49  }
0xdc: {  	s30 =	spop (v2sf);
	v50 =	vperm.xlane v2, v20;
	v10 =	vmin.f32 v11, v16;
	v53 =	vperm.xlane v6, v22  }
0xdd: {  	s29 =	spop (v2sf);
	v4 =	vmin.f32 v4, v47;
	v55 =	vmin.f32 v14, v52;
	v8 =	vmin.f32 v9, v56  }
0xde: {  	s28 =	spop (v2sf);
	(v2sf) =	vpush v4, $0x0;
	v61 =	vperm.xlane v8, v22;
	v6 =	vmin.f32 v6, v53  }
0xdf: {  	s26 =	spop (v2sf);
	v19 =	vperm.xlane v10, v20;
	v9 =	vmin.f32 v13, v59;
	v58 =	vperm.xlane v6, v23  }
0xe0: {  	s25 =	spop (v2sf);
	v63 =	vperm.xlane v9, v23;
	(v2sf) =	vpush v55, $0x0;
	v8 =	vmin.f32 v8, v61  }
0xe1: {  	s23 =	spop (v2sf);
	v4 =	vmin.f32 v60, v62;
	v17 =	vperm.xlane v8, v23;
	v6 =	vmin.f32 v6, v58  }
0xe2: {  	v40 =	vperm.xlane v3, v23;
	s20 =	spop (v2sf);
	v18 =	vperm.xlane v4, v22;
	(v2sf) =	vpush v6, $0x0  }
0xe3: {  	s15 =	spop (v2sf);
	v9 =	vmin.f32 v9, v63;
	v6 =	vmin.f32 v8, v17;
	v8 =	vmin.f32 v10, v19  }
0xe4: {  	s16 =	spop (v2sf);
	v4 =	vmin.f32 v4, v18;
	(v2sf) =	vpush v9, $0x0;
	v28 =	vperm.xlane v8, v22  }
0xe5: {  	v0 =	vmin.f32 v0, v51;
	v42 =	vperm.xlane v5, v23;
	s21 =	spop (v2sf);
	v25 =	vperm.xlane v4, v23  }
0xe6: {  	v2 =	vmin.f32 v2, v50;
	s17 =	spop (v2sf);
	(v2sf) =	vpush v6, $0x0;
	v8 =	vmin.f32 v8, v28  }
0xe7: {  	v3 =	vmin.f32 v3, v40;
	s18 =	spop (v2sf);
	v4 =	vmin.f32 v4, v25;
	v33 =	vperm.xlane v8, v23  }
0xe8: {  	v46 =	vmin.f32 v5, v42;
	v47 =	vmin.f32 v7, v43;
	s22 =	spop (v2sf);
	(v2sf) =	vpush v4, $0x0  }
0xe9: {  	v49 =	vperm.xlane v1, v21;
	s24 =	spop (v2sf);
	v4 =	vmin.f32 v35, v37;
	v6 =	vmin.f32 v8, v33  }
0xea: {  	v48 =	vperm.xlane v47, v22;
	s19 =	spop (v2sf);
	v8 =	vperm.xlane v4, v23;
	(v2sf) =	vpush v6, $0x0  }
0xeb: {  	v1 =	vmin.f32 v1, v49;
	v55 =	vperm.xlane v0, v20;
	(v2sf) =	vpush v3, $0x0;
	s11 =	spop (v2sf)  }
0xec: {  	v52 =	vperm.xlane v1, v20;
	v53 =	vperm.xlane v2, v22;
	v44 =	vmin.f32 v4, v8;
	s1 =	sadd.f32 s11, s1  }
0xed: {  	v5 =	vmin.f32 v47, v48;
	v0 =	vmin.f32 v0, v55;
	(v2sf) =	vpush v44, $0x0;
	s31 =	spop (v2sf)  }
0xee: {  	v1 =	vmin.f32 v1, v52;
	v2 =	vmin.f32 v2, v53;
	v6 =	vperm.xlane v5, v23;
	s2 =	sadd.f32 s31, s30;
	s1 =	smax.f32 s1, $0.0e+00  }
0xef: {  	v56 =	vperm.xlane v1, v22;
	v7 =	vperm.xlane v2, v23;
	(v2sf) =	vpush v46, $0x0;
	s11 =	spop (v2sf);
	s1 =	sadd.f32 s1, s13  }
0xf0: {  	v58 =	vperm.xlane v0, v22;
	v4 =	vmin.f32 v26, v54;
	v5 =	vmin.f32 v5, v6;
	s31 =	sadd.f32 s11, s29;
	s2 =	smax.f32 s2, $0.0e+00  }
0xf1: {  	v1 =	vmin.f32 v1, v56;
	v57 =	vperm.xlane v4, v20;
	(v2sf) =	vpush v5, $0x0;
	s1 =	sadd.f32 s2, s1;
	s11 =	spop (v2sf)  }
0xf2: {  	v2 =	vmin.f32 v2, v7;
	v59 =	vperm.xlane v1, v23;
	s13 =	smax.f32 s31, $0.0e+00;
	s2 =	sadd.f32 s11, s28  }
0xf3: {  	v0 =	vmin.f32 v0, v58;
	v3 =	vmin.f32 v4, v57;
	(v2sf) =	vpush v2, $0x0;
	s1 =	sadd.f32 s13, s1;
	s28 =	spop (v2sf)  }
0xf4: {  	v61 =	vperm.xlane v0, v23;
	v1 =	vmin.f32 v1, v59;
	v60 =	vperm.xlane v3, v22;
	s13 =	sadd.f32 s28, s26;
	s2 =	smax.f32 s2, $0.0e+00  }
0xf5: {  	s29 =	spop (v2sf);
	(v2sf) =	vpush v1, $0x0;
	s1 =	sadd.f32 s2, s1  }
0xf6: {  	v0 =	vmin.f32 v0, v61;
	v62 =	vmin.f32 v3, v60;
	s13 =	smax.f32 s13, $0.0e+00;
	s2 =	sadd.f32 s29, s25  }
0xf7: {  	v2 =	vperm.xlane v62, v23;
	s30 =	spop (v2sf);
	(v2sf) =	vpush v0, $0x0;
	s1 =	sadd.f32 s13, s1  }
0xf8: {  	s2 =	smax.f32 s2, $0.0e+00;
	s13 =	sadd.f32 s30, s23  }
0xf9: {  	v63 =	vmin.f32 v62, v2;
	s31 =	spop (v2sf);
	s1 =	sadd.f32 s2, s1  }
0xfa: {  	(v2sf) =	vpush v63, $0x0;
	s2 =	sadd.f32 s31, s20;
	s11 =	spop (v2sf)  }
0xfb: {  	s13 =	smax.f32 s13, $0.0e+00;
	s23 =	sadd.f32 s11, s15  }
0xfc: {  	s25 =	spop (v2sf);
	s1 =	sadd.f32 s13, s1  }
0xfd: {  	s2 =	smax.f32 s2, $0.0e+00;
	s28 =	sadd.f32 s25, s16  }
0xfe: {  	s29 =	spop (v2sf);
	s1 =	sadd.f32 s2, s1  }
0xff: {  	s26 =	smax.f32 s23, $0.0e+00;
	s31 =	sadd.f32 s29, s21  }
0x100: {  	s11 =	spop (v2sf);
	s1 =	sadd.f32 s26, s1  }
0x101: {  	s30 =	smax.f32 s28, $0.0e+00;
	s16 =	sadd.f32 s11, s17  }
0x102: {  	s17 =	spop (v2sf);
	s1 =	sadd.f32 s30, s1  }
0x103: {  	s13 =	smax.f32 s31, $0.0e+00;
	s21 =	sadd.f32 s17, s18  }
0x104: {  	s23 =	spop (v2sf);
	s1 =	sadd.f32 s13, s1  }
0x105: {  	s20 =	smax.f32 s16, $0.0e+00;
	s26 =	sadd.f32 s23, s22  }
0x106: {  	s28 =	spop (v2sf);
	s1 =	sadd.f32 s20, s1  }
0x107: {  	s25 =	smax.f32 s21, $0.0e+00;
	s30 =	sadd.f32 s28, s24  }
0x108: {  	s14 =	sadd.s32 $0x1, s14;
	s1 =	sadd.f32 s25, s1  }
0x109: {  	p0 =	sne.s32 s14, $0x20;
	s29 =	smax.f32 s26, $0.0e+00;
	s31 =	spop (v2sf)  }
.Ltmp1:
0x10a: {  	s1 =	sadd.f32 s29, s1;
	(pc) =	sbr.rel @p0 .LBB2_2-.Ltmp1, $4  }
0x10b: {  	s13 =	smax.f32 s30, $0.0e+00;
	s2 =	sadd.f32 s31, s19  }
0x10c: {  	s1 =	sadd.f32 s13, s1  }
0x10d: {  	s2 =	smax.f32 s2, $0.0e+00  }
0x10e: {  	s13 =	sadd.f32 s2, s1  }
0x10f: {  	s14 =	simm.s32 $0x0  }
0x110: {  	[tilespmem:s14], [sflag:$0x1] =	stream.linear.gather [hbm4b:s5+s14], $0x2000, $0x38;
	[tilespmem:$0x2880] =	vst v63  }
0x111: {  	_ =	swait.ge [sflag:s9], $0x2000  }
0x112: {  	[sflag:s9] =	ssyncset.done $0x0  }
0x113: {  	[sflag:s9] =	ssyncadd.s32 $0xFFFFE000  }
0x114: {  	[tilespmem:s10], [sflag:$0x1] =	stream.linear.gather [hbm4b:s6+s14], $0x800, $0x38;
	[tilespmem:$0x2880] =	vst v63  }
0x115: {  	_ =	swait.ge [sflag:s9], $0x800  }
0x116: {  	[sflag:s9] =	ssyncset.done $0x0  }
0x117: {  	s16 =	simm.f32 $0.0e+00;
	s15 =	simm.s32 $0x0;
	[sflag:s9] =	ssyncadd.s32 $0xFFFFF800  }
.LBB2_6:
0x118: {  	s1 =	sshll.u32 s15, $0x4;
	s2 =	sshll.u32 s15, $0x6  }
0x119: {  	s1 =	sand.u32 $0x70, s1;
	s2 =	sand.u32 $0x600, s2  }
0x11a: {  	s18 =	sor.u32 s1, s2  }
0x11b: {  	v1 =	vld [tilespmem:s18+$0x2000]  }
0x11c: {  	v2 =	vld [tilespmem:s18+$0x2080]  }
0x11d: {  	v0 =	vld [tilespmem:s18+$0x2100];
	_ =	sdelay $0x3  }
0x11e: {  	v6 =	vbroadcast v1, $0x0;
	v21 =	vbroadcast v2, $0x0  }
0x11f: {  	v22 =	vbroadcast v0, $0x0;
	v8 =	vbroadcast v1, $0x1  }
0x120: {  	v33 =	vbroadcast v2, $0x1;
	v23 =	vbroadcast v0, $0x1  }
0x121: {  	v9 =	vbroadcast v1, $0x2;
	v31 =	vbroadcast v2, $0x2  }
0x122: {  	v24 =	vbroadcast v0, $0x2;
	v10 =	vbroadcast v1, $0x3  }
0x123: {  	v32 =	vbroadcast v2, $0x3;
	v25 =	vbroadcast v0, $0x3  }
0x124: {  	v12 =	vbroadcast v1, $0x4;
	v34 =	vbroadcast v2, $0x4  }
0x125: {  	v26 =	vbroadcast v0, $0x4;
	v13 =	vbroadcast v1, $0x5  }
0x126: {  	v35 =	vbroadcast v2, $0x5;
	v27 =	vbroadcast v0, $0x5  }
0x127: {  	v14 =	vbroadcast v1, $0x6;
	v36 =	vbroadcast v2, $0x6  }
0x128: {  	v28 =	vbroadcast v0, $0x6;
	v15 =	vbroadcast v1, $0x7  }
0x129: {  	v37 =	vbroadcast v2, $0x7;
	v29 =	vbroadcast v0, $0x7  }
0x12a: {  	v16 =	vbroadcast v1, $0x8;
	v38 =	vbroadcast v2, $0x8  }
0x12b: {  	v30 =	vbroadcast v0, $0x8;
	v17 =	vbroadcast v1, $0x9  }
0x12c: {  	v49 =	vbroadcast v2, $0x9;
	v18 =	vbroadcast v1, $0xA  }
0x12d: {  	s29 =	sand.u32 $0x70, s14;
	s30 =	sand.u32 $0x1E00, s14;
	v42 =	vbroadcast v2, $0xA;
	v20 =	vbroadcast v1, $0xB  }
0x12e: {  	s1 =	sor.u32 s29, s30;
	v44 =	vbroadcast v2, $0xB;
	v40 =	vbroadcast v1, $0xC  }
0x12f: {  	v3 =	vld [tilespmem:s1+$0x0];
	v48 =	vbroadcast v2, $0xC;
	v43 =	vbroadcast v1, $0xD  }
0x130: {  	v41 =	vbroadcast v1, $0xE;
	v52 =	vbroadcast v1, $0xF;
	[tilespmem:$0x1FBC0] =	vst v6  }
0x131: {  	v4 =	vld [tilespmem:s1+$0x80];
	v11 =	vbroadcast v2, $0xF;
	v19 =	vbroadcast v0, $0xF;
	[tilespmem:$0x1FBD0] =	vst v8  }
0x132: {  	v61 =	vbroadcast v2, $0xD;
	v63 =	vbroadcast v2, $0xE;
	[tilespmem:$0x1FBE0] =	vst v9  }
0x133: {  	v50 =	vbroadcast v0, $0xD;
	v51 =	vbroadcast v0, $0xE;
	[tilespmem:$0x1FBF0] =	vst v10  }
0x134: {  	v6 =	vmul.f32 v3, v6;
	v7 =	vmul.f32 v3, v52;
	[tilespmem:$0x1FC00] =	vst v12  }
0x135: {  	v5 =	vld [tilespmem:s1+$0x180];
	v8 =	vmul.f32 v3, v8;
	v9 =	vmul.f32 v3, v9;
	[tilespmem:$0x1FC10] =	vst v13  }
0x136: {  	v10 =	vmul.f32 v3, v10;
	v47 =	vmov v11;
	v11 =	vmul.f32 v4, v11;
	[tilespmem:$0x1FC20] =	vst v14  }
0x137: {  	v56 =	vimm.f32 $3.000000010e+38;
	v12 =	vmul.f32 v3, v12;
	v13 =	vmul.f32 v3, v13;
	[tilespmem:$0x1FC30] =	vst v15  }
0x138: {  	v57 =	vimm.f32 $3.000000010e+38;
	v14 =	vmul.f32 v3, v14;
	v15 =	vmul.f32 v3, v15;
	[tilespmem:$0x1FC40] =	vst v16  }
0x139: {  	v58 =	vimm.f32 $3.000000010e+38;
	v1 =	vld [tilespmem:s1+$0x100];
	v16 =	vmul.f32 v3, v16;
	[tilespmem:$0x1FC50] =	vst v17;
	v17 =	vmul.f32 v3, v17  }
0x13a: {  	[tilespmem:$0x1FC60] =	vst v18;
	v18 =	vmul.f32 v3, v18;
	v7 =	vadd.f32 v5, v7;
	v6 =	vadd.f32 v5, v6  }
0x13b: {  	[tilespmem:$0x1FCB0] =	vst v21;
	v21 =	vmul.f32 v4, v21;
	v8 =	vadd.f32 v5, v8;
	v10 =	vadd.f32 v5, v10  }
0x13c: {  	v59 =	vmul.f32 v4, v33;
	v12 =	vadd.f32 v5, v12;
	v13 =	vadd.f32 v5, v13  }
0x13d: {  	v60 =	vmul.f32 v4, v31;
	v14 =	vadd.f32 v5, v14;
	v15 =	vadd.f32 v5, v15  }
0x13e: {  	v16 =	vadd.f32 v5, v16;
	v7 =	vadd.f32 v7, v11;
	v11 =	vmul.f32 v1, v19  }
0x13f: {  	v17 =	vadd.f32 v5, v17;
	v21 =	vadd.f32 v6, v21;
	v6 =	vmul.f32 v4, v34  }
0x140: {  	v39 =	vmovc v19;
	v19 =	vadd.f32 v7, v11;
	v7 =	vadd.f32 v5, v9;
	v9 =	vmul.f32 v3, v20  }
0x141: {  	[tilespmem:$0x1FC70] =	vst v20;
	v18 =	vadd.f32 v5, v18;
	v11 =	vmul.f32 v3, v40;
	v20 =	vmul.f32 v3, v43  }
0x142: {  	[tilespmem:$0x1FCA0] =	vst v41;
	v3 =	vmul.f32 v3, v41;
	v41 =	vadd.f32 v8, v59;
	v12 =	vadd.f32 v12, v6  }
0x143: {  	v6 =	vmul.f32 v4, v37;
	v8 =	vmul.f32 v4, v48;
	v9 =	vadd.f32 v5, v9  }
0x144: {  	v59 =	vimm.f32 $3.000000010e+38;
	v11 =	vadd.f32 v5, v11;
	v20 =	vadd.f32 v5, v20  }
0x145: {  	[tilespmem:$0x1FCD0] =	vst v31;
	v3 =	vadd.f32 v5, v3;
	v5 =	vmul.f32 v4, v32;
	v31 =	vadd.f32 v7, v60  }
0x146: {  	v7 =	vmul.f32 v4, v35;
	v15 =	vadd.f32 v15, v6;
	v6 =	vmul.f32 v4, v42  }
0x147: {  	v55 =	vmin.f32 v56, v19;
	v10 =	vadd.f32 v10, v5;
	v5 =	vmul.f32 v4, v36  }
0x148: {  	[tilespmem:$0x1FC80] =	vst v40;
	v19 =	vmul.f32 v1, v50;
	v62 =	vadd.f32 v13, v7;
	v7 =	vmul.f32 v4, v38  }
0x149: {  	[tilespmem:$0x1FC90] =	vst v43;
	v60 =	vimm.f32 $3.000000010e+38;
	v2 =	vadd.f32 v14, v5;
	v5 =	vmul.f32 v4, v49  }
0x14a: {  	[tilespmem:$0x1FCC0] =	vst v33;
	v13 =	vmul.f32 v4, v61;
	v16 =	vadd.f32 v16, v7;
	v7 =	vmul.f32 v4, v44  }
0x14b: {  	[tilespmem:$0x1FCE0] =	vst v32;
	v4 =	vmul.f32 v4, v63;
	v17 =	vadd.f32 v17, v5;
	v5 =	vadd.f32 v18, v6  }
0x14c: {  	[tilespmem:$0x1FCF0] =	vst v34;
	v7 =	vadd.f32 v9, v7;
	v9 =	vmul.f32 v1, v22;
	v6 =	vadd.f32 v11, v8  }
0x14d: {  	[tilespmem:$0x1FD00] =	vst v35;
	v11 =	vmul.f32 v1, v23;
	v8 =	vadd.f32 v20, v13;
	v13 =	vmul.f32 v1, v24  }
0x14e: {  	[tilespmem:$0x1FD10] =	vst v37;
	v4 =	vadd.f32 v3, v4;
	v3 =	vmul.f32 v1, v25;
	v18 =	vmul.f32 v1, v28  }
0x14f: {  	[tilespmem:$0x1FD20] =	vst v38;
	v20 =	vmul.f32 v1, v30;
	v53 =	vadd.f32 v21, v9;
	v9 =	vmul.f32 v1, v26  }
0x150: {  	[tilespmem:$0x1FD30] =	vst v49;
	v41 =	vadd.f32 v41, v11;
	v11 =	vmul.f32 v1, v27;
	v21 =	vbroadcast v0, $0x9  }
0x151: {  	[tilespmem:$0x1FD40] =	vst v61;
	v14 =	vadd.f32 v31, v13;
	v13 =	vadd.f32 v10, v3;
	v3 =	vmul.f32 v1, v29  }
0x152: {  	[tilespmem:$0x1FD50] =	vst v22;
	v10 =	vadd.f32 v2, v18;
	v9 =	vadd.f32 v12, v9;
	v2 =	vmul.f32 v1, v21  }
0x153: {  	v46 =	vmovc v36;
	[tilespmem:$0x1FD60] =	vst v23;
	v49 =	vbroadcast v0, $0xB;
	v12 =	vadd.f32 v62, v11;
	v11 =	vadd.f32 v15, v3  }
0x154: {  	[tilespmem:$0x1FD70] =	vst v24;
	v40 =	vmovc v42;
	v18 =	vbroadcast v0, $0xA;
	v15 =	vadd.f32 v16, v20;
	v16 =	vadd.f32 v17, v2;
	v2 =	vld [tilespmem:s18+$0x2180]  }
0x155: {  	[tilespmem:$0x1FD80] =	vst v26;
	v37 =	vmovc v63;
	v43 =	vmovc v29;
	v61 =	vimm.f32 $3.000000010e+38;
	v63 =	vimm.f32 $3.000000010e+38;
	v3 =	vbroadcast v0, $0xC  }
0x156: {  	v45 =	vmovc v21;
	v21 =	vmul.f32 v1, v18;
	v20 =	vmul.f32 v1, v49;
	v54 =	vmin.f32 v56, v53  }
0x157: {  	[tilespmem:$0x1FD90] =	vst v27;
	v42 =	vmovc v44;
	v35 =	vmovc v48;
	v53 =	vmin.f32 v56, v41;
	v41 =	vimm.f32 $3.000000010e+38;
	v0 =	vimm.f32 $3.000000010e+38  }
0x158: {  	s31 =	simm.s32 $0x10;
	s17 =	simm.s32 $0x40;
	[tilespmem:$0x1FDA0] =	vst v28;
	v38 =	vmovc v25;
	v48 =	vmovc v18;
	v62 =	vimm.f32 $3.000000010e+38;
	v18 =	vmul.f32 v1, v3;
	v17 =	vmul.f32 v1, v51  }
0x159: {  	s19 =	simm.s32 $0x20;
	s2 =	sand.u32 $0x1E00, s17;
	s1 =	sand.u32 $0x70, s31;
	v44 =	vmovc v30;
	v36 =	vmovc v3;
	v1 =	vimm.f32 $3.000000010e+38;
	v3 =	vimm.f32 $3.000000010e+38;
	[tilespmem:$0x1FDB0] =	vst v2;
	v2 =	vimm.f32 $3.000000010e+38  }
.LBB2_7:
0x15a: {  	s1 =	sor.u32 s1, s2;
	v22 =	vld [tilespmem:$0x1FC90]  }
0x15b: {  	v56 =	vmin.f32 v56, v14;
	v14 =	vld [tilespmem:s1+$0x0]  }
0x15c: {  	v41 =	vmin.f32 v41, v13;
	v13 =	vld [tilespmem:s1+$0x80]  }
0x15d: {  	v0 =	vmin.f32 v0, v9;
	v9 =	vld [tilespmem:s1+$0x180]  }
0x15e: {  	v60 =	vmin.f32 v60, v10;
	v10 =	vld [tilespmem:s1+$0x100]  }
0x15f: {  	v1 =	vmin.f32 v1, v12;
	v12 =	vld [tilespmem:$0x1FC00]  }
0x160: {  	v58 =	vmin.f32 v58, v15;
	v15 =	vld [tilespmem:$0x1FC10]  }
0x161: {  	v62 =	vmin.f32 v62, v16;
	v16 =	vld [tilespmem:$0x1FC20]  }
0x162: {  	v4 =	vadd.f32 v4, v17;
	v17 =	vld [tilespmem:$0x1FC30]  }
0x163: {  	v5 =	vadd.f32 v5, v21;
	v6 =	vadd.f32 v6, v18;
	v18 =	vld [tilespmem:$0x1FC40]  }
0x164: {  	v7 =	vadd.f32 v7, v20;
	v8 =	vadd.f32 v8, v19;
	v19 =	vld [tilespmem:$0x1FC50]  }
0x165: {  	v20 =	vld [tilespmem:$0x1FC60];
	v63 =	vmin.f32 v63, v5;
	v5 =	vmul.f32 v14, v52  }
0x166: {  	v57 =	vmin.f32 v57, v11;
	v21 =	vld [tilespmem:$0x1FC80];
	v59 =	vmin.f32 v59, v7;
	v61 =	vmin.f32 v61, v4  }
0x167: {  	v4 =	vld [tilespmem:$0x1FBC0];
	v11 =	vmul.f32 v13, v47;
	v12 =	vmul.f32 v14, v12;
	v5 =	vadd.f32 v9, v5  }
0x168: {  	v23 =	vld [tilespmem:$0x1FCA0];
	v2 =	vmin.f32 v2, v6;
	v15 =	vmul.f32 v14, v15;
	v16 =	vmul.f32 v14, v16  }
0x169: {  	v6 =	vld [tilespmem:$0x1FBD0];
	v17 =	vmul.f32 v14, v17;
	v5 =	vadd.f32 v5, v11;
	v11 =	vmul.f32 v10, v39  }
0x16a: {  	v3 =	vmin.f32 v3, v8;
	v7 =	vld [tilespmem:$0x1FBE0];
	v18 =	vmul.f32 v14, v18;
	v19 =	vmul.f32 v14, v19  }
0x16b: {  	v8 =	vld [tilespmem:$0x1FBF0];
	v20 =	vmul.f32 v14, v20;
	v21 =	vmul.f32 v14, v21;
	v5 =	vadd.f32 v5, v11  }
0x16c: {  	v22 =	vmul.f32 v14, v22;
	v4 =	vmul.f32 v14, v4;
	v12 =	vadd.f32 v9, v12;
	v11 =	vld [tilespmem:$0x1FC70]  }
0x16d: {  	v15 =	vadd.f32 v9, v15;
	v16 =	vadd.f32 v9, v16;
	v55 =	vmin.f32 v55, v5;
	v5 =	vld [tilespmem:$0x1FCB0]  }
0x16e: {  	v6 =	vmul.f32 v14, v6;
	v17 =	vadd.f32 v9, v17;
	v18 =	vadd.f32 v9, v18  }
0x16f: {  	v7 =	vmul.f32 v14, v7;
	v19 =	vadd.f32 v9, v19;
	v20 =	vadd.f32 v9, v20  }
0x170: {  	v8 =	vmul.f32 v14, v8;
	v21 =	vadd.f32 v9, v21;
	v22 =	vadd.f32 v9, v22  }
0x171: {  	v4 =	vadd.f32 v9, v4;
	v6 =	vadd.f32 v9, v6;
	v11 =	vmul.f32 v14, v11  }
0x172: {  	v7 =	vadd.f32 v9, v7;
	v14 =	vmul.f32 v14, v23;
	v23 =	vld [tilespmem:$0x1FCC0];
	v5 =	vmul.f32 v13, v5  }
0x173: {  	v27 =	vld [tilespmem:$0x1FD00];
	v8 =	vadd.f32 v9, v8;
	v11 =	vadd.f32 v9, v11  }
0x174: {  	v9 =	vadd.f32 v9, v14;
	v14 =	vadd.f32 v4, v5;
	v4 =	vmul.f32 v13, v46;
	v5 =	vld [tilespmem:$0x1FD10];
	_ =	sdelay $0x1  }
0x175: {  	v16 =	vadd.f32 v16, v4;
	v4 =	vld [tilespmem:$0x1FD60]  }
0x176: {  	v23 =	vmul.f32 v13, v23;
	_ =	sdelay $0x1  }
0x177: {  	v27 =	vmul.f32 v13, v27;
	v23 =	vadd.f32 v6, v23;
	v6 =	vld [tilespmem:$0x1FD20];
	v5 =	vmul.f32 v13, v5;
	_ =	sdelay $0x1  }
0x178: {  	v15 =	vadd.f32 v15, v27;
	v27 =	vadd.f32 v17, v5;
	v17 =	vmul.f32 v10, v4;
	v4 =	vld [tilespmem:$0x1FD70]  }
0x179: {  	v25 =	vld [tilespmem:$0x1FCE0]  }
0x17a: {  	v24 =	vld [tilespmem:$0x1FCD0]  }
0x17b: {  	v30 =	vld [tilespmem:$0x1FD40];
	v6 =	vmul.f32 v13, v6  }
0x17c: {  	v26 =	vld [tilespmem:$0x1FCF0]  }
0x17d: {  	v31 =	vadd.f32 v18, v6;
	v18 =	vmul.f32 v10, v4;
	v4 =	vld [tilespmem:$0x1FD80]  }
0x17e: {  	v28 =	vld [tilespmem:$0x1FD30];
	v25 =	vmul.f32 v13, v25  }
0x17f: {  	v34 =	vld [tilespmem:$0x1FD50]  }
0x180: {  	v30 =	vmul.f32 v13, v30;
	v25 =	vadd.f32 v8, v25;
	v8 =	vmul.f32 v13, v35  }
0x181: {  	v24 =	vmul.f32 v13, v24;
	v26 =	vmul.f32 v13, v26  }
0x182: {  	v6 =	vadd.f32 v21, v8;
	v8 =	vadd.f32 v22, v30;
	v22 =	vmul.f32 v10, v4;
	v4 =	vld [tilespmem:$0x1FD90]  }
0x183: {  	v28 =	vmul.f32 v13, v28;
	v12 =	vadd.f32 v12, v26  }
0x184: {  	v26 =	vmul.f32 v10, v34;
	v24 =	vadd.f32 v7, v24;
	v7 =	vmul.f32 v13, v40  }
0x185: {  	v29 =	vmul.f32 v13, v42;
	v13 =	vmul.f32 v13, v37  }
0x186: {  	v32 =	vmul.f32 v10, v43;
	v26 =	vadd.f32 v14, v26;
	v5 =	vadd.f32 v20, v7  }
0x187: {  	v7 =	vadd.f32 v11, v29;
	v29 =	vmul.f32 v10, v4;
	v4 =	vadd.f32 v9, v13;
	v9 =	vld [tilespmem:$0x1FDA0]  }
0x188: {  	v33 =	vmul.f32 v10, v44;
	v28 =	vadd.f32 v19, v28;
	v34 =	vmul.f32 v10, v45  }
0x189: {  	p0 =	sne.s32 s19, $0x7F0;
	v19 =	vmul.f32 v10, v50;
	v54 =	vmin.f32 v54, v26;
	v11 =	vmul.f32 v10, v38  }
.Ltmp2:
0x18a: {  	v20 =	vmul.f32 v10, v49;
	v23 =	vadd.f32 v23, v17;
	v17 =	vmul.f32 v10, v51;
	(pc) =	sbr.rel @p0 .LBB2_7-.Ltmp2, $4  }
0x18b: {  	v21 =	vmul.f32 v10, v48;
	v14 =	vadd.f32 v24, v18;
	v13 =	vadd.f32 v25, v11  }
0x18c: {  	v11 =	vadd.f32 v27, v32;
	v30 =	vmul.f32 v10, v9;
	v9 =	vadd.f32 v12, v22  }
0x18d: {  	s17 =	sadd.s32 $0x40, s17;
	v53 =	vmin.f32 v53, v23;
	v12 =	vadd.f32 v15, v29;
	v15 =	vadd.f32 v31, v33  }
0x18e: {  	s1 =	sand.u32 $0x70, s19;
	s2 =	sand.u32 $0x1E00, s17;
	s19 =	sadd.s32 $0x10, s19;
	v18 =	vmul.f32 v10, v36;
	v10 =	vadd.f32 v16, v30;
	v16 =	vadd.f32 v28, v34  }
0x18f: {  	v32 =	vld [tilespmem:$0x1FBC0]  }
0x190: {  	v34 =	vld [tilespmem:$0x1FBD0]  }
0x191: {  	v14 =	vmin.f32 v56, v14;
	v56 =	vld [tilespmem:$0x1FC10]  }
0x192: {  	v11 =	vmin.f32 v57, v11;
	v57 =	vld [tilespmem:$0x1FC20]  }
0x193: {  	v24 =	vld [tilespmem:$0x1FC30]  }
0x194: {  	v25 =	vld [tilespmem:$0x1FC40]  }
0x195: {  	s1 =	sor.u32 s1, s2;
	v26 =	vld [tilespmem:$0x1FC50]  }
0x196: {  	v22 =	vld [tilespmem:s1+$0x0]  }
0x197: {  	v23 =	vld [tilespmem:s1+$0x80]  }
0x198: {  	v5 =	vadd.f32 v5, v21;
	v0 =	vmin.f32 v0, v9;
	v9 =	vmin.f32 v1, v12;
	v12 =	vld [tilespmem:s1+$0x100]  }
0x199: {  	v7 =	vadd.f32 v7, v20;
	v8 =	vadd.f32 v8, v19;
	v15 =	vmin.f32 v58, v15;
	v58 =	vld [tilespmem:$0x1FC60]  }
0x19a: {  	v13 =	vmin.f32 v41, v13;
	v4 =	vadd.f32 v4, v17;
	v21 =	vld [tilespmem:s1+$0x180];
	v6 =	vadd.f32 v6, v18  }
0x19b: {  	v10 =	vmin.f32 v60, v10;
	v16 =	vmin.f32 v62, v16;
	v60 =	vld [tilespmem:$0x1FC80];
	v5 =	vmin.f32 v63, v5  }
0x19c: {  	v62 =	vld [tilespmem:$0x1FCA0];
	v7 =	vmin.f32 v59, v7;
	v28 =	vmul.f32 v22, v52;
	v30 =	vmul.f32 v23, v47  }
0x19d: {  	v59 =	vld [tilespmem:$0x1FC70];
	v2 =	vmin.f32 v2, v6;
	v6 =	vmul.f32 v22, v32;
	v33 =	vmul.f32 v12, v39  }
0x19e: {  	v41 =	vmin.f32 v61, v4;
	v4 =	vmul.f32 v22, v34;
	v39 =	vld [tilespmem:$0x1FBE0];
	v19 =	vmul.f32 v22, v56  }
0x19f: {  	v1 =	vmin.f32 v3, v8;
	v47 =	vld [tilespmem:$0x1FBF0];
	v20 =	vmul.f32 v22, v57;
	v24 =	vmul.f32 v22, v24  }
0x1a0: {  	v52 =	vld [tilespmem:$0x1FC00];
	v25 =	vmul.f32 v22, v25;
	v27 =	vmul.f32 v22, v26;
	v29 =	vadd.f32 v21, v28  }
0x1a1: {  	v32 =	vld [tilespmem:$0x1FCC0];
	v34 =	vmul.f32 v12, v50;
	v6 =	vadd.f32 v21, v6;
	v4 =	vadd.f32 v21, v4  }
0x1a2: {  	v61 =	vld [tilespmem:$0x1FC90];
	v28 =	vmul.f32 v22, v58;
	v19 =	vadd.f32 v21, v19;
	v20 =	vadd.f32 v21, v20  }
0x1a3: {  	v24 =	vadd.f32 v21, v24;
	v31 =	vadd.f32 v29, v30;
	v29 =	vmul.f32 v22, v59  }
0x1a4: {  	v63 =	vadd.f32 v21, v25;
	v30 =	vmul.f32 v22, v60;
	v17 =	vmul.f32 v22, v39  }
0x1a5: {  	v56 =	vld [tilespmem:$0x1FCF0];
	v28 =	vadd.f32 v21, v28;
	v8 =	vmul.f32 v22, v47;
	v18 =	vmul.f32 v22, v52  }
0x1a6: {  	v39 =	vadd.f32 v21, v27;
	v32 =	vmul.f32 v23, v32;
	v52 =	vld [tilespmem:$0x1FCD0];
	v3 =	vadd.f32 v31, v33  }
0x1a7: {  	v47 =	vld [tilespmem:$0x1FCB0];
	v31 =	vmul.f32 v22, v61;
	v22 =	vmul.f32 v22, v62;
	v29 =	vadd.f32 v21, v29  }
0x1a8: {  	v57 =	vld [tilespmem:$0x1FD00];
	v30 =	vadd.f32 v21, v30;
	v33 =	vmul.f32 v23, v46;
	v61 =	vmul.f32 v23, v40  }
0x1a9: {  	v17 =	vadd.f32 v21, v17;
	v8 =	vadd.f32 v21, v8;
	v26 =	vmin.f32 v55, v3;
	v55 =	vld [tilespmem:$0x1FCE0]  }
0x1aa: {  	v59 =	vld [tilespmem:$0x1FD20];
	v18 =	vadd.f32 v21, v18;
	v4 =	vadd.f32 v4, v32;
	v32 =	vmul.f32 v23, v56  }
0x1ab: {  	v58 =	vld [tilespmem:$0x1FD10];
	v31 =	vadd.f32 v21, v31;
	v21 =	vadd.f32 v21, v22;
	v22 =	vmul.f32 v23, v52  }
0x1ac: {  	v62 =	vmul.f32 v23, v42;
	v20 =	vadd.f32 v20, v33;
	v27 =	vmul.f32 v23, v47  }
0x1ad: {  	v60 =	vld [tilespmem:$0x1FD30];
	v18 =	vadd.f32 v18, v32;
	v17 =	vadd.f32 v17, v22;
	v22 =	vmul.f32 v23, v57  }
0x1ae: {  	v52 =	vmul.f32 v12, v38;
	v6 =	vadd.f32 v6, v27;
	v27 =	vmul.f32 v23, v55  }
0x1af: {  	v42 =	vld [tilespmem:$0x1FD50];
	v19 =	vadd.f32 v19, v22;
	v22 =	vmul.f32 v23, v59;
	v59 =	vmul.f32 v12, v44  }
0x1b0: {  	v8 =	vadd.f32 v8, v27;
	v27 =	vmul.f32 v23, v58;
	v58 =	vmul.f32 v12, v43  }
0x1b1: {  	v3 =	vadd.f32 v63, v22;
	v63 =	vmul.f32 v23, v35;
	v22 =	vadd.f32 v29, v62  }
0x1b2: {  	v55 =	vld [tilespmem:$0x1FD80];
	v62 =	vmul.f32 v12, v49;
	v24 =	vadd.f32 v24, v27;
	v27 =	vmul.f32 v23, v60  }
0x1b3: {  	v8 =	vadd.f32 v8, v52;
	v60 =	vmul.f32 v12, v45;
	v40 =	vadd.f32 v30, v63  }
0x1b4: {  	v57 =	vld [tilespmem:$0x1FDA0];
	v30 =	vmul.f32 v12, v42;
	v3 =	vadd.f32 v3, v59;
	v22 =	vadd.f32 v22, v62  }
0x1b5: {  	v63 =	vmul.f32 v12, v36;
	v25 =	vadd.f32 v39, v27;
	v27 =	vadd.f32 v28, v61;
	v39 =	vld [tilespmem:$0x1FD40]  }
0x1b6: {  	v36 =	vld [tilespmem:$0x1FDB0];
	v61 =	vmul.f32 v12, v48;
	v24 =	vadd.f32 v24, v58;
	v8 =	vmin.f32 v13, v8  }
0x1b7: {  	v47 =	vld [tilespmem:$0x1FD70];
	v6 =	vadd.f32 v6, v30;
	v30 =	vmul.f32 v12, v55;
	v3 =	vmin.f32 v15, v3  }
0x1b8: {  	v46 =	vld [tilespmem:$0x1FD60];
	v7 =	vmin.f32 v7, v22;
	v32 =	vadd.f32 v25, v60;
	v35 =	vadd.f32 v27, v61  }
0x1b9: {  	v56 =	vld [tilespmem:$0x1FD90];
	v11 =	vmin.f32 v11, v24;
	v18 =	vadd.f32 v18, v30;
	v30 =	vmul.f32 v12, v57  }
0x1ba: {  	v6 =	vmin.f32 v54, v6;
	v28 =	vmul.f32 v23, v39;
	v23 =	vmul.f32 v23, v37  }
0x1bb: {  	(v2sf) =	vpush v36, $0x0;
	v5 =	vmin.f32 v5, v35;
	v20 =	vadd.f32 v20, v30  }
0x1bc: {  	(v2sf) =	vpush v36, $0x1;
	v21 =	vadd.f32 v21, v23;
	v23 =	vmul.f32 v12, v47  }
0x1bd: {  	(v2sf) =	vpush v36, $0x2;
	v28 =	vadd.f32 v31, v28;
	v31 =	vmul.f32 v12, v46  }
0x1be: {  	v17 =	vadd.f32 v17, v23;
	v23 =	vmul.f32 v12, v56;
	v12 =	vmul.f32 v12, v51  }
0x1bf: {  	v37 =	vadd.f32 v40, v63;
	v18 =	vmin.f32 v0, v18;
	(v2sf) =	vpush v36, $0x3  }
0x1c0: {  	v40 =	vmin.f32 v16, v32;
	(v2sf) =	vpush v36, $0x4;
	v0 =	vadd.f32 v21, v12;
	v21 =	vld [tilespmem:$0x1FFC0]  }
0x1c1: {  	v10 =	vmin.f32 v10, v20;
	v4 =	vadd.f32 v4, v31;
	(v2sf) =	vpush v36, $0x5  }
0x1c2: {  	v2 =	vmin.f32 v2, v37;
	v38 =	vadd.f32 v28, v34;
	(v2sf) =	vpush v36, $0x6  }
0x1c3: {  	v19 =	vadd.f32 v19, v23;
	v4 =	vmin.f32 v53, v4;
	(v2sf) =	vpush v36, $0x7  }
0x1c4: {  	v14 =	vmin.f32 v14, v17;
	v1 =	vmin.f32 v1, v38;
	(v2sf) =	vpush v36, $0x8  }
0x1c5: {  	v9 =	vmin.f32 v9, v19;
	(v2sf) =	vpush v36, $0x9;
	v39 =	vperm.xlane v6, v21  }
0x1c6: {  	v0 =	vmin.f32 v41, v0;
	v43 =	vperm.xlane v4, v21;
	v44 =	vperm.xlane v14, v21  }
0x1c7: {  	(v2sf) =	vpush v36, $0xA;
	v46 =	vperm.xlane v8, v21;
	v50 =	vperm.xlane v18, v21  }
0x1c8: {  	(v2sf) =	vpush v36, $0xB;
	v51 =	vperm.xlane v9, v21;
	v57 =	vperm.xlane v10, v21  }
0x1c9: {  	v20 =	vld [tilespmem:$0x1FFD0];
	(v2sf) =	vpush v36, $0xC;
	v24 =	vperm.xlane v3, v21;
	v27 =	vperm.xlane v40, v21  }
0x1ca: {  	v29 =	vperm.xlane v5, v21;
	(v2sf) =	vpush v36, $0xD;
	v6 =	vmin.f32 v6, v39  }
0x1cb: {  	v4 =	vmin.f32 v4, v43;
	v14 =	vmin.f32 v14, v44;
	(v2sf) =	vpush v36, $0xE  }
0x1cc: {  	v8 =	vmin.f32 v8, v46;
	v13 =	vmin.f32 v18, v50;
	v9 =	vmin.f32 v9, v51  }
0x1cd: {  	v60 =	vmin.f32 v10, v57;
	v39 =	vperm.xlane v7, v21;
	v51 =	vperm.xlane v0, v21  }
0x1ce: {  	v3 =	vmin.f32 v3, v24;
	v42 =	vperm.xlane v6, v20;
	v16 =	vperm.xlane v4, v20  }
0x1cf: {  	v30 =	vmin.f32 v40, v27;
	v45 =	vperm.xlane v14, v20;
	v49 =	vperm.xlane v8, v20  }
0x1d0: {  	v22 =	vld [tilespmem:$0x1FFE0];
	v5 =	vmin.f32 v5, v29;
	v54 =	vperm.xlane v13, v20;
	v56 =	vperm.xlane v9, v20  }
0x1d1: {  	(v2sf) =	vpush v36, $0xF;
	v62 =	vperm.xlane v60, v20;
	v31 =	vperm.xlane v3, v20  }
0x1d2: {  	v32 =	vperm.xlane v30, v20;
	v34 =	vperm.xlane v5, v20;
	v7 =	vmin.f32 v7, v39  }
0x1d3: {  	v6 =	vmin.f32 v6, v42;
	v4 =	vmin.f32 v4, v16;
	v14 =	vmin.f32 v14, v45  }
0x1d4: {  	v23 =	vld [tilespmem:$0x1FFF0];
	v13 =	vmin.f32 v13, v54;
	v43 =	vperm.xlane v7, v20;
	v45 =	vperm.xlane v2, v21  }
0x1d5: {  	v3 =	vmin.f32 v3, v31;
	v54 =	vperm.xlane v26, v21;
	v15 =	vperm.xlane v6, v22  }
0x1d6: {  	v35 =	vmin.f32 v30, v32;
	v16 =	vperm.xlane v4, v22;
	v48 =	vperm.xlane v14, v22  }
0x1d7: {  	v5 =	vmin.f32 v5, v34;
	v59 =	vperm.xlane v13, v22;
	v36 =	vperm.xlane v3, v22  }
0x1d8: {  	v37 =	vperm.xlane v35, v22;
	v38 =	vperm.xlane v5, v22;
	v6 =	vmin.f32 v6, v15  }
0x1d9: {  	v2 =	vmin.f32 v2, v45;
	v4 =	vmin.f32 v4, v16;
	v15 =	vperm.xlane v6, v23  }
0x1da: {  	v14 =	vmin.f32 v14, v48;
	v16 =	vperm.xlane v11, v21;
	v3 =	vmin.f32 v3, v36  }
0x1db: {  	v5 =	vmin.f32 v5, v38;
	v47 =	vperm.xlane v4, v23;
	v6 =	vmin.f32 v6, v15  }
0x1dc: {  	s1 =	spop (v2sf);
	v52 =	vperm.xlane v14, v23;
	(v2sf) =	vpush v6, $0x0;
	v6 =	vmin.f32 v8, v49  }
0x1dd: {  	s2 =	spop (v2sf);
	v50 =	vperm.xlane v2, v20;
	v10 =	vmin.f32 v11, v16;
	v53 =	vperm.xlane v6, v22  }
0x1de: {  	s31 =	spop (v2sf);
	v4 =	vmin.f32 v4, v47;
	v55 =	vmin.f32 v14, v52;
	v8 =	vmin.f32 v9, v56  }
0x1df: {  	s30 =	spop (v2sf);
	(v2sf) =	vpush v4, $0x0;
	v61 =	vperm.xlane v8, v22;
	v6 =	vmin.f32 v6, v53  }
0x1e0: {  	s29 =	spop (v2sf);
	v19 =	vperm.xlane v10, v20;
	v9 =	vmin.f32 v13, v59;
	v58 =	vperm.xlane v6, v23  }
0x1e1: {  	s28 =	spop (v2sf);
	v63 =	vperm.xlane v9, v23;
	(v2sf) =	vpush v55, $0x0;
	v8 =	vmin.f32 v8, v61  }
0x1e2: {  	s25 =	spop (v2sf);
	v4 =	vmin.f32 v60, v62;
	v17 =	vperm.xlane v8, v23;
	v6 =	vmin.f32 v6, v58  }
0x1e3: {  	v40 =	vperm.xlane v3, v23;
	s22 =	spop (v2sf);
	v18 =	vperm.xlane v4, v22;
	(v2sf) =	vpush v6, $0x0  }
0x1e4: {  	s17 =	spop (v2sf);
	v9 =	vmin.f32 v9, v63;
	v6 =	vmin.f32 v8, v17;
	v8 =	vmin.f32 v10, v19  }
0x1e5: {  	s18 =	spop (v2sf);
	v4 =	vmin.f32 v4, v18;
	(v2sf) =	vpush v9, $0x0;
	v28 =	vperm.xlane v8, v22  }
0x1e6: {  	v0 =	vmin.f32 v0, v51;
	v42 =	vperm.xlane v5, v23;
	s23 =	spop (v2sf);
	v25 =	vperm.xlane v4, v23  }
0x1e7: {  	v2 =	vmin.f32 v2, v50;
	s19 =	spop (v2sf);
	(v2sf) =	vpush v6, $0x0;
	v8 =	vmin.f32 v8, v28  }
0x1e8: {  	v3 =	vmin.f32 v3, v40;
	s20 =	spop (v2sf);
	v4 =	vmin.f32 v4, v25;
	v33 =	vperm.xlane v8, v23  }
0x1e9: {  	v46 =	vmin.f32 v5, v42;
	v47 =	vmin.f32 v7, v43;
	s24 =	spop (v2sf);
	(v2sf) =	vpush v4, $0x0  }
0x1ea: {  	v49 =	vperm.xlane v1, v21;
	s26 =	spop (v2sf);
	v4 =	vmin.f32 v35, v37;
	v6 =	vmin.f32 v8, v33  }
0x1eb: {  	v48 =	vperm.xlane v47, v22;
	s21 =	spop (v2sf);
	v8 =	vperm.xlane v4, v23;
	(v2sf) =	vpush v6, $0x0  }
0x1ec: {  	v1 =	vmin.f32 v1, v49;
	v55 =	vperm.xlane v0, v20;
	(v2sf) =	vpush v3, $0x0;
	s11 =	spop (v2sf)  }
0x1ed: {  	v52 =	vperm.xlane v1, v20;
	v53 =	vperm.xlane v2, v22;
	v44 =	vmin.f32 v4, v8;
	s1 =	sadd.f32 s11, s1  }
0x1ee: {  	v5 =	vmin.f32 v47, v48;
	v0 =	vmin.f32 v0, v55;
	(v2sf) =	vpush v44, $0x0;
	s11 =	spop (v2sf)  }
0x1ef: {  	v1 =	vmin.f32 v1, v52;
	v2 =	vmin.f32 v2, v53;
	v6 =	vperm.xlane v5, v23;
	s2 =	sadd.f32 s11, s2;
	s1 =	smax.f32 s1, $0.0e+00  }
0x1f0: {  	v56 =	vperm.xlane v1, v22;
	v7 =	vperm.xlane v2, v23;
	(v2sf) =	vpush v46, $0x0;
	s11 =	spop (v2sf);
	s1 =	sadd.f32 s1, s16  }
0x1f1: {  	v58 =	vperm.xlane v0, v22;
	v4 =	vmin.f32 v26, v54;
	v5 =	vmin.f32 v5, v6;
	s11 =	sadd.f32 s11, s31;
	s2 =	smax.f32 s2, $0.0e+00  }
0x1f2: {  	v1 =	vmin.f32 v1, v56;
	v57 =	vperm.xlane v4, v20;
	(v2sf) =	vpush v5, $0x0;
	s1 =	sadd.f32 s2, s1;
	s16 =	spop (v2sf)  }
0x1f3: {  	v2 =	vmin.f32 v2, v7;
	v59 =	vperm.xlane v1, v23;
	s11 =	smax.f32 s11, $0.0e+00;
	s2 =	sadd.f32 s16, s30  }
0x1f4: {  	v0 =	vmin.f32 v0, v58;
	v3 =	vmin.f32 v4, v57;
	(v2sf) =	vpush v2, $0x0;
	s1 =	sadd.f32 s11, s1;
	s31 =	spop (v2sf)  }
0x1f5: {  	v61 =	vperm.xlane v0, v23;
	v1 =	vmin.f32 v1, v59;
	v60 =	vperm.xlane v3, v22;
	s11 =	sadd.f32 s31, s29;
	s2 =	smax.f32 s2, $0.0e+00  }
0x1f6: {  	s16 =	spop (v2sf);
	(v2sf) =	vpush v1, $0x0;
	s1 =	sadd.f32 s2, s1  }
0x1f7: {  	v0 =	vmin.f32 v0, v61;
	v62 =	vmin.f32 v3, v60;
	s11 =	smax.f32 s11, $0.0e+00;
	s2 =	sadd.f32 s16, s28  }
0x1f8: {  	v2 =	vperm.xlane v62, v23;
	s29 =	spop (v2sf);
	(v2sf) =	vpush v0, $0x0;
	s1 =	sadd.f32 s11, s1  }
0x1f9: {  	s2 =	smax.f32 s2, $0.0e+00;
	s11 =	sadd.f32 s29, s25  }
0x1fa: {  	v63 =	vmin.f32 v62, v2;
	s30 =	spop (v2sf);
	s1 =	sadd.f32 s2, s1  }
0x1fb: {  	(v2sf) =	vpush v63, $0x0;
	s2 =	sadd.f32 s30, s22;
	s31 =	spop (v2sf)  }
0x1fc: {  	s11 =	smax.f32 s11, $0.0e+00;
	s16 =	sadd.f32 s31, s17  }
0x1fd: {  	s17 =	spop (v2sf);
	s1 =	sadd.f32 s11, s1  }
0x1fe: {  	s2 =	smax.f32 s2, $0.0e+00;
	s25 =	sadd.f32 s17, s18  }
0x1ff: {  	s28 =	spop (v2sf);
	s1 =	sadd.f32 s2, s1  }
0x200: {  	s22 =	smax.f32 s16, $0.0e+00;
	s30 =	sadd.f32 s28, s23  }
0x201: {  	s31 =	spop (v2sf);
	s1 =	sadd.f32 s22, s1  }
0x202: {  	s29 =	smax.f32 s25, $0.0e+00;
	s17 =	sadd.f32 s31, s19  }
0x203: {  	s18 =	spop (v2sf);
	s1 =	sadd.f32 s29, s1  }
0x204: {  	s11 =	smax.f32 s30, $0.0e+00;
	s20 =	sadd.f32 s18, s20  }
0x205: {  	s22 =	spop (v2sf);
	s1 =	sadd.f32 s11, s1  }
0x206: {  	s19 =	smax.f32 s17, $0.0e+00;
	s25 =	sadd.f32 s22, s24  }
0x207: {  	s28 =	spop (v2sf);
	s1 =	sadd.f32 s19, s1  }
0x208: {  	s23 =	smax.f32 s20, $0.0e+00;
	s30 =	sadd.f32 s28, s26  }
0x209: {  	s15 =	sadd.s32 $0x1, s15;
	s1 =	sadd.f32 s23, s1  }
0x20a: {  	p0 =	sne.s32 s15, $0x20;
	s29 =	smax.f32 s25, $0.0e+00;
	s31 =	spop (v2sf)  }
.Ltmp3:
0x20b: {  	s1 =	sadd.f32 s29, s1;
	(pc) =	sbr.rel @p0 .LBB2_6-.Ltmp3, $4  }
0x20c: {  	s11 =	smax.f32 s30, $0.0e+00;
	s2 =	sadd.f32 s31, s21  }
0x20d: {  	s1 =	sadd.f32 s11, s1  }
0x20e: {  	s2 =	smax.f32 s2, $0.0e+00  }
0x20f: {  	s16 =	sadd.f32 s2, s1  }
0x210: {  	s1 =	smul.f32 $4.882812500e-04, s13  }
0x211: {  	s2 =	smul.f32 $4.882812500e-04, s16;
	_ =	sdelay $0x1  }
0x212: {  	s1 =	sadd.f32 s2, s1;
	_ =	sdelay $0x1  }
0x213: {  	s1 =	smul.f32 $1.250000000e-01, s1;
	_ =	sdelay $0x1  }
0x214: {  	s1 =	smul.f32 $6.250000000e-02, s1  }
0x215: {  	s12 =	sadd.s32 $0x1, s12  }
0x216: {  	p0 =	sne.s32 s12, s8;
	v0 =	vmov s1  }
.Ltmp4:
0x217: {  	s31 =	simm.s32 $0x2800;
	[tilespmem:$0x2800] =	vst v0;
	(pc) =	sbr.rel @p0 .LBB2_1-.Ltmp4, $4  }
0x218: {  	[hbm4b:s7+s0] =	stream.linear.scatter [tilespmem:s31], [sflag:$0x1], $0x80, $0x38;
	[tilespmem:$0x2880] =	vst v63  }
0x219: {  	_ =	swait.ge [sflag:s9], $0x80  }
0x21a: {  	[sflag:s9] =	ssyncset.done $0x0  }
0x21b: {  	[sflag:s9] =	ssyncadd.s32 $0xFFFFFF80  }
0x21c: {  	_ =	sfence.sel $0x180000  }
0x21d: {  	[bflag:$0x0] =	sbarrier.arrive $0xFFFF  }
0x21e: {  	_ =	strace $0x90000047  }
0x21f: {  	s0 =	stileid.u32;
	[bflag:$0x2] =	sbarrier.arrive $0xFFFF  }
0x220: {  	p0 =	sne.s32 s0, $0x0;
	s0 =	rddreg [dreg:$0x1]  }
0x221: {  	s0 =	sadd.s32 @!p0 $0x100000, s0  }
0x222: {  	[sflag:s0] =	ssyncadd.tile.s32 @!p0 $0x1;
	_ =	shalt  }
.Lfunc_end2:
_tile_overlayer_lowered:
.L_overlay_start_2:
0x223: {  	(tag) =	ssettag $0x2  }
0x224: {  	s0 =	rddreg [dreg:$0x0];
	s2 =	stileid.u32  }
0x225: {  	s1 =	rddreg [dreg:$0x1];
	p0 =	sne.s32 s2, $0x0  }
0x226: {  	s3 =	rddreg [dreg:$0x2];
	[bflag:$0x3] =	sbarrier.arrive $0xFFFF;
	s2 =	simm.s32 @!p0 $0x1C01  }
0x227: {  	[timem:s3], [sflag:s2] =	dma.local @!p0 [hbm:s0], s1  }
0x228: {  	s0 =	simm.s32 @!p0 $0x1  }
0x229: {  	_ =	swait.ge @!p0 [sflag:s0], s1  }
0x22a: {  	s1 =	ssub.s32 @!p0 $0x0, s1;
	[sflag:s0] =	ssyncset.done @!p0 $0x0  }
0x22b: {  	[sflag:s0] =	ssyncadd.s32 @!p0 s1  }
0x22c: {  	[bflag:$0x3] =	sbarrier.arrive $0xFFFF  }
0x22d: {  	_ =	shalt  }

</sc_bundles>
